<compile_context>
chip_gen: v7x
topology: tpu7x:2x2x1
jax: 0.10.2.dev20260603
libtpu: 0.0.44.dev20260713+nightly
codegen_flags: <defaults>
</compile_context>

<pallas_src>
import jax
import jax.numpy as jnp
from jax import lax
from jax.experimental import pallas as pl
from jax.experimental.pallas import tpu as pltpu
from jax.experimental.pallas import tpu_sc as plsc

N = 2048
E = 262144
H = 128
NH = 8
DH = H // NH
ET = 4
ED = 6

F32 = jnp.float32
BF16 = jnp.bfloat16

NC = 2
NS = 16
NW = NC * NS
EDGES_PER_W = E // NW
CHUNK = 64
NCHUNK = EDGES_PER_W // CHUNK
NPAIR = NCHUNK // 2
ROWS = ET * N
ROWS_PER_TILE = ROWS // NS

_DN = (((1,), (1,)), ((), ()))
_DN_STD = (((1,), (0,)), ((), ()))


def _dot_t(a, b):
    return lax.dot_general(a, b, _DN, preferred_element_type=F32)


def _dot(a, b):
    return lax.dot_general(a, b, _DN_STD, preferred_element_type=F32)



def _emb_body(attr_ref, et_ref, t24_ref, w28_ref, belo_ref, out_ref):
    attr = attr_ref[...].astype(BF16)
    atiled = _dot(attr, t24_ref[...].astype(BF16))
    et = et_ref[...]
    i24 = lax.broadcasted_iota(jnp.int32, (1, ET * ED), 1) // ED
    m24 = (et == i24).astype(F32)
    feat = (atiled * m24).astype(BF16)
    i4 = lax.broadcasted_iota(jnp.int32, (1, ET), 1)
    oh = (et == i4).astype(F32)
    f28 = jnp.concatenate([feat, oh.astype(BF16)], axis=1)
    out_ref[...] = (_dot(f28, w28_ref[...].astype(BF16))
                    + _dot(oh, belo_ref[...]))


def _run_emb(edge_attr, etcol, t24, w28, belo, *, interpret=False):
    BE = 4096
    grid = (E // BE,)
    return pl.pallas_call(
        _emb_body,
        grid=grid,
        in_specs=[
            pl.BlockSpec((BE, ED), lambda i: (i, 0)),
            pl.BlockSpec((BE, 1), lambda i: (i, 0)),
            pl.BlockSpec((ED, ET * ED), lambda i: (0, 0)),
            pl.BlockSpec((ET * ED + ET, H), lambda i: (0, 0)),
            pl.BlockSpec((ET, H), lambda i: (0, 0)),
        ],
        out_specs=pl.BlockSpec((BE, H), lambda i: (i, 0)),
        out_shape=jax.ShapeDtypeStruct((E, H), F32),
        interpret=interpret,
    )(edge_attr, etcol, t24, w28, belo)



def _relu_add_chunk(emb_v, xr_v):
    UN = 4

    def _grp(i, _):
        for u in range(UN):
            j = i * UN + u
            for k in range(H // 16):
                s = pl.ds(k * 16, 16)
                emb_v[j, s] = jnp.maximum(emb_v[j, s] + xr_v[j, s], 0.0)
        return 0
    lax.fori_loop(0, CHUNK // UN, _grp, 0)


def _edge_sc_body(x_hbm, srcr_hbm, tidxr_hbm, emb_hbm, out_hbm,
                  src_a, tidx_a, tstage, emb0, emb1, xr0, xr1, aggr_s,
                  se0, se1, sg0, sg1, ss0, ss1):
    cid = lax.axis_index("c")
    sid = lax.axis_index("s")
    wid = sid * NC + cid
    base = wid * EDGES_PER_W

    pltpu.sync_copy(srcr_hbm.at[pl.ds(base, EDGES_PER_W)], src_a)
    pltpu.sync_copy(tidxr_hbm.at[pl.ds(base, EDGES_PER_W)], tidx_a)

    def _z(j, _):
        for k in range(H // 16):
            emb0[j, pl.ds(k * 16, 16)] = jnp.zeros((16,), F32)
        return 0
    lax.fori_loop(0, CHUNK, _z, 0)
    for r in range(ROWS_PER_TILE // CHUNK):
        pltpu.sync_copy(emb0, aggr_s.at[pl.ds(sid * ROWS_PER_TILE + r * CHUNK, CHUNK)])
    plsc.subcore_barrier()

    def _start(g, ebuf, xbuf, esem, gsem):
        off = pl.multiple_of(base + g * CHUNK, CHUNK)
        ce = pltpu.async_copy(emb_hbm.at[pl.ds(off, CHUNK)], ebuf, esem)
        cg = pltpu.async_copy(x_hbm.at[src_a.at[pl.ds(g * CHUNK, CHUNK)]],
                              xbuf, gsem)
        del ce, cg

    def _scatter(g, b, ebuf, ssem):
        for k in range(CHUNK // 16):
            tstage[b, pl.ds(k * 16, 16)] = tidx_a[pl.ds(g * CHUNK + k * 16, 16)]
        c = pltpu.async_copy(ebuf, aggr_s.at[tstage.at[b]], ssem, add=True)
        del c

    _start(0, emb0, xr0, se0, sg0)
    _start(1, emb1, xr1, se1, sg1)

    def _pair(p, _):
        g0 = p * 2

        pltpu.make_async_copy(emb_hbm.at[pl.ds(0, CHUNK)], emb0, se0).wait()
        pltpu.make_async_copy(x_hbm.at[src_a.at[pl.ds(0, CHUNK)]], xr0, sg0).wait()
        _relu_add_chunk(emb0, xr0)
        _scatter(g0, 0, emb0, ss0)

        pltpu.make_async_copy(emb_hbm.at[pl.ds(0, CHUNK)], emb1, se1).wait()
        pltpu.make_async_copy(x_hbm.at[src_a.at[pl.ds(0, CHUNK)]], xr1, sg1).wait()
        _relu_add_chunk(emb1, xr1)
        _scatter(g0 + 1, 1, emb1, ss1)

        @pl.when(p < NPAIR - 1)
        def _():
            pltpu.make_async_copy(emb0, aggr_s.at[tstage.at[0]], ss0).wait()
            _start(g0 + 2, emb0, xr0, se0, sg0)
            pltpu.make_async_copy(emb1, aggr_s.at[tstage.at[1]], ss1).wait()
            _start(g0 + 3, emb1, xr1, se1, sg1)
        return 0

    lax.fori_loop(0, NPAIR, _pair, 0)
    pltpu.make_async_copy(emb0, aggr_s.at[tstage.at[0]], ss0).wait()
    pltpu.make_async_copy(emb1, aggr_s.at[tstage.at[1]], ss1).wait()
    plsc.subcore_barrier()

    row0 = cid * ROWS + sid * ROWS_PER_TILE
    pltpu.sync_copy(aggr_s.at[pl.ds(sid * ROWS_PER_TILE, ROWS_PER_TILE)],
                    out_hbm.at[pl.ds(row0, ROWS_PER_TILE)])


def _run_edge_sc(x, srcr, tidxr, emb):
    mesh = plsc.VectorSubcoreMesh(core_axis_name="c", subcore_axis_name="s")
    fn = pl.kernel(
        _edge_sc_body,
        mesh=mesh,
        out_type=jax.ShapeDtypeStruct((NC * ROWS, H), F32),
        scratch_types=[
            pltpu.VMEM((EDGES_PER_W,), jnp.int32),
            pltpu.VMEM((EDGES_PER_W,), jnp.int32),
            pltpu.VMEM((2, CHUNK), jnp.int32),
            pltpu.VMEM((CHUNK, H), F32),
            pltpu.VMEM((CHUNK, H), F32),
            pltpu.VMEM((CHUNK, H), F32),
            pltpu.VMEM((CHUNK, H), F32),
            pltpu.VMEM_SHARED((ROWS, H), F32),
            pltpu.SemaphoreType.DMA,
            pltpu.SemaphoreType.DMA,
            pltpu.SemaphoreType.DMA,
            pltpu.SemaphoreType.DMA,
            pltpu.SemaphoreType.DMA,
            pltpu.SemaphoreType.DMA,
        ],
    )
    return fn(x, srcr, tidxr, emb)



def _qkv_body(x_ref, w_ref, b_ref, out_ref):
    out_ref[...] = _dot_t(x_ref[...], w_ref[...]) + b_ref[...]


def _run_qkv(x, wqkv, bqkv, *, interpret=False):
    return pl.pallas_call(
        _qkv_body,
        out_shape=jax.ShapeDtypeStruct((N, 3 * H), F32),
        interpret=interpret,
    )(x, wqkv, bqkv)



def _attn_body(q_ref, k_ref, v_ref, bias_ref, out_ref):
    bias = bias_ref[...]
    cols = []
    for h in range(NH):
        s = slice(h * DH, (h + 1) * DH)
        qh = q_ref[:, s] * (1.0 / (DH ** 0.5))
        sc = _dot_t(qh, k_ref[:, s]) + bias
        m = jnp.max(sc, axis=1, keepdims=True)
        e = jnp.exp(sc - m)
        den = jnp.sum(e, axis=1, keepdims=True)
        p = e / den
        cols.append(_dot(p, v_ref[:, s]))
    out_ref[...] = jnp.concatenate(cols, axis=1)


def _run_attn(q, k, v, bias, *, interpret=False):
    BQ = 256
    grid = (N // BQ,)
    return pl.pallas_call(
        _attn_body,
        grid=grid,
        in_specs=[
            pl.BlockSpec((BQ, H), lambda i: (i, 0)),
            pl.BlockSpec((N, H), lambda i: (0, 0)),
            pl.BlockSpec((N, H), lambda i: (0, 0)),
            pl.BlockSpec((BQ, N), lambda i: (i, 0)),
        ],
        out_specs=pl.BlockSpec((BQ, H), lambda i: (i, 0)),
        out_shape=jax.ShapeDtypeStruct((N, H), F32),
        interpret=interpret,
    )(q, k, v, bias)



def _combine_body(x_ref, sc_ref, o_ref, w1_ref, b1_ref, w2_ref, b2_ref,
                  etw_ref, wo_ref, bo_ref, f1_ref, f1b_ref, f2_ref, f2b_ref,
                  gamma_ref, beta_ref, out_ref):
    x = x_ref[...]
    aggr = sc_ref[0:ROWS, :] + sc_ref[ROWS:2 * ROWS, :]

    etw = etw_ref[...]
    ew = jnp.exp(etw - jnp.max(etw))
    w = ew / jnp.sum(ew)

    xm = jnp.zeros((N, H), F32)
    for t in range(ET):
        xa = x + aggr[t * N:(t + 1) * N, :]
        h1 = jnp.maximum(_dot_t(xa, w1_ref[t]) + b1_ref[t:t + 1, :], 0.0)
        ht = _dot_t(h1, w2_ref[t]) + b2_ref[t:t + 1, :]
        xm = xm + w[0:1, t:t + 1] * ht

    xat = _dot_t(o_ref[...], wo_ref[...]) + bo_ref[...]
    cat = jnp.concatenate([xm, xat], axis=1)
    h = jnp.maximum(_dot_t(cat, f1_ref[...]) + f1b_ref[...], 0.0)
    f = _dot_t(h, f2_ref[...]) + f2b_ref[...]
    mu = jnp.mean(f, axis=0, keepdims=True)
    d = f - mu
    var = jnp.mean(d * d, axis=0, keepdims=True)
    fn = d * lax.rsqrt(var + 1e-5) * gamma_ref[...] + beta_ref[...]
    out_ref[...] = x + fn


def _run_combine(x, scout, o, w1, b1, w2, b2, etw2, wo, bo2,
                 f1, f1b2, f2, f2b2, gamma2, beta2, *, interpret=False):
    return pl.pallas_call(
        _combine_body,
        out_shape=jax.ShapeDtypeStruct((N, H), F32),
        interpret=interpret,
    )(x, scout, o, w1, b1, w2, b2, etw2, wo, bo2, f1, f1b2, f2, f2b2,
      gamma2, beta2)



def kernel(x, edge_index, edge_attr, edge_type, bias_matrix,
           We, be, W1, b1, W2, b2, etw,
           Wq, bq, Wk, bk, Wv, bv, Wo, bo,
           F1, f1b, F2, f2b, gamma, beta):
    src = edge_index[0]
    dst = edge_index[1]
    tidx = edge_type * N + dst

    t24 = jnp.tile(jnp.eye(ED, dtype=F32), (1, ET))
    w24 = We.transpose(0, 2, 1).reshape(ET * ED, H)
    w28 = jnp.concatenate([w24, be], axis=0)
    belo = be - lax.reduce_precision(be, 8, 7)
    emb = _run_emb(edge_attr, edge_type[:, None], t24, w28, belo)
    scout = _run_edge_sc(x, src, tidx, emb)

    wqkv = jnp.concatenate([Wq, Wk, Wv], axis=0)
    bqkv = jnp.concatenate([bq, bk, bv])[None, :]
    qkv = _run_qkv(x, wqkv, bqkv)
    q = qkv[:, 0:H]
    k = qkv[:, H:2 * H]
    v = qkv[:, 2 * H:3 * H]
    o = _run_attn(q, k, v, bias_matrix)

    out = _run_combine(
        x, scout, o, W1, b1, W2, b2, etw[None, :], Wo, bo[None, :],
        F1, f1b[None, :], F2, f2b[None, :], gamma[None, :], beta[None, :])
    return out

# --- scband reference (transcript-rebuilt; emitter-appended) ---
"""Pipeline reference for scband-omni-path-guided-gpslayer-17334488006966 (READ-ONLY COPY).

The authoritative reference and input builder live on the scoring server;
editing this copy changes nothing except your own understanding.
"""

import jax, jax.numpy as jnp
import numpy as np

N = 2048
E = 262144
H = 128
NH = 8
ET = 4
ED = 6


def setup_inputs(seed: int = 0) -> dict:
    key = jax.random.key(seed)
    ks = jax.random.split(key, 30)
    def nrm(k, shape, s=0.05):
        return jax.random.normal(k, shape, dtype=jnp.float32) * s
    inp = {}
    inp['x'] = nrm(ks[0], (N, H), 1.0)
    inp['edge_index'] = jax.random.randint(ks[1], (2, E), 0, N, dtype=jnp.int32)
    inp['edge_attr'] = nrm(ks[2], (E, ED), 1.0)
    inp['edge_type'] = jax.random.randint(ks[3], (E,), 0, ET, dtype=jnp.int32)
    inp['bias_matrix'] = nrm(ks[4], (N, N), 1.0)
    # GINEConv params per edge type (stacked): edge lin + 2-layer MLP
    inp['We'] = nrm(ks[5], (ET, H, ED))
    inp['be'] = nrm(ks[6], (ET, H))
    inp['W1'] = nrm(ks[7], (ET, 2 * H, H))
    inp['b1'] = nrm(ks[8], (ET, 2 * H))
    inp['W2'] = nrm(ks[9], (ET, H, 2 * H))
    inp['b2'] = nrm(ks[10], (ET, H))
    inp['etw'] = jnp.ones((ET,), dtype=jnp.float32)
    # MultiheadAttention params
    inp['Wq'] = nrm(ks[11], (H, H))
    inp['bq'] = nrm(ks[12], (H,))
    inp['Wk'] = nrm(ks[13], (H, H))
    inp['bk'] = nrm(ks[14], (H,))
    inp['Wv'] = nrm(ks[15], (H, H))
    inp['bv'] = nrm(ks[16], (H,))
    inp['Wo'] = nrm(ks[17], (H, H))
    inp['bo'] = nrm(ks[18], (H,))
    # FFN params
    inp['F1'] = nrm(ks[19], (4 * H, 2 * H))
    inp['f1b'] = nrm(ks[20], (4 * H,))
    inp['F2'] = nrm(ks[21], (H, 4 * H))
    inp['f2b'] = nrm(ks[22], (H,))
    inp['gamma'] = jnp.ones((H,), dtype=jnp.float32)
    inp['beta'] = jnp.zeros((H,), dtype=jnp.float32)
    return inp


def reference(x, edge_index, edge_attr, edge_type, bias_matrix,
              We, be, W1, b1, W2, b2, etw,
              Wq, bq, Wk, bk, Wv, bv, Wo, bo,
              F1, f1b, F2, f2b, gamma, beta):
    Nn, Hd = x.shape
    src = edge_index[0]
    dst = edge_index[1]
    x_j = x[src]  # gather over src nodes [E, H]
    # Per-edge-type GINEConv: out = MLP((1+eps)*x + sum_{j->i} ReLU(x_j + lin(e_ij))), eps=0
    outs = []
    for t in range(We.shape[0]):
        e_emb = edge_attr @ We[t].T + be[t]
        msg = jax.nn.relu(x_j + e_emb)
        m = (edge_type == t).astype(x.dtype)[:, None]
        aggr = jax.ops.segment_sum(msg * m, dst, num_segments=Nn)
        h = x + aggr
        h = jax.nn.relu(h @ W1[t].T + b1[t]) @ W2[t].T + b2[t]
        outs.append(h)
    xm = jnp.stack(outs)  # [ET, N, H]
    w = jax.nn.softmax(etw)
    x_mpnn = (xm * w[:, None, None]).sum(axis=0)
    # Guided multi-head attention: batch=1 sequence of N nodes, attn_mask = bias_matrix
    dh = Hd // NH
    q = (x @ Wq.T + bq).reshape(Nn, NH, dh).transpose(1, 0, 2)
    k = (x @ Wk.T + bk).reshape(Nn, NH, dh).transpose(1, 0, 2)
    v = (x @ Wv.T + bv).reshape(Nn, NH, dh).transpose(1, 0, 2)
    scores = jnp.einsum('hnd,hmd->hnm', q, k) / np.sqrt(dh).astype(np.float32)
    scores = scores + bias_matrix[None, :, :]
    attn = jax.nn.softmax(scores, axis=-1)
    o = jnp.einsum('hnm,hmd->hnd', attn, v).transpose(1, 0, 2).reshape(Nn, Hd)
    x_attn = o @ Wo.T + bo
    # FFN on concat + BatchNorm1d (batch statistics) + residual
    cat = jnp.concatenate([x_mpnn, x_attn], axis=1)
    f = jax.nn.relu(cat @ F1.T + f1b) @ F2.T + f2b
    mu = f.mean(axis=0)
    var = f.var(axis=0)
    f = (f - mu) / jnp.sqrt(var + 1e-5) * gamma + beta
    return x + f

if __name__ == "__main__":
    import jax
    _d = setup_inputs()
    print(jax.jit(kernel)(*tuple(_d.values())))

</pallas_src>

<mosaic_0001>
#map = affine_map<(d0, d1) -> (0, 0)>
#map1 = affine_map<(d0, d1) -> (0)>
module attributes {stable_mosaic.version = 14 : i64} {
  func.func @_edge_sc_body(%arg0: i32, %arg1: i32, %arg2: memref<2048x128xf32, #tpu.memory_space<hbm>>, %arg3: memref<262144xi32, #tpu.memory_space<hbm>>, %arg4: memref<262144xi32, #tpu.memory_space<hbm>>, %arg5: memref<262144x128xf32, #tpu.memory_space<hbm>>, %arg6: memref<16384x128xf32, #tpu.memory_space<hbm>>, %arg7: memref<8192xi32, #tpu.memory_space<vmem>>, %arg8: memref<8192xi32, #tpu.memory_space<vmem>>, %arg9: memref<2x64xi32, #tpu.memory_space<vmem>>, %arg10: memref<64x128xf32, #tpu.memory_space<vmem>>, %arg11: memref<64x128xf32, #tpu.memory_space<vmem>>, %arg12: memref<64x128xf32, #tpu.memory_space<vmem>>, %arg13: memref<64x128xf32, #tpu.memory_space<vmem>>, %arg14: memref<8192x128xf32, #tpu.memory_space<vmem_shared>>, %arg15: memref<!tpu.dma_semaphore, #tpu.memory_space<semaphore_mem>>, %arg16: memref<!tpu.dma_semaphore, #tpu.memory_space<semaphore_mem>>, %arg17: memref<!tpu.dma_semaphore, #tpu.memory_space<semaphore_mem>>, %arg18: memref<!tpu.dma_semaphore, #tpu.memory_space<semaphore_mem>>, %arg19: memref<!tpu.dma_semaphore, #tpu.memory_space<semaphore_mem>>, %arg20: memref<!tpu.dma_semaphore, #tpu.memory_space<semaphore_mem>>) attributes {dimension_semantics = [#tpu.dimension_semantics<core_parallel>, #tpu.dimension_semantics<subcore_parallel>], iteration_bounds = array<i64: 2, 16>, scalar_prefetch = 0 : i64, scratch_operands = 14 : i64, tpu.core_type = #tpu.core_type<sc_vector_subcore>, window_params = [{transform_indices = #map}, {transform_indices = #map1}, {transform_indices = #map1}, {transform_indices = #map}, {transform_indices = #map}]} {
    %mul3A = arith.constant 2 : i32
    %mul3A_0 = arith.muli %arg1, %mul3A : i32
    %add3A = arith.addi %mul3A_0, %arg0 : i32
    %mul3A_1 = arith.constant 8192 : i32
    %mul3A_2 = arith.muli %add3A, %mul3A_1 : i32
    "tpu.region"() ({
      %run_scoped3A = tpu.sem_alloc : memref<!tpu.dma_semaphore, #tpu.memory_space<semaphore_mem>>
      %dma_start3A_91 = tpu.memref_slice %arg3[%mul3A_2] : memref<262144xi32, #tpu.memory_space<hbm>> -> memref<8192xi32, #tpu.memory_space<hbm>>
      %dma_start3A_92 = tpu.memref_slice %arg3[%mul3A_2] : memref<262144xi32, #tpu.memory_space<hbm>> -> memref<8192xi32, #tpu.memory_space<hbm>>
      tpu.enqueue_dma source(%dma_start3A_92 : memref<8192xi32, #tpu.memory_space<hbm>>) target(%arg7 : memref<8192xi32, #tpu.memory_space<vmem>>) target_semaphore(%run_scoped3A : memref<!tpu.dma_semaphore, #tpu.memory_space<semaphore_mem>>)
      %dma_wait3A_93 = tpu.memref_slice %arg3[%mul3A_2] : memref<262144xi32, #tpu.memory_space<hbm>> -> memref<8192xi32, #tpu.memory_space<hbm>>
      %dma_wait3A_94 = tpu.memref_slice %arg3[%mul3A_2] : memref<262144xi32, #tpu.memory_space<hbm>> -> memref<8192xi32, #tpu.memory_space<hbm>>
      tpu.wait_dma2 semaphore(%run_scoped3A : memref<!tpu.dma_semaphore, #tpu.memory_space<semaphore_mem>>) src(%dma_wait3A_94 : memref<8192xi32, #tpu.memory_space<hbm>>) dst(%arg7 : memref<8192xi32, #tpu.memory_space<vmem>>)
      tpu.yield
    }) : () -> ()
    "tpu.region"() ({
      %run_scoped3A = tpu.sem_alloc : memref<!tpu.dma_semaphore, #tpu.memory_space<semaphore_mem>>
      %dma_start3A_91 = tpu.memref_slice %arg4[%mul3A_2] : memref<262144xi32, #tpu.memory_space<hbm>> -> memref<8192xi32, #tpu.memory_space<hbm>>
      %dma_start3A_92 = tpu.memref_slice %arg4[%mul3A_2] : memref<262144xi32, #tpu.memory_space<hbm>> -> memref<8192xi32, #tpu.memory_space<hbm>>
      tpu.enqueue_dma source(%dma_start3A_92 : memref<8192xi32, #tpu.memory_space<hbm>>) target(%arg8 : memref<8192xi32, #tpu.memory_space<vmem>>) target_semaphore(%run_scoped3A : memref<!tpu.dma_semaphore, #tpu.memory_space<semaphore_mem>>)
      %dma_wait3A_93 = tpu.memref_slice %arg4[%mul3A_2] : memref<262144xi32, #tpu.memory_space<hbm>> -> memref<8192xi32, #tpu.memory_space<hbm>>
      %dma_wait3A_94 = tpu.memref_slice %arg4[%mul3A_2] : memref<262144xi32, #tpu.memory_space<hbm>> -> memref<8192xi32, #tpu.memory_space<hbm>>
      tpu.wait_dma2 semaphore(%run_scoped3A : memref<!tpu.dma_semaphore, #tpu.memory_space<semaphore_mem>>) src(%dma_wait3A_94 : memref<8192xi32, #tpu.memory_space<hbm>>) dst(%arg8 : memref<8192xi32, #tpu.memory_space<vmem>>)
      tpu.yield
    }) : () -> ()
    %scan3A = arith.constant 0 : i32
    %scan3A_3 = arith.constant 0 : i32
    %scan3A_4 = arith.constant 64 : i32
    %scan3A_5 = arith.addi %scan3A_3, %scan3A_4 : i32
    %scan3A_6 = arith.constant 1 : i32
    %scan3A_7 = scf.for %scan3A_91 = %scan3A_3 to %scan3A_5 step %scan3A_6 iter_args(%scan3A_92 = %scan3A) -> (i32)  : i32 {
      %broadcast_in_dim3A = arith.constant 0.000000e+00 : f32
      %broadcast_in_dim3A_93 = vector.broadcast %broadcast_in_dim3A : f32 to vector<16xf32>
      %swap3A = arith.index_cast %scan3A_91 : i32 to index
      %swap3A_94 = arith.constant 0 : index
      %swap3A_95 = tpu.vector_load %arg10[%swap3A, %swap3A_94] {strides = array<i32>} : memref<64x128xf32, #tpu.memory_space<vmem>>, vector<1x16xf32>,
      %swap3A_96 = vector.shape_cast %swap3A_95 : vector<1x16xf32> to vector<16xf32>
      %swap3A_97 = vector.shape_cast %broadcast_in_dim3A_93 : vector<16xf32> to vector<1x16xf32>
      tpu.vector_store %arg10[%swap3A, %swap3A_94], %swap3A_97 {strides = array<i32>} : memref<64x128xf32, #tpu.memory_space<vmem>>, vector<1x16xf32>,
      %broadcast_in_dim3A_98 = arith.constant 0.000000e+00 : f32
      %broadcast_in_dim3A_99 = vector.broadcast %broadcast_in_dim3A_98 : f32 to vector<16xf32>
      %swap3A_100 = arith.index_cast %scan3A_91 : i32 to index
      %swap3A_101 = arith.constant 16 : index
      %swap3A_102 = tpu.vector_load %arg10[%swap3A_100, %swap3A_101] {strides = array<i32>} : memref<64x128xf32, #tpu.memory_space<vmem>>, vector<1x16xf32>,
      %swap3A_103 = vector.shape_cast %swap3A_102 : vector<1x16xf32> to vector<16xf32>
      %swap3A_104 = vector.shape_cast %broadcast_in_dim3A_99 : vector<16xf32> to vector<1x16xf32>
      tpu.vector_store %arg10[%swap3A_100, %swap3A_101], %swap3A_104 {strides = array<i32>} : memref<64x128xf32, #tpu.memory_space<vmem>>, vector<1x16xf32>,
      %broadcast_in_dim3A_105 = arith.constant 0.000000e+00 : f32
      %broadcast_in_dim3A_106 = vector.broadcast %broadcast_in_dim3A_105 : f32 to vector<16xf32>
      %swap3A_107 = arith.index_cast %scan3A_91 : i32 to index
      %swap3A_108 = arith.constant 32 : index
      %swap3A_109 = tpu.vector_load %arg10[%swap3A_107, %swap3A_108] {strides = array<i32>} : memref<64x128xf32, #tpu.memory_space<vmem>>, vector<1x16xf32>,
      %swap3A_110 = vector.shape_cast %swap3A_109 : vector<1x16xf32> to vector<16xf32>
      %swap3A_111 = vector.shape_cast %broadcast_in_dim3A_106 : vector<16xf32> to vector<1x16xf32>
      tpu.vector_store %arg10[%swap3A_107, %swap3A_108], %swap3A_111 {strides = array<i32>} : memref<64x128xf32, #tpu.memory_space<vmem>>, vector<1x16xf32>,
      %broadcast_in_dim3A_112 = arith.constant 0.000000e+00 : f32
      %broadcast_in_dim3A_113 = vector.broadcast %broadcast_in_dim3A_112 : f32 to vector<16xf32>
      %swap3A_114 = arith.index_cast %scan3A_91 : i32 to index
      %swap3A_115 = arith.constant 48 : index
      %swap3A_116 = tpu.vector_load %arg10[%swap3A_114, %swap3A_115] {strides = array<i32>} : memref<64x128xf32, #tpu.memory_space<vmem>>, vector<1x16xf32>,
      %swap3A_117 = vector.shape_cast %swap3A_116 : vector<1x16xf32> to vector<16xf32>
      %swap3A_118 = vector.shape_cast %broadcast_in_dim3A_113 : vector<16xf32> to vector<1x16xf32>
      tpu.vector_store %arg10[%swap3A_114, %swap3A_115], %swap3A_118 {strides = array<i32>} : memref<64x128xf32, #tpu.memory_space<vmem>>, vector<1x16xf32>,
      %broadcast_in_dim3A_119 = arith.constant 0.000000e+00 : f32
      %broadcast_in_dim3A_120 = vector.broadcast %broadcast_in_dim3A_119 : f32 to vector<16xf32>
      %swap3A_121 = arith.index_cast %scan3A_91 : i32 to index
      %swap3A_122 = arith.constant 64 : index
      %swap3A_123 = tpu.vector_load %arg10[%swap3A_121, %swap3A_122] {strides = array<i32>} : memref<64x128xf32, #tpu.memory_space<vmem>>, vector<1x16xf32>,
      %swap3A_124 = vector.shape_cast %swap3A_123 : vector<1x16xf32> to vector<16xf32>
      %swap3A_125 = vector.shape_cast %broadcast_in_dim3A_120 : vector<16xf32> to vector<1x16xf32>
      tpu.vector_store %arg10[%swap3A_121, %swap3A_122], %swap3A_125 {strides = array<i32>} : memref<64x128xf32, #tpu.memory_space<vmem>>, vector<1x16xf32>,
      %broadcast_in_dim3A_126 = arith.constant 0.000000e+00 : f32
      %broadcast_in_dim3A_127 = vector.broadcast %broadcast_in_dim3A_126 : f32 to vector<16xf32>
      %swap3A_128 = arith.index_cast %scan3A_91 : i32 to index
      %swap3A_129 = arith.constant 80 : index
      %swap3A_130 = tpu.vector_load %arg10[%swap3A_128, %swap3A_129] {strides = array<i32>} : memref<64x128xf32, #tpu.memory_space<vmem>>, vector<1x16xf32>,
      %swap3A_131 = vector.shape_cast %swap3A_130 : vector<1x16xf32> to vector<16xf32>
      %swap3A_132 = vector.shape_cast %broadcast_in_dim3A_127 : vector<16xf32> to vector<1x16xf32>
      tpu.vector_store %arg10[%swap3A_128, %swap3A_129], %swap3A_132 {strides = array<i32>} : memref<64x128xf32, #tpu.memory_space<vmem>>, vector<1x16xf32>,
      %broadcast_in_dim3A_133 = arith.constant 0.000000e+00 : f32
      %broadcast_in_dim3A_134 = vector.broadcast %broadcast_in_dim3A_133 : f32 to vector<16xf32>
      %swap3A_135 = arith.index_cast %scan3A_91 : i32 to index
      %swap3A_136 = arith.constant 96 : index
      %swap3A_137 = tpu.vector_load %arg10[%swap3A_135, %swap3A_136] {strides = array<i32>} : memref<64x128xf32, #tpu.memory_space<vmem>>, vector<1x16xf32>,
      %swap3A_138 = vector.shape_cast %swap3A_137 : vector<1x16xf32> to vector<16xf32>
      %swap3A_139 = vector.shape_cast %broadcast_in_dim3A_134 : vector<16xf32> to vector<1x16xf32>
      tpu.vector_store %arg10[%swap3A_135, %swap3A_136], %swap3A_139 {strides = array<i32>} : memref<64x128xf32, #tpu.memory_space<vmem>>, vector<1x16xf32>,
      %broadcast_in_dim3A_140 = arith.constant 0.000000e+00 : f32
      %broadcast_in_dim3A_141 = vector.broadcast %broadcast_in_dim3A_140 : f32 to vector<16xf32>
      %swap3A_142 = arith.index_cast %scan3A_91 : i32 to index
      %swap3A_143 = arith.constant 112 : index
      %swap3A_144 = tpu.vector_load %arg10[%swap3A_142, %swap3A_143] {strides = array<i32>} : memref<64x128xf32, #tpu.memory_space<vmem>>, vector<1x16xf32>,
      %swap3A_145 = vector.shape_cast %swap3A_144 : vector<1x16xf32> to vector<16xf32>
      %swap3A_146 = vector.shape_cast %broadcast_in_dim3A_141 : vector<16xf32> to vector<1x16xf32>
      tpu.vector_store %arg10[%swap3A_142, %swap3A_143], %swap3A_146 {strides = array<i32>} : memref<64x128xf32, #tpu.memory_space<vmem>>, vector<1x16xf32>,
      %scan3A_147 = arith.constant 0 : i32
      scf.yield %scan3A_147 : i32
    }
    %scan3A_8 = arith.constant 64 : i32
    %mul3A_9 = arith.constant 512 : i32
    %mul3A_10 = arith.muli %arg1, %mul3A_9 : i32
    %add3A_11 = arith.constant 0 : i32
    %add3A_12 = arith.addi %mul3A_10, %add3A_11 : i32
    "tpu.region"() ({
      %run_scoped3A = tpu.sem_alloc : memref<!tpu.dma_semaphore, #tpu.memory_space<semaphore_mem>>
      %dma_start3A_91 = arith.constant 0 : i32
      %dma_start3A_92 = tpu.memref_slice %arg14[%add3A_12, %dma_start3A_91] : memref<8192x128xf32, #tpu.memory_space<vmem_shared>> -> memref<64x128xf32, #tpu.memory_space<vmem_shared>>
      %dma_start3A_93 = arith.constant 0 : i32
      %dma_start3A_94 = tpu.memref_slice %arg14[%add3A_12, %dma_start3A_93] : memref<8192x128xf32, #tpu.memory_space<vmem_shared>> -> memref<64x128xf32, #tpu.memory_space<vmem_shared>>
      tpu.enqueue_dma source(%arg10 : memref<64x128xf32, #tpu.memory_space<vmem>>) target(%dma_start3A_94 : memref<64x128xf32, #tpu.memory_space<vmem_shared>>) target_semaphore(%run_scoped3A : memref<!tpu.dma_semaphore, #tpu.memory_space<semaphore_mem>>)
      %dma_wait3A_95 = arith.constant 0 : i32
      %dma_wait3A_96 = tpu.memref_slice %arg14[%add3A_12, %dma_wait3A_95] : memref<8192x128xf32, #tpu.memory_space<vmem_shared>> -> memref<64x128xf32, #tpu.memory_space<vmem_shared>>
      %dma_wait3A_97 = arith.constant 0 : i32
      %dma_wait3A_98 = tpu.memref_slice %arg14[%add3A_12, %dma_wait3A_97] : memref<8192x128xf32, #tpu.memory_space<vmem_shared>> -> memref<64x128xf32, #tpu.memory_space<vmem_shared>>
      tpu.wait_dma2 semaphore(%run_scoped3A : memref<!tpu.dma_semaphore, #tpu.memory_space<semaphore_mem>>) src(%arg10 : memref<64x128xf32, #tpu.memory_space<vmem>>) dst(%dma_wait3A_98 : memref<64x128xf32, #tpu.memory_space<vmem_shared>>)
      tpu.yield
    }) : () -> ()
    %mul3A_13 = arith.constant 512 : i32
    %mul3A_14 = arith.muli %arg1, %mul3A_13 : i32
    %add3A_15 = arith.constant 64 : i32
    %add3A_16 = arith.addi %mul3A_14, %add3A_15 : i32
    "tpu.region"() ({
      %run_scoped3A = tpu.sem_alloc : memref<!tpu.dma_semaphore, #tpu.memory_space<semaphore_mem>>
      %dma_start3A_91 = arith.constant 0 : i32
      %dma_start3A_92 = tpu.memref_slice %arg14[%add3A_16, %dma_start3A_91] : memref<8192x128xf32, #tpu.memory_space<vmem_shared>> -> memref<64x128xf32, #tpu.memory_space<vmem_shared>>
      %dma_start3A_93 = arith.constant 0 : i32
      %dma_start3A_94 = tpu.memref_slice %arg14[%add3A_16, %dma_start3A_93] : memref<8192x128xf32, #tpu.memory_space<vmem_shared>> -> memref<64x128xf32, #tpu.memory_space<vmem_shared>>
      tpu.enqueue_dma source(%arg10 : memref<64x128xf32, #tpu.memory_space<vmem>>) target(%dma_start3A_94 : memref<64x128xf32, #tpu.memory_space<vmem_shared>>) target_semaphore(%run_scoped3A : memref<!tpu.dma_semaphore, #tpu.memory_space<semaphore_mem>>)
      %dma_wait3A_95 = arith.constant 0 : i32
      %dma_wait3A_96 = tpu.memref_slice %arg14[%add3A_16, %dma_wait3A_95] : memref<8192x128xf32, #tpu.memory_space<vmem_shared>> -> memref<64x128xf32, #tpu.memory_space<vmem_shared>>
      %dma_wait3A_97 = arith.constant 0 : i32
      %dma_wait3A_98 = tpu.memref_slice %arg14[%add3A_16, %dma_wait3A_97] : memref<8192x128xf32, #tpu.memory_space<vmem_shared>> -> memref<64x128xf32, #tpu.memory_space<vmem_shared>>
      tpu.wait_dma2 semaphore(%run_scoped3A : memref<!tpu.dma_semaphore, #tpu.memory_space<semaphore_mem>>) src(%arg10 : memref<64x128xf32, #tpu.memory_space<vmem>>) dst(%dma_wait3A_98 : memref<64x128xf32, #tpu.memory_space<vmem_shared>>)
      tpu.yield
    }) : () -> ()
    %mul3A_17 = arith.constant 512 : i32
    %mul3A_18 = arith.muli %arg1, %mul3A_17 : i32
    %add3A_19 = arith.constant 128 : i32
    %add3A_20 = arith.addi %mul3A_18, %add3A_19 : i32
    "tpu.region"() ({
      %run_scoped3A = tpu.sem_alloc : memref<!tpu.dma_semaphore, #tpu.memory_space<semaphore_mem>>
      %dma_start3A_91 = arith.constant 0 : i32
      %dma_start3A_92 = tpu.memref_slice %arg14[%add3A_20, %dma_start3A_91] : memref<8192x128xf32, #tpu.memory_space<vmem_shared>> -> memref<64x128xf32, #tpu.memory_space<vmem_shared>>
      %dma_start3A_93 = arith.constant 0 : i32
      %dma_start3A_94 = tpu.memref_slice %arg14[%add3A_20, %dma_start3A_93] : memref<8192x128xf32, #tpu.memory_space<vmem_shared>> -> memref<64x128xf32, #tpu.memory_space<vmem_shared>>
      tpu.enqueue_dma source(%arg10 : memref<64x128xf32, #tpu.memory_space<vmem>>) target(%dma_start3A_94 : memref<64x128xf32, #tpu.memory_space<vmem_shared>>) target_semaphore(%run_scoped3A : memref<!tpu.dma_semaphore, #tpu.memory_space<semaphore_mem>>)
      %dma_wait3A_95 = arith.constant 0 : i32
      %dma_wait3A_96 = tpu.memref_slice %arg14[%add3A_20, %dma_wait3A_95] : memref<8192x128xf32, #tpu.memory_space<vmem_shared>> -> memref<64x128xf32, #tpu.memory_space<vmem_shared>>
      %dma_wait3A_97 = arith.constant 0 : i32
      %dma_wait3A_98 = tpu.memref_slice %arg14[%add3A_20, %dma_wait3A_97] : memref<8192x128xf32, #tpu.memory_space<vmem_shared>> -> memref<64x128xf32, #tpu.memory_space<vmem_shared>>
      tpu.wait_dma2 semaphore(%run_scoped3A : memref<!tpu.dma_semaphore, #tpu.memory_space<semaphore_mem>>) src(%arg10 : memref<64x128xf32, #tpu.memory_space<vmem>>) dst(%dma_wait3A_98 : memref<64x128xf32, #tpu.memory_space<vmem_shared>>)
      tpu.yield
    }) : () -> ()
    %mul3A_21 = arith.constant 512 : i32
    %mul3A_22 = arith.muli %arg1, %mul3A_21 : i32
    %add3A_23 = arith.constant 192 : i32
    %add3A_24 = arith.addi %mul3A_22, %add3A_23 : i32
    "tpu.region"() ({
      %run_scoped3A = tpu.sem_alloc : memref<!tpu.dma_semaphore, #tpu.memory_space<semaphore_mem>>
      %dma_start3A_91 = arith.constant 0 : i32
      %dma_start3A_92 = tpu.memref_slice %arg14[%add3A_24, %dma_start3A_91] : memref<8192x128xf32, #tpu.memory_space<vmem_shared>> -> memref<64x128xf32, #tpu.memory_space<vmem_shared>>
      %dma_start3A_93 = arith.constant 0 : i32
      %dma_start3A_94 = tpu.memref_slice %arg14[%add3A_24, %dma_start3A_93] : memref<8192x128xf32, #tpu.memory_space<vmem_shared>> -> memref<64x128xf32, #tpu.memory_space<vmem_shared>>
      tpu.enqueue_dma source(%arg10 : memref<64x128xf32, #tpu.memory_space<vmem>>) target(%dma_start3A_94 : memref<64x128xf32, #tpu.memory_space<vmem_shared>>) target_semaphore(%run_scoped3A : memref<!tpu.dma_semaphore, #tpu.memory_space<semaphore_mem>>)
      %dma_wait3A_95 = arith.constant 0 : i32
      %dma_wait3A_96 = tpu.memref_slice %arg14[%add3A_24, %dma_wait3A_95] : memref<8192x128xf32, #tpu.memory_space<vmem_shared>> -> memref<64x128xf32, #tpu.memory_space<vmem_shared>>
      %dma_wait3A_97 = arith.constant 0 : i32
      %dma_wait3A_98 = tpu.memref_slice %arg14[%add3A_24, %dma_wait3A_97] : memref<8192x128xf32, #tpu.memory_space<vmem_shared>> -> memref<64x128xf32, #tpu.memory_space<vmem_shared>>
      tpu.wait_dma2 semaphore(%run_scoped3A : memref<!tpu.dma_semaphore, #tpu.memory_space<semaphore_mem>>) src(%arg10 : memref<64x128xf32, #tpu.memory_space<vmem>>) dst(%dma_wait3A_98 : memref<64x128xf32, #tpu.memory_space<vmem_shared>>)
      tpu.yield
    }) : () -> ()
    %mul3A_25 = arith.constant 512 : i32
    %mul3A_26 = arith.muli %arg1, %mul3A_25 : i32
    %add3A_27 = arith.constant 256 : i32
    %add3A_28 = arith.addi %mul3A_26, %add3A_27 : i32
    "tpu.region"() ({
      %run_scoped3A = tpu.sem_alloc : memref<!tpu.dma_semaphore, #tpu.memory_space<semaphore_mem>>
      %dma_start3A_91 = arith.constant 0 : i32
      %dma_start3A_92 = tpu.memref_slice %arg14[%add3A_28, %dma_start3A_91] : memref<8192x128xf32, #tpu.memory_space<vmem_shared>> -> memref<64x128xf32, #tpu.memory_space<vmem_shared>>
      %dma_start3A_93 = arith.constant 0 : i32
      %dma_start3A_94 = tpu.memref_slice %arg14[%add3A_28, %dma_start3A_93] : memref<8192x128xf32, #tpu.memory_space<vmem_shared>> -> memref<64x128xf32, #tpu.memory_space<vmem_shared>>
      tpu.enqueue_dma source(%arg10 : memref<64x128xf32, #tpu.memory_space<vmem>>) target(%dma_start3A_94 : memref<64x128xf32, #tpu.memory_space<vmem_shared>>) target_semaphore(%run_scoped3A : memref<!tpu.dma_semaphore, #tpu.memory_space<semaphore_mem>>)
      %dma_wait3A_95 = arith.constant 0 : i32
      %dma_wait3A_96 = tpu.memref_slice %arg14[%add3A_28, %dma_wait3A_95] : memref<8192x128xf32, #tpu.memory_space<vmem_shared>> -> memref<64x128xf32, #tpu.memory_space<vmem_shared>>
      %dma_wait3A_97 = arith.constant 0 : i32
      %dma_wait3A_98 = tpu.memref_slice %arg14[%add3A_28, %dma_wait3A_97] : memref<8192x128xf32, #tpu.memory_space<vmem_shared>> -> memref<64x128xf32, #tpu.memory_space<vmem_shared>>
      tpu.wait_dma2 semaphore(%run_scoped3A : memref<!tpu.dma_semaphore, #tpu.memory_space<semaphore_mem>>) src(%arg10 : memref<64x128xf32, #tpu.memory_space<vmem>>) dst(%dma_wait3A_98 : memref<64x128xf32, #tpu.memory_space<vmem_shared>>)
      tpu.yield
    }) : () -> ()
    %mul3A_29 = arith.constant 512 : i32
    %mul3A_30 = arith.muli %arg1, %mul3A_29 : i32
    %add3A_31 = arith.constant 320 : i32
    %add3A_32 = arith.addi %mul3A_30, %add3A_31 : i32
    "tpu.region"() ({
      %run_scoped3A = tpu.sem_alloc : memref<!tpu.dma_semaphore, #tpu.memory_space<semaphore_mem>>
      %dma_start3A_91 = arith.constant 0 : i32
      %dma_start3A_92 = tpu.memref_slice %arg14[%add3A_32, %dma_start3A_91] : memref<8192x128xf32, #tpu.memory_space<vmem_shared>> -> memref<64x128xf32, #tpu.memory_space<vmem_shared>>
      %dma_start3A_93 = arith.constant 0 : i32
      %dma_start3A_94 = tpu.memref_slice %arg14[%add3A_32, %dma_start3A_93] : memref<8192x128xf32, #tpu.memory_space<vmem_shared>> -> memref<64x128xf32, #tpu.memory_space<vmem_shared>>
      tpu.enqueue_dma source(%arg10 : memref<64x128xf32, #tpu.memory_space<vmem>>) target(%dma_start3A_94 : memref<64x128xf32, #tpu.memory_space<vmem_shared>>) target_semaphore(%run_scoped3A : memref<!tpu.dma_semaphore, #tpu.memory_space<semaphore_mem>>)
      %dma_wait3A_95 = arith.constant 0 : i32
      %dma_wait3A_96 = tpu.memref_slice %arg14[%add3A_32, %dma_wait3A_95] : memref<8192x128xf32, #tpu.memory_space<vmem_shared>> -> memref<64x128xf32, #tpu.memory_space<vmem_shared>>
      %dma_wait3A_97 = arith.constant 0 : i32
      %dma_wait3A_98 = tpu.memref_slice %arg14[%add3A_32, %dma_wait3A_97] : memref<8192x128xf32, #tpu.memory_space<vmem_shared>> -> memref<64x128xf32, #tpu.memory_space<vmem_shared>>
      tpu.wait_dma2 semaphore(%run_scoped3A : memref<!tpu.dma_semaphore, #tpu.memory_space<semaphore_mem>>) src(%arg10 : memref<64x128xf32, #tpu.memory_space<vmem>>) dst(%dma_wait3A_98 : memref<64x128xf32, #tpu.memory_space<vmem_shared>>)
      tpu.yield
    }) : () -> ()
    %mul3A_33 = arith.constant 512 : i32
    %mul3A_34 = arith.muli %arg1, %mul3A_33 : i32
    %add3A_35 = arith.constant 384 : i32
    %add3A_36 = arith.addi %mul3A_34, %add3A_35 : i32
    "tpu.region"() ({
      %run_scoped3A = tpu.sem_alloc : memref<!tpu.dma_semaphore, #tpu.memory_space<semaphore_mem>>
      %dma_start3A_91 = arith.constant 0 : i32
      %dma_start3A_92 = tpu.memref_slice %arg14[%add3A_36, %dma_start3A_91] : memref<8192x128xf32, #tpu.memory_space<vmem_shared>> -> memref<64x128xf32, #tpu.memory_space<vmem_shared>>
      %dma_start3A_93 = arith.constant 0 : i32
      %dma_start3A_94 = tpu.memref_slice %arg14[%add3A_36, %dma_start3A_93] : memref<8192x128xf32, #tpu.memory_space<vmem_shared>> -> memref<64x128xf32, #tpu.memory_space<vmem_shared>>
      tpu.enqueue_dma source(%arg10 : memref<64x128xf32, #tpu.memory_space<vmem>>) target(%dma_start3A_94 : memref<64x128xf32, #tpu.memory_space<vmem_shared>>) target_semaphore(%run_scoped3A : memref<!tpu.dma_semaphore, #tpu.memory_space<semaphore_mem>>)
      %dma_wait3A_95 = arith.constant 0 : i32
      %dma_wait3A_96 = tpu.memref_slice %arg14[%add3A_36, %dma_wait3A_95] : memref<8192x128xf32, #tpu.memory_space<vmem_shared>> -> memref<64x128xf32, #tpu.memory_space<vmem_shared>>
      %dma_wait3A_97 = arith.constant 0 : i32
      %dma_wait3A_98 = tpu.memref_slice %arg14[%add3A_36, %dma_wait3A_97] : memref<8192x128xf32, #tpu.memory_space<vmem_shared>> -> memref<64x128xf32, #tpu.memory_space<vmem_shared>>
      tpu.wait_dma2 semaphore(%run_scoped3A : memref<!tpu.dma_semaphore, #tpu.memory_space<semaphore_mem>>) src(%arg10 : memref<64x128xf32, #tpu.memory_space<vmem>>) dst(%dma_wait3A_98 : memref<64x128xf32, #tpu.memory_space<vmem_shared>>)
      tpu.yield
    }) : () -> ()
    %mul3A_37 = arith.constant 512 : i32
    %mul3A_38 = arith.muli %arg1, %mul3A_37 : i32
    %add3A_39 = arith.constant 448 : i32
    %add3A_40 = arith.addi %mul3A_38, %add3A_39 : i32
    "tpu.region"() ({
      %run_scoped3A = tpu.sem_alloc : memref<!tpu.dma_semaphore, #tpu.memory_space<semaphore_mem>>
      %dma_start3A_91 = arith.constant 0 : i32
      %dma_start3A_92 = tpu.memref_slice %arg14[%add3A_40, %dma_start3A_91] : memref<8192x128xf32, #tpu.memory_space<vmem_shared>> -> memref<64x128xf32, #tpu.memory_space<vmem_shared>>
      %dma_start3A_93 = arith.constant 0 : i32
      %dma_start3A_94 = tpu.memref_slice %arg14[%add3A_40, %dma_start3A_93] : memref<8192x128xf32, #tpu.memory_space<vmem_shared>> -> memref<64x128xf32, #tpu.memory_space<vmem_shared>>
      tpu.enqueue_dma source(%arg10 : memref<64x128xf32, #tpu.memory_space<vmem>>) target(%dma_start3A_94 : memref<64x128xf32, #tpu.memory_space<vmem_shared>>) target_semaphore(%run_scoped3A : memref<!tpu.dma_semaphore, #tpu.memory_space<semaphore_mem>>)
      %dma_wait3A_95 = arith.constant 0 : i32
      %dma_wait3A_96 = tpu.memref_slice %arg14[%add3A_40, %dma_wait3A_95] : memref<8192x128xf32, #tpu.memory_space<vmem_shared>> -> memref<64x128xf32, #tpu.memory_space<vmem_shared>>
      %dma_wait3A_97 = arith.constant 0 : i32
      %dma_wait3A_98 = tpu.memref_slice %arg14[%add3A_40, %dma_wait3A_97] : memref<8192x128xf32, #tpu.memory_space<vmem_shared>> -> memref<64x128xf32, #tpu.memory_space<vmem_shared>>
      tpu.wait_dma2 semaphore(%run_scoped3A : memref<!tpu.dma_semaphore, #tpu.memory_space<semaphore_mem>>) src(%arg10 : memref<64x128xf32, #tpu.memory_space<vmem>>) dst(%dma_wait3A_98 : memref<64x128xf32, #tpu.memory_space<vmem_shared>>)
      tpu.yield
    }) : () -> ()
    %barrier3A = arith.constant 0 : index
    tpu.barrier barrier_id(%barrier3A)
    %add3A_41 = arith.constant 0 : i32
    %add3A_42 = arith.addi %mul3A_2, %add3A_41 : i32
    %multiple_of3A = tpu.assume_multiple %add3A_42, 64 : i32
    %dma_start3A = arith.constant 0 : i32
    %dma_start3A_43 = tpu.memref_slice %arg5[%multiple_of3A, %dma_start3A] : memref<262144x128xf32, #tpu.memory_space<hbm>> -> memref<64x128xf32, #tpu.memory_space<hbm>>
    %dma_start3A_44 = arith.constant 0 : i32
    %dma_start3A_45 = tpu.memref_slice %arg5[%multiple_of3A, %dma_start3A_44] : memref<262144x128xf32, #tpu.memory_space<hbm>> -> memref<64x128xf32, #tpu.memory_space<hbm>>
    tpu.enqueue_dma source(%dma_start3A_45 : memref<64x128xf32, #tpu.memory_space<hbm>>) target(%arg10 : memref<64x128xf32, #tpu.memory_space<vmem>>) target_semaphore(%arg15 : memref<!tpu.dma_semaphore, #tpu.memory_space<semaphore_mem>>)
    %dma_start3A_46 = arith.constant 0 : i32
    %dma_start3A_47 = tpu.memref_slice %arg7[%dma_start3A_46] : memref<8192xi32, #tpu.memory_space<vmem>> -> memref<64xi32, #tpu.memory_space<vmem>>
    %dma_start3A_48 = arith.constant 0 : i32
    %dma_start3A_49 = arith.constant 0 : i32
    %dma_start3A_50 = tpu.memref_slice %arg2[%dma_start3A_48, %dma_start3A_49] : memref<2048x128xf32, #tpu.memory_space<hbm>> -> memref<2048x128xf32, #tpu.memory_space<hbm>>
    tpu.enqueue_indirect_dma source(%dma_start3A_50 : memref<2048x128xf32, #tpu.memory_space<hbm>>) target(%arg12 : memref<64x128xf32, #tpu.memory_space<vmem>>) offsets(%dma_start3A_47 : memref<64xi32, #tpu.memory_space<vmem>>) semaphore(%arg17 : memref<!tpu.dma_semaphore, #tpu.memory_space<semaphore_mem>>)
    %add3A_51 = arith.constant 64 : i32
    %add3A_52 = arith.addi %mul3A_2, %add3A_51 : i32
    %multiple_of3A_53 = tpu.assume_multiple %add3A_52, 64 : i32
    %dma_start3A_54 = arith.constant 0 : i32
    %dma_start3A_55 = tpu.memref_slice %arg5[%multiple_of3A_53, %dma_start3A_54] : memref<262144x128xf32, #tpu.memory_space<hbm>> -> memref<64x128xf32, #tpu.memory_space<hbm>>
    %dma_start3A_56 = arith.constant 0 : i32
    %dma_start3A_57 = tpu.memref_slice %arg5[%multiple_of3A_53, %dma_start3A_56] : memref<262144x128xf32, #tpu.memory_space<hbm>> -> memref<64x128xf32, #tpu.memory_space<hbm>>
    tpu.enqueue_dma source(%dma_start3A_57 : memref<64x128xf32, #tpu.memory_space<hbm>>) target(%arg11 : memref<64x128xf32, #tpu.memory_space<vmem>>) target_semaphore(%arg16 : memref<!tpu.dma_semaphore, #tpu.memory_space<semaphore_mem>>)
    %dma_start3A_58 = arith.constant 64 : i32
    %dma_start3A_59 = tpu.memref_slice %arg7[%dma_start3A_58] : memref<8192xi32, #tpu.memory_space<vmem>> -> memref<64xi32, #tpu.memory_space<vmem>>
    %dma_start3A_60 = arith.constant 0 : i32
    %dma_start3A_61 = arith.constant 0 : i32
    %dma_start3A_62 = tpu.memref_slice %arg2[%dma_start3A_60, %dma_start3A_61] : memref<2048x128xf32, #tpu.memory_space<hbm>> -> memref<2048x128xf32, #tpu.memory_space<hbm>>
    tpu.enqueue_indirect_dma source(%dma_start3A_62 : memref<2048x128xf32, #tpu.memory_space<hbm>>) target(%arg13 : memref<64x128xf32, #tpu.memory_space<vmem>>) offsets(%dma_start3A_59 : memref<64xi32, #tpu.memory_space<vmem>>) semaphore(%arg18 : memref<!tpu.dma_semaphore, #tpu.memory_space<semaphore_mem>>)
    %scan3A_63 = arith.constant 0 : i32
    %scan3A_64 = arith.constant 0 : i32
    %scan3A_65 = arith.constant 64 : i32
    %scan3A_66 = arith.addi %scan3A_64, %scan3A_65 : i32
    %scan3A_67 = arith.constant 1 : i32
    %scan3A_68 = scf.for %scan3A_91 = %scan3A_64 to %scan3A_66 step %scan3A_67 iter_args(%scan3A_92 = %scan3A_63) -> (i32)  : i32 {
      %mul3A_93 = arith.constant 2 : i32
      %mul3A_94 = arith.muli %scan3A_91, %mul3A_93 : i32
      %dma_wait3A_95 = arith.constant 0 : i32
      %dma_wait3A_96 = arith.constant 0 : i32
      %dma_wait3A_97 = tpu.memref_slice %arg5[%dma_wait3A_95, %dma_wait3A_96] : memref<262144x128xf32, #tpu.memory_space<hbm>> -> memref<64x128xf32, #tpu.memory_space<hbm>>
      %dma_wait3A_98 = arith.constant 0 : i32
      %dma_wait3A_99 = arith.constant 0 : i32
      %dma_wait3A_100 = tpu.memref_slice %arg5[%dma_wait3A_98, %dma_wait3A_99] : memref<262144x128xf32, #tpu.memory_space<hbm>> -> memref<64x128xf32, #tpu.memory_space<hbm>>
      tpu.wait_dma2 semaphore(%arg15 : memref<!tpu.dma_semaphore, #tpu.memory_space<semaphore_mem>>) src(%dma_wait3A_100 : memref<64x128xf32, #tpu.memory_space<hbm>>) dst(%arg10 : memref<64x128xf32, #tpu.memory_space<vmem>>)
      %dma_wait3A_101 = arith.constant 0 : i32
      %dma_wait3A_102 = tpu.memref_slice %arg7[%dma_wait3A_101] : memref<8192xi32, #tpu.memory_space<vmem>> -> memref<64xi32, #tpu.memory_space<vmem>>
      %dma_wait3A_103 = arith.constant 0 : i32
      %dma_wait3A_104 = arith.constant 0 : i32
      %dma_wait3A_105 = tpu.memref_slice %arg2[%dma_wait3A_103, %dma_wait3A_104] : memref<2048x128xf32, #tpu.memory_space<hbm>> -> memref<2048x128xf32, #tpu.memory_space<hbm>>
      tpu.wait_indirect_dma semaphore(%arg17 : memref<!tpu.dma_semaphore, #tpu.memory_space<semaphore_mem>>) src(%dma_wait3A_105 : memref<2048x128xf32, #tpu.memory_space<hbm>>) dst(%arg12 : memref<64x128xf32, #tpu.memory_space<vmem>>)
      %scan3A_106 = arith.constant 0 : i32
      %scan3A_107 = arith.constant 0 : i32
      %scan3A_108 = arith.constant 16 : i32
      %scan3A_109 = arith.addi %scan3A_107, %scan3A_108 : i32
      %scan3A_110 = arith.constant 1 : i32
      %scan3A_111 = scf.for %scan3A_252 = %scan3A_107 to %scan3A_109 step %scan3A_110 iter_args(%scan3A_253 = %scan3A_106) -> (i32)  : i32 {
        %mul3A_254 = arith.constant 4 : i32
        %mul3A_255 = arith.muli %scan3A_252, %mul3A_254 : i32
        %add3A_256 = arith.constant 0 : i32
        %add3A_257 = arith.addi %mul3A_255, %add3A_256 : i32
        %get3A_258 = arith.index_cast %add3A_257 : i32 to index
        %get3A_259 = arith.constant 0 : index
        %get3A_260 = tpu.vector_load %arg10[%get3A_258, %get3A_259] {strides = array<i32>} : memref<64x128xf32, #tpu.memory_space<vmem>>, vector<1x16xf32>,
        %get3A_261 = vector.shape_cast %get3A_260 : vector<1x16xf32> to vector<16xf32>
        %get3A_262 = arith.index_cast %add3A_257 : i32 to index
        %get3A_263 = arith.constant 0 : index
        %get3A_264 = tpu.vector_load %arg12[%get3A_262, %get3A_263] {strides = array<i32>} : memref<64x128xf32, #tpu.memory_space<vmem>>, vector<1x16xf32>,
        %get3A_265 = vector.shape_cast %get3A_264 : vector<1x16xf32> to vector<16xf32>
        %add3A_266 = arith.addf %get3A_261, %get3A_265 : vector<16xf32>
        %max3A = arith.constant 0.000000e+00 : f32
        %max3A_267 = vector.broadcast %max3A : f32 to vector<16xf32>
        %max3A_268 = arith.maximumf %add3A_266, %max3A_267 : vector<16xf32>
        %swap3A_269 = arith.index_cast %add3A_257 : i32 to index
        %swap3A_270 = arith.constant 0 : index
        %swap3A_271 = tpu.vector_load %arg10[%swap3A_269, %swap3A_270] {strides = array<i32>} : memref<64x128xf32, #tpu.memory_space<vmem>>, vector<1x16xf32>,
        %swap3A_272 = vector.shape_cast %swap3A_271 : vector<1x16xf32> to vector<16xf32>
        %swap3A_273 = vector.shape_cast %max3A_268 : vector<16xf32> to vector<1x16xf32>
        tpu.vector_store %arg10[%swap3A_269, %swap3A_270], %swap3A_273 {strides = array<i32>} : memref<64x128xf32, #tpu.memory_space<vmem>>, vector<1x16xf32>,
        %get3A_274 = arith.index_cast %add3A_257 : i32 to index
        %get3A_275 = arith.constant 16 : index
        %get3A_276 = tpu.vector_load %arg10[%get3A_274, %get3A_275] {strides = array<i32>} : memref<64x128xf32, #tpu.memory_space<vmem>>, vector<1x16xf32>,
        %get3A_277 = vector.shape_cast %get3A_276 : vector<1x16xf32> to vector<16xf32>
        %get3A_278 = arith.index_cast %add3A_257 : i32 to index
        %get3A_279 = arith.constant 16 : index
        %get3A_280 = tpu.vector_load %arg12[%get3A_278, %get3A_279] {strides = array<i32>} : memref<64x128xf32, #tpu.memory_space<vmem>>, vector<1x16xf32>,
        %get3A_281 = vector.shape_cast %get3A_280 : vector<1x16xf32> to vector<16xf32>
        %add3A_282 = arith.addf %get3A_277, %get3A_281 : vector<16xf32>
        %max3A_283 = arith.constant 0.000000e+00 : f32
        %max3A_284 = vector.broadcast %max3A_283 : f32 to vector<16xf32>
        %max3A_285 = arith.maximumf %add3A_282, %max3A_284 : vector<16xf32>
        %swap3A_286 = arith.index_cast %add3A_257 : i32 to index
        %swap3A_287 = arith.constant 16 : index
        %swap3A_288 = tpu.vector_load %arg10[%swap3A_286, %swap3A_287] {strides = array<i32>} : memref<64x128xf32, #tpu.memory_space<vmem>>, vector<1x16xf32>,
        %swap3A_289 = vector.shape_cast %swap3A_288 : vector<1x16xf32> to vector<16xf32>
        %swap3A_290 = vector.shape_cast %max3A_285 : vector<16xf32> to vector<1x16xf32>
        tpu.vector_store %arg10[%swap3A_286, %swap3A_287], %swap3A_290 {strides = array<i32>} : memref<64x128xf32, #tpu.memory_space<vmem>>, vector<1x16xf32>,
        %get3A_291 = arith.index_cast %add3A_257 : i32 to index
        %get3A_292 = arith.constant 32 : index
        %get3A_293 = tpu.vector_load %arg10[%get3A_291, %get3A_292] {strides = array<i32>} : memref<64x128xf32, #tpu.memory_space<vmem>>, vector<1x16xf32>,
        %get3A_294 = vector.shape_cast %get3A_293 : vector<1x16xf32> to vector<16xf32>
        %get3A_295 = arith.index_cast %add3A_257 : i32 to index
        %get3A_296 = arith.constant 32 : index
        %get3A_297 = tpu.vector_load %arg12[%get3A_295, %get3A_296] {strides = array<i32>} : memref<64x128xf32, #tpu.memory_space<vmem>>, vector<1x16xf32>,
        %get3A_298 = vector.shape_cast %get3A_297 : vector<1x16xf32> to vector<16xf32>
        %add3A_299 = arith.addf %get3A_294, %get3A_298 : vector<16xf32>
        %max3A_300 = arith.constant 0.000000e+00 : f32
        %max3A_301 = vector.broadcast %max3A_300 : f32 to vector<16xf32>
        %max3A_302 = arith.maximumf %add3A_299, %max3A_301 : vector<16xf32>
        %swap3A_303 = arith.index_cast %add3A_257 : i32 to index
        %swap3A_304 = arith.constant 32 : index
        %swap3A_305 = tpu.vector_load %arg10[%swap3A_303, %swap3A_304] {strides = array<i32>} : memref<64x128xf32, #tpu.memory_space<vmem>>, vector<1x16xf32>,
        %swap3A_306 = vector.shape_cast %swap3A_305 : vector<1x16xf32> to vector<16xf32>
        %swap3A_307 = vector.shape_cast %max3A_302 : vector<16xf32> to vector<1x16xf32>
        tpu.vector_store %arg10[%swap3A_303, %swap3A_304], %swap3A_307 {strides = array<i32>} : memref<64x128xf32, #tpu.memory_space<vmem>>, vector<1x16xf32>,
        %get3A_308 = arith.index_cast %add3A_257 : i32 to index
        %get3A_309 = arith.constant 48 : index
        %get3A_310 = tpu.vector_load %arg10[%get3A_308, %get3A_309] {strides = array<i32>} : memref<64x128xf32, #tpu.memory_space<vmem>>, vector<1x16xf32>,
        %get3A_311 = vector.shape_cast %get3A_310 : vector<1x16xf32> to vector<16xf32>
        %get3A_312 = arith.index_cast %add3A_257 : i32 to index
        %get3A_313 = arith.constant 48 : index
        %get3A_314 = tpu.vector_load %arg12[%get3A_312, %get3A_313] {strides = array<i32>} : memref<64x128xf32, #tpu.memory_space<vmem>>, vector<1x16xf32>,
        %get3A_315 = vector.shape_cast %get3A_314 : vector<1x16xf32> to vector<16xf32>
        %add3A_316 = arith.addf %get3A_311, %get3A_315 : vector<16xf32>
        %max3A_317 = arith.constant 0.000000e+00 : f32
        %max3A_318 = vector.broadcast %max3A_317 : f32 to vector<16xf32>
        %max3A_319 = arith.maximumf %add3A_316, %max3A_318 : vector<16xf32>
        %swap3A_320 = arith.index_cast %add3A_257 : i32 to index
        %swap3A_321 = arith.constant 48 : index
        %swap3A_322 = tpu.vector_load %arg10[%swap3A_320, %swap3A_321] {strides = array<i32>} : memref<64x128xf32, #tpu.memory_space<vmem>>, vector<1x16xf32>,
        %swap3A_323 = vector.shape_cast %swap3A_322 : vector<1x16xf32> to vector<16xf32>
        %swap3A_324 = vector.shape_cast %max3A_319 : vector<16xf32> to vector<1x16xf32>
        tpu.vector_store %arg10[%swap3A_320, %swap3A_321], %swap3A_324 {strides = array<i32>} : memref<64x128xf32, #tpu.memory_space<vmem>>, vector<1x16xf32>,
        %get3A_325 = arith.index_cast %add3A_257 : i32 to index
        %get3A_326 = arith.constant 64 : index
        %get3A_327 = tpu.vector_load %arg10[%get3A_325, %get3A_326] {strides = array<i32>} : memref<64x128xf32, #tpu.memory_space<vmem>>, vector<1x16xf32>,
        %get3A_328 = vector.shape_cast %get3A_327 : vector<1x16xf32> to vector<16xf32>
        %get3A_329 = arith.index_cast %add3A_257 : i32 to index
        %get3A_330 = arith.constant 64 : index
        %get3A_331 = tpu.vector_load %arg12[%get3A_329, %get3A_330] {strides = array<i32>} : memref<64x128xf32, #tpu.memory_space<vmem>>, vector<1x16xf32>,
        %get3A_332 = vector.shape_cast %get3A_331 : vector<1x16xf32> to vector<16xf32>
        %add3A_333 = arith.addf %get3A_328, %get3A_332 : vector<16xf32>
        %max3A_334 = arith.constant 0.000000e+00 : f32
        %max3A_335 = vector.broadcast %max3A_334 : f32 to vector<16xf32>
        %max3A_336 = arith.maximumf %add3A_333, %max3A_335 : vector<16xf32>
        %swap3A_337 = arith.index_cast %add3A_257 : i32 to index
        %swap3A_338 = arith.constant 64 : index
        %swap3A_339 = tpu.vector_load %arg10[%swap3A_337, %swap3A_338] {strides = array<i32>} : memref<64x128xf32, #tpu.memory_space<vmem>>, vector<1x16xf32>,
        %swap3A_340 = vector.shape_cast %swap3A_339 : vector<1x16xf32> to vector<16xf32>
        %swap3A_341 = vector.shape_cast %max3A_336 : vector<16xf32> to vector<1x16xf32>
        tpu.vector_store %arg10[%swap3A_337, %swap3A_338], %swap3A_341 {strides = array<i32>} : memref<64x128xf32, #tpu.memory_space<vmem>>, vector<1x16xf32>,
        %get3A_342 = arith.index_cast %add3A_257 : i32 to index
        %get3A_343 = arith.constant 80 : index
        %get3A_344 = tpu.vector_load %arg10[%get3A_342, %get3A_343] {strides = array<i32>} : memref<64x128xf32, #tpu.memory_space<vmem>>, vector<1x16xf32>,
        %get3A_345 = vector.shape_cast %get3A_344 : vector<1x16xf32> to vector<16xf32>
        %get3A_346 = arith.index_cast %add3A_257 : i32 to index
        %get3A_347 = arith.constant 80 : index
        %get3A_348 = tpu.vector_load %arg12[%get3A_346, %get3A_347] {strides = array<i32>} : memref<64x128xf32, #tpu.memory_space<vmem>>, vector<1x16xf32>,
        %get3A_349 = vector.shape_cast %get3A_348 : vector<1x16xf32> to vector<16xf32>
        %add3A_350 = arith.addf %get3A_345, %get3A_349 : vector<16xf32>
        %max3A_351 = arith.constant 0.000000e+00 : f32
        %max3A_352 = vector.broadcast %max3A_351 : f32 to vector<16xf32>
        %max3A_353 = arith.maximumf %add3A_350, %max3A_352 : vector<16xf32>
        %swap3A_354 = arith.index_cast %add3A_257 : i32 to index
        %swap3A_355 = arith.constant 80 : index
        %swap3A_356 = tpu.vector_load %arg10[%swap3A_354, %swap3A_355] {strides = array<i32>} : memref<64x128xf32, #tpu.memory_space<vmem>>, vector<1x16xf32>,
        %swap3A_357 = vector.shape_cast %swap3A_356 : vector<1x16xf32> to vector<16xf32>
        %swap3A_358 = vector.shape_cast %max3A_353 : vector<16xf32> to vector<1x16xf32>
        tpu.vector_store %arg10[%swap3A_354, %swap3A_355], %swap3A_358 {strides = array<i32>} : memref<64x128xf32, #tpu.memory_space<vmem>>, vector<1x16xf32>,
        %get3A_359 = arith.index_cast %add3A_257 : i32 to index
        %get3A_360 = arith.constant 96 : index
        %get3A_361 = tpu.vector_load %arg10[%get3A_359, %get3A_360] {strides = array<i32>} : memref<64x128xf32, #tpu.memory_space<vmem>>, vector<1x16xf32>,
        %get3A_362 = vector.shape_cast %get3A_361 : vector<1x16xf32> to vector<16xf32>
        %get3A_363 = arith.index_cast %add3A_257 : i32 to index
        %get3A_364 = arith.constant 96 : index
        %get3A_365 = tpu.vector_load %arg12[%get3A_363, %get3A_364] {strides = array<i32>} : memref<64x128xf32, #tpu.memory_space<vmem>>, vector<1x16xf32>,
        %get3A_366 = vector.shape_cast %get3A_365 : vector<1x16xf32> to vector<16xf32>
        %add3A_367 = arith.addf %get3A_362, %get3A_366 : vector<16xf32>
        %max3A_368 = arith.constant 0.000000e+00 : f32
        %max3A_369 = vector.broadcast %max3A_368 : f32 to vector<16xf32>
        %max3A_370 = arith.maximumf %add3A_367, %max3A_369 : vector<16xf32>
        %swap3A_371 = arith.index_cast %add3A_257 : i32 to index
        %swap3A_372 = arith.constant 96 : index
        %swap3A_373 = tpu.vector_load %arg10[%swap3A_371, %swap3A_372] {strides = array<i32>} : memref<64x128xf32, #tpu.memory_space<vmem>>, vector<1x16xf32>,
        %swap3A_374 = vector.shape_cast %swap3A_373 : vector<1x16xf32> to vector<16xf32>
        %swap3A_375 = vector.shape_cast %max3A_370 : vector<16xf32> to vector<1x16xf32>
        tpu.vector_store %arg10[%swap3A_371, %swap3A_372], %swap3A_375 {strides = array<i32>} : memref<64x128xf32, #tpu.memory_space<vmem>>, vector<1x16xf32>,
        %get3A_376 = arith.index_cast %add3A_257 : i32 to index
        %get3A_377 = arith.constant 112 : index
        %get3A_378 = tpu.vector_load %arg10[%get3A_376, %get3A_377] {strides = array<i32>} : memref<64x128xf32, #tpu.memory_space<vmem>>, vector<1x16xf32>,
        %get3A_379 = vector.shape_cast %get3A_378 : vector<1x16xf32> to vector<16xf32>
        %get3A_380 = arith.index_cast %add3A_257 : i32 to index
        %get3A_381 = arith.constant 112 : index
        %get3A_382 = tpu.vector_load %arg12[%get3A_380, %get3A_381] {strides = array<i32>} : memref<64x128xf32, #tpu.memory_space<vmem>>, vector<1x16xf32>,
        %get3A_383 = vector.shape_cast %get3A_382 : vector<1x16xf32> to vector<16xf32>
        %add3A_384 = arith.addf %get3A_379, %get3A_383 : vector<16xf32>
        %max3A_385 = arith.constant 0.000000e+00 : f32
        %max3A_386 = vector.broadcast %max3A_385 : f32 to vector<16xf32>
        %max3A_387 = arith.maximumf %add3A_384, %max3A_386 : vector<16xf32>
        %swap3A_388 = arith.index_cast %add3A_257 : i32 to index
        %swap3A_389 = arith.constant 112 : index
        %swap3A_390 = tpu.vector_load %arg10[%swap3A_388, %swap3A_389] {strides = array<i32>} : memref<64x128xf32, #tpu.memory_space<vmem>>, vector<1x16xf32>,
        %swap3A_391 = vector.shape_cast %swap3A_390 : vector<1x16xf32> to vector<16xf32>
        %swap3A_392 = vector.shape_cast %max3A_387 : vector<16xf32> to vector<1x16xf32>
        tpu.vector_store %arg10[%swap3A_388, %swap3A_389], %swap3A_392 {strides = array<i32>} : memref<64x128xf32, #tpu.memory_space<vmem>>, vector<1x16xf32>,
        %mul3A_393 = arith.constant 4 : i32
        %mul3A_394 = arith.muli %scan3A_252, %mul3A_393 : i32
        %add3A_395 = arith.constant 1 : i32
        %add3A_396 = arith.addi %mul3A_394, %add3A_395 : i32
        %get3A_397 = arith.index_cast %add3A_396 : i32 to index
        %get3A_398 = arith.constant 0 : index
        %get3A_399 = tpu.vector_load %arg10[%get3A_397, %get3A_398] {strides = array<i32>} : memref<64x128xf32, #tpu.memory_space<vmem>>, vector<1x16xf32>,
        %get3A_400 = vector.shape_cast %get3A_399 : vector<1x16xf32> to vector<16xf32>
        %get3A_401 = arith.index_cast %add3A_396 : i32 to index
        %get3A_402 = arith.constant 0 : index
        %get3A_403 = tpu.vector_load %arg12[%get3A_401, %get3A_402] {strides = array<i32>} : memref<64x128xf32, #tpu.memory_space<vmem>>, vector<1x16xf32>,
        %get3A_404 = vector.shape_cast %get3A_403 : vector<1x16xf32> to vector<16xf32>
        %add3A_405 = arith.addf %get3A_400, %get3A_404 : vector<16xf32>
        %max3A_406 = arith.constant 0.000000e+00 : f32
        %max3A_407 = vector.broadcast %max3A_406 : f32 to vector<16xf32>
        %max3A_408 = arith.maximumf %add3A_405, %max3A_407 : vector<16xf32>
        %swap3A_409 = arith.index_cast %add3A_396 : i32 to index
        %swap3A_410 = arith.constant 0 : index
        %swap3A_411 = tpu.vector_load %arg10[%swap3A_409, %swap3A_410] {strides = array<i32>} : memref<64x128xf32, #tpu.memory_space<vmem>>, vector<1x16xf32>,
        %swap3A_412 = vector.shape_cast %swap3A_411 : vector<1x16xf32> to vector<16xf32>
        %swap3A_413 = vector.shape_cast %max3A_408 : vector<16xf32> to vector<1x16xf32>
        tpu.vector_store %arg10[%swap3A_409, %swap3A_410], %swap3A_413 {strides = array<i32>} : memref<64x128xf32, #tpu.memory_space<vmem>>, vector<1x16xf32>,
        %get3A_414 = arith.index_cast %add3A_396 : i32 to index
        %get3A_415 = arith.constant 16 : index
        %get3A_416 = tpu.vector_load %arg10[%get3A_414, %get3A_415] {strides = array<i32>} : memref<64x128xf32, #tpu.memory_space<vmem>>, vector<1x16xf32>,
        %get3A_417 = vector.shape_cast %get3A_416 : vector<1x16xf32> to vector<16xf32>
        %get3A_418 = arith.index_cast %add3A_396 : i32 to index
        %get3A_419 = arith.constant 16 : index
        %get3A_420 = tpu.vector_load %arg12[%get3A_418, %get3A_419] {strides = array<i32>} : memref<64x128xf32, #tpu.memory_space<vmem>>, vector<1x16xf32>,
        %get3A_421 = vector.shape_cast %get3A_420 : vector<1x16xf32> to vector<16xf32>
        %add3A_422 = arith.addf %get3A_417, %get3A_421 : vector<16xf32>
        %max3A_423 = arith.constant 0.000000e+00 : f32
        %max3A_424 = vector.broadcast %max3A_423 : f32 to vector<16xf32>
        %max3A_425 = arith.maximumf %add3A_422, %max3A_424 : vector<16xf32>
        %swap3A_426 = arith.index_cast %add3A_396 : i32 to index
        %swap3A_427 = arith.constant 16 : index
        %swap3A_428 = tpu.vector_load %arg10[%swap3A_426, %swap3A_427] {strides = array<i32>} : memref<64x128xf32, #tpu.memory_space<vmem>>, vector<1x16xf32>,
        %swap3A_429 = vector.shape_cast %swap3A_428 : vector<1x16xf32> to vector<16xf32>
        %swap3A_430 = vector.shape_cast %max3A_425 : vector<16xf32> to vector<1x16xf32>
        tpu.vector_store %arg10[%swap3A_426, %swap3A_427], %swap3A_430 {strides = array<i32>} : memref<64x128xf32, #tpu.memory_space<vmem>>, vector<1x16xf32>,
        %get3A_431 = arith.index_cast %add3A_396 : i32 to index
        %get3A_432 = arith.constant 32 : index
        %get3A_433 = tpu.vector_load %arg10[%get3A_431, %get3A_432] {strides = array<i32>} : memref<64x128xf32, #tpu.memory_space<vmem>>, vector<1x16xf32>,
        %get3A_434 = vector.shape_cast %get3A_433 : vector<1x16xf32> to vector<16xf32>
        %get3A_435 = arith.index_cast %add3A_396 : i32 to index
        %get3A_436 = arith.constant 32 : index
        %get3A_437 = tpu.vector_load %arg12[%get3A_435, %get3A_436] {strides = array<i32>} : memref<64x128xf32, #tpu.memory_space<vmem>>, vector<1x16xf32>,
        %get3A_438 = vector.shape_cast %get3A_437 : vector<1x16xf32> to vector<16xf32>
        %add3A_439 = arith.addf %get3A_434, %get3A_438 : vector<16xf32>
        %max3A_440 = arith.constant 0.000000e+00 : f32
        %max3A_441 = vector.broadcast %max3A_440 : f32 to vector<16xf32>
        %max3A_442 = arith.maximumf %add3A_439, %max3A_441 : vector<16xf32>
        %swap3A_443 = arith.index_cast %add3A_396 : i32 to index
        %swap3A_444 = arith.constant 32 : index
        %swap3A_445 = tpu.vector_load %arg10[%swap3A_443, %swap3A_444] {strides = array<i32>} : memref<64x128xf32, #tpu.memory_space<vmem>>, vector<1x16xf32>,
        %swap3A_446 = vector.shape_cast %swap3A_445 : vector<1x16xf32> to vector<16xf32>
        %swap3A_447 = vector.shape_cast %max3A_442 : vector<16xf32> to vector<1x16xf32>
        tpu.vector_store %arg10[%swap3A_443, %swap3A_444], %swap3A_447 {strides = array<i32>} : memref<64x128xf32, #tpu.memory_space<vmem>>, vector<1x16xf32>,
        %get3A_448 = arith.index_cast %add3A_396 : i32 to index
        %get3A_449 = arith.constant 48 : index
        %get3A_450 = tpu.vector_load %arg10[%get3A_448, %get3A_449] {strides = array<i32>} : memref<64x128xf32, #tpu.memory_space<vmem>>, vector<1x16xf32>,
        %get3A_451 = vector.shape_cast %get3A_450 : vector<1x16xf32> to vector<16xf32>
        %get3A_452 = arith.index_cast %add3A_396 : i32 to index
        %get3A_453 = arith.constant 48 : index
        %get3A_454 = tpu.vector_load %arg12[%get3A_452, %get3A_453] {strides = array<i32>} : memref<64x128xf32, #tpu.memory_space<vmem>>, vector<1x16xf32>,
        %get3A_455 = vector.shape_cast %get3A_454 : vector<1x16xf32> to vector<16xf32>
        %add3A_456 = arith.addf %get3A_451, %get3A_455 : vector<16xf32>
        %max3A_457 = arith.constant 0.000000e+00 : f32
        %max3A_458 = vector.broadcast %max3A_457 : f32 to vector<16xf32>
        %max3A_459 = arith.maximumf %add3A_456, %max3A_458 : vector<16xf32>
        %swap3A_460 = arith.index_cast %add3A_396 : i32 to index
        %swap3A_461 = arith.constant 48 : index
        %swap3A_462 = tpu.vector_load %arg10[%swap3A_460, %swap3A_461] {strides = array<i32>} : memref<64x128xf32, #tpu.memory_space<vmem>>, vector<1x16xf32>,
        %swap3A_463 = vector.shape_cast %swap3A_462 : vector<1x16xf32> to vector<16xf32>
        %swap3A_464 = vector.shape_cast %max3A_459 : vector<16xf32> to vector<1x16xf32>
        tpu.vector_store %arg10[%swap3A_460, %swap3A_461], %swap3A_464 {strides = array<i32>} : memref<64x128xf32, #tpu.memory_space<vmem>>, vector<1x16xf32>,
        %get3A_465 = arith.index_cast %add3A_396 : i32 to index
        %get3A_466 = arith.constant 64 : index
        %get3A_467 = tpu.vector_load %arg10[%get3A_465, %get3A_466] {strides = array<i32>} : memref<64x128xf32, #tpu.memory_space<vmem>>, vector<1x16xf32>,
        %get3A_468 = vector.shape_cast %get3A_467 : vector<1x16xf32> to vector<16xf32>
        %get3A_469 = arith.index_cast %add3A_396 : i32 to index
        %get3A_470 = arith.constant 64 : index
        %get3A_471 = tpu.vector_load %arg12[%get3A_469, %get3A_470] {strides = array<i32>} : memref<64x128xf32, #tpu.memory_space<vmem>>, vector<1x16xf32>,
        %get3A_472 = vector.shape_cast %get3A_471 : vector<1x16xf32> to vector<16xf32>
        %add3A_473 = arith.addf %get3A_468, %get3A_472 : vector<16xf32>
        %max3A_474 = arith.constant 0.000000e+00 : f32
        %max3A_475 = vector.broadcast %max3A_474 : f32 to vector<16xf32>
        %max3A_476 = arith.maximumf %add3A_473, %max3A_475 : vector<16xf32>
        %swap3A_477 = arith.index_cast %add3A_396 : i32 to index
        %swap3A_478 = arith.constant 64 : index
        %swap3A_479 = tpu.vector_load %arg10[%swap3A_477, %swap3A_478] {strides = array<i32>} : memref<64x128xf32, #tpu.memory_space<vmem>>, vector<1x16xf32>,
        %swap3A_480 = vector.shape_cast %swap3A_479 : vector<1x16xf32> to vector<16xf32>
        %swap3A_481 = vector.shape_cast %max3A_476 : vector<16xf32> to vector<1x16xf32>
        tpu.vector_store %arg10[%swap3A_477, %swap3A_478], %swap3A_481 {strides = array<i32>} : memref<64x128xf32, #tpu.memory_space<vmem>>, vector<1x16xf32>,
        %get3A_482 = arith.index_cast %add3A_396 : i32 to index
        %get3A_483 = arith.constant 80 : index
        %get3A_484 = tpu.vector_load %arg10[%get3A_482, %get3A_483] {strides = array<i32>} : memref<64x128xf32, #tpu.memory_space<vmem>>, vector<1x16xf32>,
        %get3A_485 = vector.shape_cast %get3A_484 : vector<1x16xf32> to vector<16xf32>
        %get3A_486 = arith.index_cast %add3A_396 : i32 to index
        %get3A_487 = arith.constant 80 : index
        %get3A_488 = tpu.vector_load %arg12[%get3A_486, %get3A_487] {strides = array<i32>} : memref<64x128xf32, #tpu.memory_space<vmem>>, vector<1x16xf32>,
        %get3A_489 = vector.shape_cast %get3A_488 : vector<1x16xf32> to vector<16xf32>
        %add3A_490 = arith.addf %get3A_485, %get3A_489 : vector<16xf32>
        %max3A_491 = arith.constant 0.000000e+00 : f32
        %max3A_492 = vector.broadcast %max3A_491 : f32 to vector<16xf32>
        %max3A_493 = arith.maximumf %add3A_490, %max3A_492 : vector<16xf32>
        %swap3A_494 = arith.index_cast %add3A_396 : i32 to index
        %swap3A_495 = arith.constant 80 : index
        %swap3A_496 = tpu.vector_load %arg10[%swap3A_494, %swap3A_495] {strides = array<i32>} : memref<64x128xf32, #tpu.memory_space<vmem>>, vector<1x16xf32>,
        %swap3A_497 = vector.shape_cast %swap3A_496 : vector<1x16xf32> to vector<16xf32>
        %swap3A_498 = vector.shape_cast %max3A_493 : vector<16xf32> to vector<1x16xf32>
        tpu.vector_store %arg10[%swap3A_494, %swap3A_495], %swap3A_498 {strides = array<i32>} : memref<64x128xf32, #tpu.memory_space<vmem>>, vector<1x16xf32>,
        %get3A_499 = arith.index_cast %add3A_396 : i32 to index
        %get3A_500 = arith.constant 96 : index
        %get3A_501 = tpu.vector_load %arg10[%get3A_499, %get3A_500] {strides = array<i32>} : memref<64x128xf32, #tpu.memory_space<vmem>>, vector<1x16xf32>,
        %get3A_502 = vector.shape_cast %get3A_501 : vector<1x16xf32> to vector<16xf32>
        %get3A_503 = arith.index_cast %add3A_396 : i32 to index
        %get3A_504 = arith.constant 96 : index
        %get3A_505 = tpu.vector_load %arg12[%get3A_503, %get3A_504] {strides = array<i32>} : memref<64x128xf32, #tpu.memory_space<vmem>>, vector<1x16xf32>,
        %get3A_506 = vector.shape_cast %get3A_505 : vector<1x16xf32> to vector<16xf32>
        %add3A_507 = arith.addf %get3A_502, %get3A_506 : vector<16xf32>
        %max3A_508 = arith.constant 0.000000e+00 : f32
        %max3A_509 = vector.broadcast %max3A_508 : f32 to vector<16xf32>
        %max3A_510 = arith.maximumf %add3A_507, %max3A_509 : vector<16xf32>
        %swap3A_511 = arith.index_cast %add3A_396 : i32 to index
        %swap3A_512 = arith.constant 96 : index
        %swap3A_513 = tpu.vector_load %arg10[%swap3A_511, %swap3A_512] {strides = array<i32>} : memref<64x128xf32, #tpu.memory_space<vmem>>, vector<1x16xf32>,
        %swap3A_514 = vector.shape_cast %swap3A_513 : vector<1x16xf32> to vector<16xf32>
        %swap3A_515 = vector.shape_cast %max3A_510 : vector<16xf32> to vector<1x16xf32>
        tpu.vector_store %arg10[%swap3A_511, %swap3A_512], %swap3A_515 {strides = array<i32>} : memref<64x128xf32, #tpu.memory_space<vmem>>, vector<1x16xf32>,
        %get3A_516 = arith.index_cast %add3A_396 : i32 to index
        %get3A_517 = arith.constant 112 : index
        %get3A_518 = tpu.vector_load %arg10[%get3A_516, %get3A_517] {strides = array<i32>} : memref<64x128xf32, #tpu.memory_space<vmem>>, vector<1x16xf32>,
        %get3A_519 = vector.shape_cast %get3A_518 : vector<1x16xf32> to vector<16xf32>
        %get3A_520 = arith.index_cast %add3A_396 : i32 to index
        %get3A_521 = arith.constant 112 : index
        %get3A_522 = tpu.vector_load %arg12[%get3A_520, %get3A_521] {strides = array<i32>} : memref<64x128xf32, #tpu.memory_space<vmem>>, vector<1x16xf32>,
        %get3A_523 = vector.shape_cast %get3A_522 : vector<1x16xf32> to vector<16xf32>
        %add3A_524 = arith.addf %get3A_519, %get3A_523 : vector<16xf32>
        %max3A_525 = arith.constant 0.000000e+00 : f32
        %max3A_526 = vector.broadcast %max3A_525 : f32 to vector<16xf32>
        %max3A_527 = arith.maximumf %add3A_524, %max3A_526 : vector<16xf32>
        %swap3A_528 = arith.index_cast %add3A_396 : i32 to index
        %swap3A_529 = arith.constant 112 : index
        %swap3A_530 = tpu.vector_load %arg10[%swap3A_528, %swap3A_529] {strides = array<i32>} : memref<64x128xf32, #tpu.memory_space<vmem>>, vector<1x16xf32>,
        %swap3A_531 = vector.shape_cast %swap3A_530 : vector<1x16xf32> to vector<16xf32>
        %swap3A_532 = vector.shape_cast %max3A_527 : vector<16xf32> to vector<1x16xf32>
        tpu.vector_store %arg10[%swap3A_528, %swap3A_529], %swap3A_532 {strides = array<i32>} : memref<64x128xf32, #tpu.memory_space<vmem>>, vector<1x16xf32>,
        %mul3A_533 = arith.constant 4 : i32
        %mul3A_534 = arith.muli %scan3A_252, %mul3A_533 : i32
        %add3A_535 = arith.constant 2 : i32
        %add3A_536 = arith.addi %mul3A_534, %add3A_535 : i32
        %get3A_537 = arith.index_cast %add3A_536 : i32 to index
        %get3A_538 = arith.constant 0 : index
        %get3A_539 = tpu.vector_load %arg10[%get3A_537, %get3A_538] {strides = array<i32>} : memref<64x128xf32, #tpu.memory_space<vmem>>, vector<1x16xf32>,
        %get3A_540 = vector.shape_cast %get3A_539 : vector<1x16xf32> to vector<16xf32>
        %get3A_541 = arith.index_cast %add3A_536 : i32 to index
        %get3A_542 = arith.constant 0 : index
        %get3A_543 = tpu.vector_load %arg12[%get3A_541, %get3A_542] {strides = array<i32>} : memref<64x128xf32, #tpu.memory_space<vmem>>, vector<1x16xf32>,
        %get3A_544 = vector.shape_cast %get3A_543 : vector<1x16xf32> to vector<16xf32>
        %add3A_545 = arith.addf %get3A_540, %get3A_544 : vector<16xf32>
        %max3A_546 = arith.constant 0.000000e+00 : f32
        %max3A_547 = vector.broadcast %max3A_546 : f32 to vector<16xf32>
        %max3A_548 = arith.maximumf %add3A_545, %max3A_547 : vector<16xf32>
        %swap3A_549 = arith.index_cast %add3A_536 : i32 to index
        %swap3A_550 = arith.constant 0 : index
        %swap3A_551 = tpu.vector_load %arg10[%swap3A_549, %swap3A_550] {strides = array<i32>} : memref<64x128xf32, #tpu.memory_space<vmem>>, vector<1x16xf32>,
        %swap3A_552 = vector.shape_cast %swap3A_551 : vector<1x16xf32> to vector<16xf32>
        %swap3A_553 = vector.shape_cast %max3A_548 : vector<16xf32> to vector<1x16xf32>
        tpu.vector_store %arg10[%swap3A_549, %swap3A_550], %swap3A_553 {strides = array<i32>} : memref<64x128xf32, #tpu.memory_space<vmem>>, vector<1x16xf32>,
        %get3A_554 = arith.index_cast %add3A_536 : i32 to index
        %get3A_555 = arith.constant 16 : index
        %get3A_556 = tpu.vector_load %arg10[%get3A_554, %get3A_555] {strides = array<i32>} : memref<64x128xf32, #tpu.memory_space<vmem>>, vector<1x16xf32>,
        %get3A_557 = vector.shape_cast %get3A_556 : vector<1x16xf32> to vector<16xf32>
        %get3A_558 = arith.index_cast %add3A_536 : i32 to index
        %get3A_559 = arith.constant 16 : index
        %get3A_560 = tpu.vector_load %arg12[%get3A_558, %get3A_559] {strides = array<i32>} : memref<64x128xf32, #tpu.memory_space<vmem>>, vector<1x16xf32>,
        %get3A_561 = vector.shape_cast %get3A_560 : vector<1x16xf32> to vector<16xf32>
        %add3A_562 = arith.addf %get3A_557, %get3A_561 : vector<16xf32>
        %max3A_563 = arith.constant 0.000000e+00 : f32
        %max3A_564 = vector.broadcast %max3A_563 : f32 to vector<16xf32>
        %max3A_565 = arith.maximumf %add3A_562, %max3A_564 : vector<16xf32>
        %swap3A_566 = arith.index_cast %add3A_536 : i32 to index
        %swap3A_567 = arith.constant 16 : index
        %swap3A_568 = tpu.vector_load %arg10[%swap3A_566, %swap3A_567] {strides = array<i32>} : memref<64x128xf32, #tpu.memory_space<vmem>>, vector<1x16xf32>,
        %swap3A_569 = vector.shape_cast %swap3A_568 : vector<1x16xf32> to vector<16xf32>
        %swap3A_570 = vector.shape_cast %max3A_565 : vector<16xf32> to vector<1x16xf32>
        tpu.vector_store %arg10[%swap3A_566, %swap3A_567], %swap3A_570 {strides = array<i32>} : memref<64x128xf32, #tpu.memory_space<vmem>>, vector<1x16xf32>,
        %get3A_571 = arith.index_cast %add3A_536 : i32 to index
        %get3A_572 = arith.constant 32 : index
        %get3A_573 = tpu.vector_load %arg10[%get3A_571, %get3A_572] {strides = array<i32>} : memref<64x128xf32, #tpu.memory_space<vmem>>, vector<1x16xf32>,
        %get3A_574 = vector.shape_cast %get3A_573 : vector<1x16xf32> to vector<16xf32>
        %get3A_575 = arith.index_cast %add3A_536 : i32 to index
        %get3A_576 = arith.constant 32 : index
        %get3A_577 = tpu.vector_load %arg12[%get3A_575, %get3A_576] {strides = array<i32>} : memref<64x128xf32, #tpu.memory_space<vmem>>, vector<1x16xf32>,
        %get3A_578 = vector.shape_cast %get3A_577 : vector<1x16xf32> to vector<16xf32>
        %add3A_579 = arith.addf %get3A_574, %get3A_578 : vector<16xf32>
        %max3A_580 = arith.constant 0.000000e+00 : f32
        %max3A_581 = vector.broadcast %max3A_580 : f32 to vector<16xf32>
        %max3A_582 = arith.maximumf %add3A_579, %max3A_581 : vector<16xf32>
        %swap3A_583 = arith.index_cast %add3A_536 : i32 to index
        %swap3A_584 = arith.constant 32 : index
        %swap3A_585 = tpu.vector_load %arg10[%swap3A_583, %swap3A_584] {strides = array<i32>} : memref<64x128xf32, #tpu.memory_space<vmem>>, vector<1x16xf32>,
        %swap3A_586 = vector.shape_cast %swap3A_585 : vector<1x16xf32> to vector<16xf32>
        %swap3A_587 = vector.shape_cast %max3A_582 : vector<16xf32> to vector<1x16xf32>
        tpu.vector_store %arg10[%swap3A_583, %swap3A_584], %swap3A_587 {strides = array<i32>} : memref<64x128xf32, #tpu.memory_space<vmem>>, vector<1x16xf32>,
        %get3A_588 = arith.index_cast %add3A_536 : i32 to index
        %get3A_589 = arith.constant 48 : index
        %get3A_590 = tpu.vector_load %arg10[%get3A_588, %get3A_589] {strides = array<i32>} : memref<64x128xf32, #tpu.memory_space<vmem>>, vector<1x16xf32>,
        %get3A_591 = vector.shape_cast %get3A_590 : vector<1x16xf32> to vector<16xf32>
        %get3A_592 = arith.index_cast %add3A_536 : i32 to index
        %get3A_593 = arith.constant 48 : index
        %get3A_594 = tpu.vector_load %arg12[%get3A_592, %get3A_593] {strides = array<i32>} : memref<64x128xf32, #tpu.memory_space<vmem>>, vector<1x16xf32>,
        %get3A_595 = vector.shape_cast %get3A_594 : vector<1x16xf32> to vector<16xf32>
        %add3A_596 = arith.addf %get3A_591, %get3A_595 : vector<16xf32>
        %max3A_597 = arith.constant 0.000000e+00 : f32
        %max3A_598 = vector.broadcast %max3A_597 : f32 to vector<16xf32>
        %max3A_599 = arith.maximumf %add3A_596, %max3A_598 : vector<16xf32>
        %swap3A_600 = arith.index_cast %add3A_536 : i32 to index
        %swap3A_601 = arith.constant 48 : index
        %swap3A_602 = tpu.vector_load %arg10[%swap3A_600, %swap3A_601] {strides = array<i32>} : memref<64x128xf32, #tpu.memory_space<vmem>>, vector<1x16xf32>,
        %swap3A_603 = vector.shape_cast %swap3A_602 : vector<1x16xf32> to vector<16xf32>
        %swap3A_604 = vector.shape_cast %max3A_599 : vector<16xf32> to vector<1x16xf32>
        tpu.vector_store %arg10[%swap3A_600, %swap3A_601], %swap3A_604 {strides = array<i32>} : memref<64x128xf32, #tpu.memory_space<vmem>>, vector<1x16xf32>,
        %get3A_605 = arith.index_cast %add3A_536 : i32 to index
        %get3A_606 = arith.constant 64 : index
        %get3A_607 = tpu.vector_load %arg10[%get3A_605, %get3A_606] {strides = array<i32>} : memref<64x128xf32, #tpu.memory_space<vmem>>, vector<1x16xf32>,
        %get3A_608 = vector.shape_cast %get3A_607 : vector<1x16xf32> to vector<16xf32>
        %get3A_609 = arith.index_cast %add3A_536 : i32 to index
        %get3A_610 = arith.constant 64 : index
        %get3A_611 = tpu.vector_load %arg12[%get3A_609, %get3A_610] {strides = array<i32>} : memref<64x128xf32, #tpu.memory_space<vmem>>, vector<1x16xf32>,
        %get3A_612 = vector.shape_cast %get3A_611 : vector<1x16xf32> to vector<16xf32>
        %add3A_613 = arith.addf %get3A_608, %get3A_612 : vector<16xf32>
        %max3A_614 = arith.constant 0.000000e+00 : f32
        %max3A_615 = vector.broadcast %max3A_614 : f32 to vector<16xf32>
        %max3A_616 = arith.maximumf %add3A_613, %max3A_615 : vector<16xf32>
        %swap3A_617 = arith.index_cast %add3A_536 : i32 to index
        %swap3A_618 = arith.constant 64 : index
        %swap3A_619 = tpu.vector_load %arg10[%swap3A_617, %swap3A_618] {strides = array<i32>} : memref<64x128xf32, #tpu.memory_space<vmem>>, vector<1x16xf32>,
        %swap3A_620 = vector.shape_cast %swap3A_619 : vector<1x16xf32> to vector<16xf32>
        %swap3A_621 = vector.shape_cast %max3A_616 : vector<16xf32> to vector<1x16xf32>
        tpu.vector_store %arg10[%swap3A_617, %swap3A_618], %swap3A_621 {strides = array<i32>} : memref<64x128xf32, #tpu.memory_space<vmem>>, vector<1x16xf32>,
        %get3A_622 = arith.index_cast %add3A_536 : i32 to index
        %get3A_623 = arith.constant 80 : index
        %get3A_624 = tpu.vector_load %arg10[%get3A_622, %get3A_623] {strides = array<i32>} : memref<64x128xf32, #tpu.memory_space<vmem>>, vector<1x16xf32>,
        %get3A_625 = vector.shape_cast %get3A_624 : vector<1x16xf32> to vector<16xf32>
        %get3A_626 = arith.index_cast %add3A_536 : i32 to index
        %get3A_627 = arith.constant 80 : index
        %get3A_628 = tpu.vector_load %arg12[%get3A_626, %get3A_627] {strides = array<i32>} : memref<64x128xf32, #tpu.memory_space<vmem>>, vector<1x16xf32>,
        %get3A_629 = vector.shape_cast %get3A_628 : vector<1x16xf32> to vector<16xf32>
        %add3A_630 = arith.addf %get3A_625, %get3A_629 : vector<16xf32>
        %max3A_631 = arith.constant 0.000000e+00 : f32
        %max3A_632 = vector.broadcast %max3A_631 : f32 to vector<16xf32>
        %max3A_633 = arith.maximumf %add3A_630, %max3A_632 : vector<16xf32>
        %swap3A_634 = arith.index_cast %add3A_536 : i32 to index
        %swap3A_635 = arith.constant 80 : index
        %swap3A_636 = tpu.vector_load %arg10[%swap3A_634, %swap3A_635] {strides = array<i32>} : memref<64x128xf32, #tpu.memory_space<vmem>>, vector<1x16xf32>,
        %swap3A_637 = vector.shape_cast %swap3A_636 : vector<1x16xf32> to vector<16xf32>
        %swap3A_638 = vector.shape_cast %max3A_633 : vector<16xf32> to vector<1x16xf32>
        tpu.vector_store %arg10[%swap3A_634, %swap3A_635], %swap3A_638 {strides = array<i32>} : memref<64x128xf32, #tpu.memory_space<vmem>>, vector<1x16xf32>,
        %get3A_639 = arith.index_cast %add3A_536 : i32 to index
        %get3A_640 = arith.constant 96 : index
        %get3A_641 = tpu.vector_load %arg10[%get3A_639, %get3A_640] {strides = array<i32>} : memref<64x128xf32, #tpu.memory_space<vmem>>, vector<1x16xf32>,
        %get3A_642 = vector.shape_cast %get3A_641 : vector<1x16xf32> to vector<16xf32>
        %get3A_643 = arith.index_cast %add3A_536 : i32 to index
        %get3A_644 = arith.constant 96 : index
        %get3A_645 = tpu.vector_load %arg12[%get3A_643, %get3A_644] {strides = array<i32>} : memref<64x128xf32, #tpu.memory_space<vmem>>, vector<1x16xf32>,
        %get3A_646 = vector.shape_cast %get3A_645 : vector<1x16xf32> to vector<16xf32>
        %add3A_647 = arith.addf %get3A_642, %get3A_646 : vector<16xf32>
        %max3A_648 = arith.constant 0.000000e+00 : f32
        %max3A_649 = vector.broadcast %max3A_648 : f32 to vector<16xf32>
        %max3A_650 = arith.maximumf %add3A_647, %max3A_649 : vector<16xf32>
        %swap3A_651 = arith.index_cast %add3A_536 : i32 to index
        %swap3A_652 = arith.constant 96 : index
        %swap3A_653 = tpu.vector_load %arg10[%swap3A_651, %swap3A_652] {strides = array<i32>} : memref<64x128xf32, #tpu.memory_space<vmem>>, vector<1x16xf32>,
        %swap3A_654 = vector.shape_cast %swap3A_653 : vector<1x16xf32> to vector<16xf32>
        %swap3A_655 = vector.shape_cast %max3A_650 : vector<16xf32> to vector<1x16xf32>
        tpu.vector_store %arg10[%swap3A_651, %swap3A_652], %swap3A_655 {strides = array<i32>} : memref<64x128xf32, #tpu.memory_space<vmem>>, vector<1x16xf32>,
        %get3A_656 = arith.index_cast %add3A_536 : i32 to index
        %get3A_657 = arith.constant 112 : index
        %get3A_658 = tpu.vector_load %arg10[%get3A_656, %get3A_657] {strides = array<i32>} : memref<64x128xf32, #tpu.memory_space<vmem>>, vector<1x16xf32>,
        %get3A_659 = vector.shape_cast %get3A_658 : vector<1x16xf32> to vector<16xf32>
        %get3A_660 = arith.index_cast %add3A_536 : i32 to index
        %get3A_661 = arith.constant 112 : index
        %get3A_662 = tpu.vector_load %arg12[%get3A_660, %get3A_661] {strides = array<i32>} : memref<64x128xf32, #tpu.memory_space<vmem>>, vector<1x16xf32>,
        %get3A_663 = vector.shape_cast %get3A_662 : vector<1x16xf32> to vector<16xf32>
        %add3A_664 = arith.addf %get3A_659, %get3A_663 : vector<16xf32>
        %max3A_665 = arith.constant 0.000000e+00 : f32
        %max3A_666 = vector.broadcast %max3A_665 : f32 to vector<16xf32>
        %max3A_667 = arith.maximumf %add3A_664, %max3A_666 : vector<16xf32>
        %swap3A_668 = arith.index_cast %add3A_536 : i32 to index
        %swap3A_669 = arith.constant 112 : index
        %swap3A_670 = tpu.vector_load %arg10[%swap3A_668, %swap3A_669] {strides = array<i32>} : memref<64x128xf32, #tpu.memory_space<vmem>>, vector<1x16xf32>,
        %swap3A_671 = vector.shape_cast %swap3A_670 : vector<1x16xf32> to vector<16xf32>
        %swap3A_672 = vector.shape_cast %max3A_667 : vector<16xf32> to vector<1x16xf32>
        tpu.vector_store %arg10[%swap3A_668, %swap3A_669], %swap3A_672 {strides = array<i32>} : memref<64x128xf32, #tpu.memory_space<vmem>>, vector<1x16xf32>,
        %mul3A_673 = arith.constant 4 : i32
        %mul3A_674 = arith.muli %scan3A_252, %mul3A_673 : i32
        %add3A_675 = arith.constant 3 : i32
        %add3A_676 = arith.addi %mul3A_674, %add3A_675 : i32
        %get3A_677 = arith.index_cast %add3A_676 : i32 to index
        %get3A_678 = arith.constant 0 : index
        %get3A_679 = tpu.vector_load %arg10[%get3A_677, %get3A_678] {strides = array<i32>} : memref<64x128xf32, #tpu.memory_space<vmem>>, vector<1x16xf32>,
        %get3A_680 = vector.shape_cast %get3A_679 : vector<1x16xf32> to vector<16xf32>
        %get3A_681 = arith.index_cast %add3A_676 : i32 to index
        %get3A_682 = arith.constant 0 : index
        %get3A_683 = tpu.vector_load %arg12[%get3A_681, %get3A_682] {strides = array<i32>} : memref<64x128xf32, #tpu.memory_space<vmem>>, vector<1x16xf32>,
        %get3A_684 = vector.shape_cast %get3A_683 : vector<1x16xf32> to vector<16xf32>
        %add3A_685 = arith.addf %get3A_680, %get3A_684 : vector<16xf32>
        %max3A_686 = arith.constant 0.000000e+00 : f32
        %max3A_687 = vector.broadcast %max3A_686 : f32 to vector<16xf32>
        %max3A_688 = arith.maximumf %add3A_685, %max3A_687 : vector<16xf32>
        %swap3A_689 = arith.index_cast %add3A_676 : i32 to index
        %swap3A_690 = arith.constant 0 : index
        %swap3A_691 = tpu.vector_load %arg10[%swap3A_689, %swap3A_690] {strides = array<i32>} : memref<64x128xf32, #tpu.memory_space<vmem>>, vector<1x16xf32>,
        %swap3A_692 = vector.shape_cast %swap3A_691 : vector<1x16xf32> to vector<16xf32>
        %swap3A_693 = vector.shape_cast %max3A_688 : vector<16xf32> to vector<1x16xf32>
        tpu.vector_store %arg10[%swap3A_689, %swap3A_690], %swap3A_693 {strides = array<i32>} : memref<64x128xf32, #tpu.memory_space<vmem>>, vector<1x16xf32>,
        %get3A_694 = arith.index_cast %add3A_676 : i32 to index
        %get3A_695 = arith.constant 16 : index
        %get3A_696 = tpu.vector_load %arg10[%get3A_694, %get3A_695] {strides = array<i32>} : memref<64x128xf32, #tpu.memory_space<vmem>>, vector<1x16xf32>,
        %get3A_697 = vector.shape_cast %get3A_696 : vector<1x16xf32> to vector<16xf32>
        %get3A_698 = arith.index_cast %add3A_676 : i32 to index
        %get3A_699 = arith.constant 16 : index
        %get3A_700 = tpu.vector_load %arg12[%get3A_698, %get3A_699] {strides = array<i32>} : memref<64x128xf32, #tpu.memory_space<vmem>>, vector<1x16xf32>,
        %get3A_701 = vector.shape_cast %get3A_700 : vector<1x16xf32> to vector<16xf32>
        %add3A_702 = arith.addf %get3A_697, %get3A_701 : vector<16xf32>
        %max3A_703 = arith.constant 0.000000e+00 : f32
        %max3A_704 = vector.broadcast %max3A_703 : f32 to vector<16xf32>
        %max3A_705 = arith.maximumf %add3A_702, %max3A_704 : vector<16xf32>
        %swap3A_706 = arith.index_cast %add3A_676 : i32 to index
        %swap3A_707 = arith.constant 16 : index
        %swap3A_708 = tpu.vector_load %arg10[%swap3A_706, %swap3A_707] {strides = array<i32>} : memref<64x128xf32, #tpu.memory_space<vmem>>, vector<1x16xf32>,
        %swap3A_709 = vector.shape_cast %swap3A_708 : vector<1x16xf32> to vector<16xf32>
        %swap3A_710 = vector.shape_cast %max3A_705 : vector<16xf32> to vector<1x16xf32>
        tpu.vector_store %arg10[%swap3A_706, %swap3A_707], %swap3A_710 {strides = array<i32>} : memref<64x128xf32, #tpu.memory_space<vmem>>, vector<1x16xf32>,
        %get3A_711 = arith.index_cast %add3A_676 : i32 to index
        %get3A_712 = arith.constant 32 : index
        %get3A_713 = tpu.vector_load %arg10[%get3A_711, %get3A_712] {strides = array<i32>} : memref<64x128xf32, #tpu.memory_space<vmem>>, vector<1x16xf32>,
        %get3A_714 = vector.shape_cast %get3A_713 : vector<1x16xf32> to vector<16xf32>
        %get3A_715 = arith.index_cast %add3A_676 : i32 to index
        %get3A_716 = arith.constant 32 : index
        %get3A_717 = tpu.vector_load %arg12[%get3A_715, %get3A_716] {strides = array<i32>} : memref<64x128xf32, #tpu.memory_space<vmem>>, vector<1x16xf32>,
        %get3A_718 = vector.shape_cast %get3A_717 : vector<1x16xf32> to vector<16xf32>
        %add3A_719 = arith.addf %get3A_714, %get3A_718 : vector<16xf32>
        %max3A_720 = arith.constant 0.000000e+00 : f32
        %max3A_721 = vector.broadcast %max3A_720 : f32 to vector<16xf32>
        %max3A_722 = arith.maximumf %add3A_719, %max3A_721 : vector<16xf32>
        %swap3A_723 = arith.index_cast %add3A_676 : i32 to index
        %swap3A_724 = arith.constant 32 : index
        %swap3A_725 = tpu.vector_load %arg10[%swap3A_723, %swap3A_724] {strides = array<i32>} : memref<64x128xf32, #tpu.memory_space<vmem>>, vector<1x16xf32>,
        %swap3A_726 = vector.shape_cast %swap3A_725 : vector<1x16xf32> to vector<16xf32>
        %swap3A_727 = vector.shape_cast %max3A_722 : vector<16xf32> to vector<1x16xf32>
        tpu.vector_store %arg10[%swap3A_723, %swap3A_724], %swap3A_727 {strides = array<i32>} : memref<64x128xf32, #tpu.memory_space<vmem>>, vector<1x16xf32>,
        %get3A_728 = arith.index_cast %add3A_676 : i32 to index
        %get3A_729 = arith.constant 48 : index
        %get3A_730 = tpu.vector_load %arg10[%get3A_728, %get3A_729] {strides = array<i32>} : memref<64x128xf32, #tpu.memory_space<vmem>>, vector<1x16xf32>,
        %get3A_731 = vector.shape_cast %get3A_730 : vector<1x16xf32> to vector<16xf32>
        %get3A_732 = arith.index_cast %add3A_676 : i32 to index
        %get3A_733 = arith.constant 48 : index
        %get3A_734 = tpu.vector_load %arg12[%get3A_732, %get3A_733] {strides = array<i32>} : memref<64x128xf32, #tpu.memory_space<vmem>>, vector<1x16xf32>,
        %get3A_735 = vector.shape_cast %get3A_734 : vector<1x16xf32> to vector<16xf32>
        %add3A_736 = arith.addf %get3A_731, %get3A_735 : vector<16xf32>
        %max3A_737 = arith.constant 0.000000e+00 : f32
        %max3A_738 = vector.broadcast %max3A_737 : f32 to vector<16xf32>
        %max3A_739 = arith.maximumf %add3A_736, %max3A_738 : vector<16xf32>
        %swap3A_740 = arith.index_cast %add3A_676 : i32 to index
        %swap3A_741 = arith.constant 48 : index
        %swap3A_742 = tpu.vector_load %arg10[%swap3A_740, %swap3A_741] {strides = array<i32>} : memref<64x128xf32, #tpu.memory_space<vmem>>, vector<1x16xf32>,
        %swap3A_743 = vector.shape_cast %swap3A_742 : vector<1x16xf32> to vector<16xf32>
        %swap3A_744 = vector.shape_cast %max3A_739 : vector<16xf32> to vector<1x16xf32>
        tpu.vector_store %arg10[%swap3A_740, %swap3A_741], %swap3A_744 {strides = array<i32>} : memref<64x128xf32, #tpu.memory_space<vmem>>, vector<1x16xf32>,
        %get3A_745 = arith.index_cast %add3A_676 : i32 to index
        %get3A_746 = arith.constant 64 : index
        %get3A_747 = tpu.vector_load %arg10[%get3A_745, %get3A_746] {strides = array<i32>} : memref<64x128xf32, #tpu.memory_space<vmem>>, vector<1x16xf32>,
        %get3A_748 = vector.shape_cast %get3A_747 : vector<1x16xf32> to vector<16xf32>
        %get3A_749 = arith.index_cast %add3A_676 : i32 to index
        %get3A_750 = arith.constant 64 : index
        %get3A_751 = tpu.vector_load %arg12[%get3A_749, %get3A_750] {strides = array<i32>} : memref<64x128xf32, #tpu.memory_space<vmem>>, vector<1x16xf32>,
        %get3A_752 = vector.shape_cast %get3A_751 : vector<1x16xf32> to vector<16xf32>
        %add3A_753 = arith.addf %get3A_748, %get3A_752 : vector<16xf32>
        %max3A_754 = arith.constant 0.000000e+00 : f32
        %max3A_755 = vector.broadcast %max3A_754 : f32 to vector<16xf32>
        %max3A_756 = arith.maximumf %add3A_753, %max3A_755 : vector<16xf32>
        %swap3A_757 = arith.index_cast %add3A_676 : i32 to index
        %swap3A_758 = arith.constant 64 : index
        %swap3A_759 = tpu.vector_load %arg10[%swap3A_757, %swap3A_758] {strides = array<i32>} : memref<64x128xf32, #tpu.memory_space<vmem>>, vector<1x16xf32>,
        %swap3A_760 = vector.shape_cast %swap3A_759 : vector<1x16xf32> to vector<16xf32>
        %swap3A_761 = vector.shape_cast %max3A_756 : vector<16xf32> to vector<1x16xf32>
        tpu.vector_store %arg10[%swap3A_757, %swap3A_758], %swap3A_761 {strides = array<i32>} : memref<64x128xf32, #tpu.memory_space<vmem>>, vector<1x16xf32>,
        %get3A_762 = arith.index_cast %add3A_676 : i32 to index
        %get3A_763 = arith.constant 80 : index
        %get3A_764 = tpu.vector_load %arg10[%get3A_762, %get3A_763] {strides = array<i32>} : memref<64x128xf32, #tpu.memory_space<vmem>>, vector<1x16xf32>,
        %get3A_765 = vector.shape_cast %get3A_764 : vector<1x16xf32> to vector<16xf32>
        %get3A_766 = arith.index_cast %add3A_676 : i32 to index
        %get3A_767 = arith.constant 80 : index
        %get3A_768 = tpu.vector_load %arg12[%get3A_766, %get3A_767] {strides = array<i32>} : memref<64x128xf32, #tpu.memory_space<vmem>>, vector<1x16xf32>,
        %get3A_769 = vector.shape_cast %get3A_768 : vector<1x16xf32> to vector<16xf32>
        %add3A_770 = arith.addf %get3A_765, %get3A_769 : vector<16xf32>
        %max3A_771 = arith.constant 0.000000e+00 : f32
        %max3A_772 = vector.broadcast %max3A_771 : f32 to vector<16xf32>
        %max3A_773 = arith.maximumf %add3A_770, %max3A_772 : vector<16xf32>
        %swap3A_774 = arith.index_cast %add3A_676 : i32 to index
        %swap3A_775 = arith.constant 80 : index
        %swap3A_776 = tpu.vector_load %arg10[%swap3A_774, %swap3A_775] {strides = array<i32>} : memref<64x128xf32, #tpu.memory_space<vmem>>, vector<1x16xf32>,
        %swap3A_777 = vector.shape_cast %swap3A_776 : vector<1x16xf32> to vector<16xf32>
        %swap3A_778 = vector.shape_cast %max3A_773 : vector<16xf32> to vector<1x16xf32>
        tpu.vector_store %arg10[%swap3A_774, %swap3A_775], %swap3A_778 {strides = array<i32>} : memref<64x128xf32, #tpu.memory_space<vmem>>, vector<1x16xf32>,
        %get3A_779 = arith.index_cast %add3A_676 : i32 to index
        %get3A_780 = arith.constant 96 : index
        %get3A_781 = tpu.vector_load %arg10[%get3A_779, %get3A_780] {strides = array<i32>} : memref<64x128xf32, #tpu.memory_space<vmem>>, vector<1x16xf32>,
        %get3A_782 = vector.shape_cast %get3A_781 : vector<1x16xf32> to vector<16xf32>
        %get3A_783 = arith.index_cast %add3A_676 : i32 to index
        %get3A_784 = arith.constant 96 : index
        %get3A_785 = tpu.vector_load %arg12[%get3A_783, %get3A_784] {strides = array<i32>} : memref<64x128xf32, #tpu.memory_space<vmem>>, vector<1x16xf32>,
        %get3A_786 = vector.shape_cast %get3A_785 : vector<1x16xf32> to vector<16xf32>
        %add3A_787 = arith.addf %get3A_782, %get3A_786 : vector<16xf32>
        %max3A_788 = arith.constant 0.000000e+00 : f32
        %max3A_789 = vector.broadcast %max3A_788 : f32 to vector<16xf32>
        %max3A_790 = arith.maximumf %add3A_787, %max3A_789 : vector<16xf32>
        %swap3A_791 = arith.index_cast %add3A_676 : i32 to index
        %swap3A_792 = arith.constant 96 : index
        %swap3A_793 = tpu.vector_load %arg10[%swap3A_791, %swap3A_792] {strides = array<i32>} : memref<64x128xf32, #tpu.memory_space<vmem>>, vector<1x16xf32>,
        %swap3A_794 = vector.shape_cast %swap3A_793 : vector<1x16xf32> to vector<16xf32>
        %swap3A_795 = vector.shape_cast %max3A_790 : vector<16xf32> to vector<1x16xf32>
        tpu.vector_store %arg10[%swap3A_791, %swap3A_792], %swap3A_795 {strides = array<i32>} : memref<64x128xf32, #tpu.memory_space<vmem>>, vector<1x16xf32>,
        %get3A_796 = arith.index_cast %add3A_676 : i32 to index
        %get3A_797 = arith.constant 112 : index
        %get3A_798 = tpu.vector_load %arg10[%get3A_796, %get3A_797] {strides = array<i32>} : memref<64x128xf32, #tpu.memory_space<vmem>>, vector<1x16xf32>,
        %get3A_799 = vector.shape_cast %get3A_798 : vector<1x16xf32> to vector<16xf32>
        %get3A_800 = arith.index_cast %add3A_676 : i32 to index
        %get3A_801 = arith.constant 112 : index
        %get3A_802 = tpu.vector_load %arg12[%get3A_800, %get3A_801] {strides = array<i32>} : memref<64x128xf32, #tpu.memory_space<vmem>>, vector<1x16xf32>,
        %get3A_803 = vector.shape_cast %get3A_802 : vector<1x16xf32> to vector<16xf32>
        %add3A_804 = arith.addf %get3A_799, %get3A_803 : vector<16xf32>
        %max3A_805 = arith.constant 0.000000e+00 : f32
        %max3A_806 = vector.broadcast %max3A_805 : f32 to vector<16xf32>
        %max3A_807 = arith.maximumf %add3A_804, %max3A_806 : vector<16xf32>
        %swap3A_808 = arith.index_cast %add3A_676 : i32 to index
        %swap3A_809 = arith.constant 112 : index
        %swap3A_810 = tpu.vector_load %arg10[%swap3A_808, %swap3A_809] {strides = array<i32>} : memref<64x128xf32, #tpu.memory_space<vmem>>, vector<1x16xf32>,
        %swap3A_811 = vector.shape_cast %swap3A_810 : vector<1x16xf32> to vector<16xf32>
        %swap3A_812 = vector.shape_cast %max3A_807 : vector<16xf32> to vector<1x16xf32>
        tpu.vector_store %arg10[%swap3A_808, %swap3A_809], %swap3A_812 {strides = array<i32>} : memref<64x128xf32, #tpu.memory_space<vmem>>, vector<1x16xf32>,
        %scan3A_813 = arith.constant 0 : i32
        scf.yield %scan3A_813 : i32
      }
      %scan3A_112 = arith.constant 16 : i32
      %mul3A_113 = arith.constant 64 : i32
      %mul3A_114 = arith.muli %mul3A_94, %mul3A_113 : i32
      %add3A_115 = arith.constant 0 : i32
      %add3A_116 = arith.addi %mul3A_114, %add3A_115 : i32
      %get3A = arith.index_cast %add3A_116 : i32 to index
      %get3A_117 = tpu.vector_load %arg8[%get3A] {strides = array<i32>} : memref<8192xi32, #tpu.memory_space<vmem>>, vector<16xi32>,
      %get3A_118 = vector.shape_cast %get3A_117 : vector<16xi32> to vector<16xi32>
      %swap3A = arith.constant 0 : i32
      %swap3A_119 = arith.index_cast %swap3A : i32 to index
      %swap3A_120 = arith.constant 0 : index
      %swap3A_121 = tpu.vector_load %arg9[%swap3A_119, %swap3A_120] {strides = array<i32>} : memref<2x64xi32, #tpu.memory_space<vmem>>, vector<1x16xi32>,
      %swap3A_122 = vector.shape_cast %swap3A_121 : vector<1x16xi32> to vector<16xi32>
      %swap3A_123 = vector.shape_cast %get3A_118 : vector<16xi32> to vector<1x16xi32>
      tpu.vector_store %arg9[%swap3A_119, %swap3A_120], %swap3A_123 {strides = array<i32>} : memref<2x64xi32, #tpu.memory_space<vmem>>, vector<1x16xi32>,
      %mul3A_124 = arith.constant 64 : i32
      %mul3A_125 = arith.muli %mul3A_94, %mul3A_124 : i32
      %add3A_126 = arith.constant 16 : i32
      %add3A_127 = arith.addi %mul3A_125, %add3A_126 : i32
      %get3A_128 = arith.index_cast %add3A_127 : i32 to index
      %get3A_129 = tpu.vector_load %arg8[%get3A_128] {strides = array<i32>} : memref<8192xi32, #tpu.memory_space<vmem>>, vector<16xi32>,
      %get3A_130 = vector.shape_cast %get3A_129 : vector<16xi32> to vector<16xi32>
      %swap3A_131 = arith.constant 0 : i32
      %swap3A_132 = arith.index_cast %swap3A_131 : i32 to index
      %swap3A_133 = arith.constant 16 : index
      %swap3A_134 = tpu.vector_load %arg9[%swap3A_132, %swap3A_133] {strides = array<i32>} : memref<2x64xi32, #tpu.memory_space<vmem>>, vector<1x16xi32>,
      %swap3A_135 = vector.shape_cast %swap3A_134 : vector<1x16xi32> to vector<16xi32>
      %swap3A_136 = vector.shape_cast %get3A_130 : vector<16xi32> to vector<1x16xi32>
      tpu.vector_store %arg9[%swap3A_132, %swap3A_133], %swap3A_136 {strides = array<i32>} : memref<2x64xi32, #tpu.memory_space<vmem>>, vector<1x16xi32>,
      %mul3A_137 = arith.constant 64 : i32
      %mul3A_138 = arith.muli %mul3A_94, %mul3A_137 : i32
      %add3A_139 = arith.constant 32 : i32
      %add3A_140 = arith.addi %mul3A_138, %add3A_139 : i32
      %get3A_141 = arith.index_cast %add3A_140 : i32 to index
      %get3A_142 = tpu.vector_load %arg8[%get3A_141] {strides = array<i32>} : memref<8192xi32, #tpu.memory_space<vmem>>, vector<16xi32>,
      %get3A_143 = vector.shape_cast %get3A_142 : vector<16xi32> to vector<16xi32>
      %swap3A_144 = arith.constant 0 : i32
      %swap3A_145 = arith.index_cast %swap3A_144 : i32 to index
      %swap3A_146 = arith.constant 32 : index
      %swap3A_147 = tpu.vector_load %arg9[%swap3A_145, %swap3A_146] {strides = array<i32>} : memref<2x64xi32, #tpu.memory_space<vmem>>, vector<1x16xi32>,
      %swap3A_148 = vector.shape_cast %swap3A_147 : vector<1x16xi32> to vector<16xi32>
      %swap3A_149 = vector.shape_cast %get3A_143 : vector<16xi32> to vector<1x16xi32>
      tpu.vector_store %arg9[%swap3A_145, %swap3A_146], %swap3A_149 {strides = array<i32>} : memref<2x64xi32, #tpu.memory_space<vmem>>, vector<1x16xi32>,
      %mul3A_150 = arith.constant 64 : i32
      %mul3A_151 = arith.muli %mul3A_94, %mul3A_150 : i32
      %add3A_152 = arith.constant 48 : i32
      %add3A_153 = arith.addi %mul3A_151, %add3A_152 : i32
      %get3A_154 = arith.index_cast %add3A_153 : i32 to index
      %get3A_155 = tpu.vector_load %arg8[%get3A_154] {strides = array<i32>} : memref<8192xi32, #tpu.memory_space<vmem>>, vector<16xi32>,
      %get3A_156 = vector.shape_cast %get3A_155 : vector<16xi32> to vector<16xi32>
      %swap3A_157 = arith.constant 0 : i32
      %swap3A_158 = arith.index_cast %swap3A_157 : i32 to index
      %swap3A_159 = arith.constant 48 : index
      %swap3A_160 = tpu.vector_load %arg9[%swap3A_158, %swap3A_159] {strides = array<i32>} : memref<2x64xi32, #tpu.memory_space<vmem>>, vector<1x16xi32>,
      %swap3A_161 = vector.shape_cast %swap3A_160 : vector<1x16xi32> to vector<16xi32>
      %swap3A_162 = vector.shape_cast %get3A_156 : vector<16xi32> to vector<1x16xi32>
      tpu.vector_store %arg9[%swap3A_158, %swap3A_159], %swap3A_162 {strides = array<i32>} : memref<2x64xi32, #tpu.memory_space<vmem>>, vector<1x16xi32>,
      %dma_start3A_163 = arith.constant 0 : i32
      %dma_start3A_164 = arith.constant 0 : i32
      %dma_start3A_165 = tpu.memref_slice %arg9[%dma_start3A_163, %dma_start3A_164] : memref<2x64xi32, #tpu.memory_space<vmem>> -> memref<1x64xi32, #tpu.memory_space<vmem>>
      %dma_start3A_166 = tpu.memref_squeeze %dma_start3A_165 : memref<1x64xi32, #tpu.memory_space<vmem>> -> memref<64xi32, #tpu.memory_space<vmem>>
      %dma_start3A_167 = arith.constant 0 : i32
      %dma_start3A_168 = arith.constant 0 : i32
      %dma_start3A_169 = tpu.memref_slice %arg14[%dma_start3A_167, %dma_start3A_168] : memref<8192x128xf32, #tpu.memory_space<vmem_shared>> -> memref<8192x128xf32, #tpu.memory_space<vmem_shared>>
      tpu.enqueue_indirect_dma source(%arg10 : memref<64x128xf32, #tpu.memory_space<vmem>>) target(%dma_start3A_169 : memref<8192x128xf32, #tpu.memory_space<vmem_shared>>) offsets(%dma_start3A_166 : memref<64xi32, #tpu.memory_space<vmem>>) semaphore(%arg19 : memref<!tpu.dma_semaphore, #tpu.memory_space<semaphore_mem>>) {add = true}
      %dma_wait3A_170 = arith.constant 0 : i32
      %dma_wait3A_171 = arith.constant 0 : i32
      %dma_wait3A_172 = tpu.memref_slice %arg5[%dma_wait3A_170, %dma_wait3A_171] : memref<262144x128xf32, #tpu.memory_space<hbm>> -> memref<64x128xf32, #tpu.memory_space<hbm>>
      %dma_wait3A_173 = arith.constant 0 : i32
      %dma_wait3A_174 = arith.constant 0 : i32
      %dma_wait3A_175 = tpu.memref_slice %arg5[%dma_wait3A_173, %dma_wait3A_174] : memref<262144x128xf32, #tpu.memory_space<hbm>> -> memref<64x128xf32, #tpu.memory_space<hbm>>
      tpu.wait_dma2 semaphore(%arg16 : memref<!tpu.dma_semaphore, #tpu.memory_space<semaphore_mem>>) src(%dma_wait3A_175 : memref<64x128xf32, #tpu.memory_space<hbm>>) dst(%arg11 : memref<64x128xf32, #tpu.memory_space<vmem>>)
      %dma_wait3A_176 = arith.constant 0 : i32
      %dma_wait3A_177 = tpu.memref_slice %arg7[%dma_wait3A_176] : memref<8192xi32, #tpu.memory_space<vmem>> -> memref<64xi32, #tpu.memory_space<vmem>>
      %dma_wait3A_178 = arith.constant 0 : i32
      %dma_wait3A_179 = arith.constant 0 : i32
      %dma_wait3A_180 = tpu.memref_slice %arg2[%dma_wait3A_178, %dma_wait3A_179] : memref<2048x128xf32, #tpu.memory_space<hbm>> -> memref<2048x128xf32, #tpu.memory_space<hbm>>
      tpu.wait_indirect_dma semaphore(%arg18 : memref<!tpu.dma_semaphore, #tpu.memory_space<semaphore_mem>>) src(%dma_wait3A_180 : memref<2048x128xf32, #tpu.memory_space<hbm>>) dst(%arg13 : memref<64x128xf32, #tpu.memory_space<vmem>>)
      %scan3A_181 = arith.constant 0 : i32
      %scan3A_182 = arith.constant 0 : i32
      %scan3A_183 = arith.constant 16 : i32
      %scan3A_184 = arith.addi %scan3A_182, %scan3A_183 : i32
      %scan3A_185 = arith.constant 1 : i32
      %scan3A_186 = scf.for %scan3A_252 = %scan3A_182 to %scan3A_184 step %scan3A_185 iter_args(%scan3A_253 = %scan3A_181) -> (i32)  : i32 {
        %mul3A_254 = arith.constant 4 : i32
        %mul3A_255 = arith.muli %scan3A_252, %mul3A_254 : i32
        %add3A_256 = arith.constant 0 : i32
        %add3A_257 = arith.addi %mul3A_255, %add3A_256 : i32
        %get3A_258 = arith.index_cast %add3A_257 : i32 to index
        %get3A_259 = arith.constant 0 : index
        %get3A_260 = tpu.vector_load %arg11[%get3A_258, %get3A_259] {strides = array<i32>} : memref<64x128xf32, #tpu.memory_space<vmem>>, vector<1x16xf32>,
        %get3A_261 = vector.shape_cast %get3A_260 : vector<1x16xf32> to vector<16xf32>
        %get3A_262 = arith.index_cast %add3A_257 : i32 to index
        %get3A_263 = arith.constant 0 : index
        %get3A_264 = tpu.vector_load %arg13[%get3A_262, %get3A_263] {strides = array<i32>} : memref<64x128xf32, #tpu.memory_space<vmem>>, vector<1x16xf32>,
        %get3A_265 = vector.shape_cast %get3A_264 : vector<1x16xf32> to vector<16xf32>
        %add3A_266 = arith.addf %get3A_261, %get3A_265 : vector<16xf32>
        %max3A = arith.constant 0.000000e+00 : f32
        %max3A_267 = vector.broadcast %max3A : f32 to vector<16xf32>
        %max3A_268 = arith.maximumf %add3A_266, %max3A_267 : vector<16xf32>
        %swap3A_269 = arith.index_cast %add3A_257 : i32 to index
        %swap3A_270 = arith.constant 0 : index
        %swap3A_271 = tpu.vector_load %arg11[%swap3A_269, %swap3A_270] {strides = array<i32>} : memref<64x128xf32, #tpu.memory_space<vmem>>, vector<1x16xf32>,
        %swap3A_272 = vector.shape_cast %swap3A_271 : vector<1x16xf32> to vector<16xf32>
        %swap3A_273 = vector.shape_cast %max3A_268 : vector<16xf32> to vector<1x16xf32>
        tpu.vector_store %arg11[%swap3A_269, %swap3A_270], %swap3A_273 {strides = array<i32>} : memref<64x128xf32, #tpu.memory_space<vmem>>, vector<1x16xf32>,
        %get3A_274 = arith.index_cast %add3A_257 : i32 to index
        %get3A_275 = arith.constant 16 : index
        %get3A_276 = tpu.vector_load %arg11[%get3A_274, %get3A_275] {strides = array<i32>} : memref<64x128xf32, #tpu.memory_space<vmem>>, vector<1x16xf32>,
        %get3A_277 = vector.shape_cast %get3A_276 : vector<1x16xf32> to vector<16xf32>
        %get3A_278 = arith.index_cast %add3A_257 : i32 to index
        %get3A_279 = arith.constant 16 : index
        %get3A_280 = tpu.vector_load %arg13[%get3A_278, %get3A_279] {strides = array<i32>} : memref<64x128xf32, #tpu.memory_space<vmem>>, vector<1x16xf32>,
        %get3A_281 = vector.shape_cast %get3A_280 : vector<1x16xf32> to vector<16xf32>
        %add3A_282 = arith.addf %get3A_277, %get3A_281 : vector<16xf32>
        %max3A_283 = arith.constant 0.000000e+00 : f32
        %max3A_284 = vector.broadcast %max3A_283 : f32 to vector<16xf32>
        %max3A_285 = arith.maximumf %add3A_282, %max3A_284 : vector<16xf32>
        %swap3A_286 = arith.index_cast %add3A_257 : i32 to index
        %swap3A_287 = arith.constant 16 : index
        %swap3A_288 = tpu.vector_load %arg11[%swap3A_286, %swap3A_287] {strides = array<i32>} : memref<64x128xf32, #tpu.memory_space<vmem>>, vector<1x16xf32>,
        %swap3A_289 = vector.shape_cast %swap3A_288 : vector<1x16xf32> to vector<16xf32>
        %swap3A_290 = vector.shape_cast %max3A_285 : vector<16xf32> to vector<1x16xf32>
        tpu.vector_store %arg11[%swap3A_286, %swap3A_287], %swap3A_290 {strides = array<i32>} : memref<64x128xf32, #tpu.memory_space<vmem>>, vector<1x16xf32>,
        %get3A_291 = arith.index_cast %add3A_257 : i32 to index
        %get3A_292 = arith.constant 32 : index
        %get3A_293 = tpu.vector_load %arg11[%get3A_291, %get3A_292] {strides = array<i32>} : memref<64x128xf32, #tpu.memory_space<vmem>>, vector<1x16xf32>,
        %get3A_294 = vector.shape_cast %get3A_293 : vector<1x16xf32> to vector<16xf32>
        %get3A_295 = arith.index_cast %add3A_257 : i32 to index
        %get3A_296 = arith.constant 32 : index
        %get3A_297 = tpu.vector_load %arg13[%get3A_295, %get3A_296] {strides = array<i32>} : memref<64x128xf32, #tpu.memory_space<vmem>>, vector<1x16xf32>,
        %get3A_298 = vector.shape_cast %get3A_297 : vector<1x16xf32> to vector<16xf32>
        %add3A_299 = arith.addf %get3A_294, %get3A_298 : vector<16xf32>
        %max3A_300 = arith.constant 0.000000e+00 : f32
        %max3A_301 = vector.broadcast %max3A_300 : f32 to vector<16xf32>
        %max3A_302 = arith.maximumf %add3A_299, %max3A_301 : vector<16xf32>
        %swap3A_303 = arith.index_cast %add3A_257 : i32 to index
        %swap3A_304 = arith.constant 32 : index
        %swap3A_305 = tpu.vector_load %arg11[%swap3A_303, %swap3A_304] {strides = array<i32>} : memref<64x128xf32, #tpu.memory_space<vmem>>, vector<1x16xf32>,
        %swap3A_306 = vector.shape_cast %swap3A_305 : vector<1x16xf32> to vector<16xf32>
        %swap3A_307 = vector.shape_cast %max3A_302 : vector<16xf32> to vector<1x16xf32>
        tpu.vector_store %arg11[%swap3A_303, %swap3A_304], %swap3A_307 {strides = array<i32>} : memref<64x128xf32, #tpu.memory_space<vmem>>, vector<1x16xf32>,
        %get3A_308 = arith.index_cast %add3A_257 : i32 to index
        %get3A_309 = arith.constant 48 : index
        %get3A_310 = tpu.vector_load %arg11[%get3A_308, %get3A_309] {strides = array<i32>} : memref<64x128xf32, #tpu.memory_space<vmem>>, vector<1x16xf32>,
        %get3A_311 = vector.shape_cast %get3A_310 : vector<1x16xf32> to vector<16xf32>
        %get3A_312 = arith.index_cast %add3A_257 : i32 to index
        %get3A_313 = arith.constant 48 : index
        %get3A_314 = tpu.vector_load %arg13[%get3A_312, %get3A_313] {strides = array<i32>} : memref<64x128xf32, #tpu.memory_space<vmem>>, vector<1x16xf32>,
        %get3A_315 = vector.shape_cast %get3A_314 : vector<1x16xf32> to vector<16xf32>
        %add3A_316 = arith.addf %get3A_311, %get3A_315 : vector<16xf32>
        %max3A_317 = arith.constant 0.000000e+00 : f32
        %max3A_318 = vector.broadcast %max3A_317 : f32 to vector<16xf32>
        %max3A_319 = arith.maximumf %add3A_316, %max3A_318 : vector<16xf32>
        %swap3A_320 = arith.index_cast %add3A_257 : i32 to index
        %swap3A_321 = arith.constant 48 : index
        %swap3A_322 = tpu.vector_load %arg11[%swap3A_320, %swap3A_321] {strides = array<i32>} : memref<64x128xf32, #tpu.memory_space<vmem>>, vector<1x16xf32>,
        %swap3A_323 = vector.shape_cast %swap3A_322 : vector<1x16xf32> to vector<16xf32>
        %swap3A_324 = vector.shape_cast %max3A_319 : vector<16xf32> to vector<1x16xf32>
        tpu.vector_store %arg11[%swap3A_320, %swap3A_321], %swap3A_324 {strides = array<i32>} : memref<64x128xf32, #tpu.memory_space<vmem>>, vector<1x16xf32>,
        %get3A_325 = arith.index_cast %add3A_257 : i32 to index
        %get3A_326 = arith.constant 64 : index
        %get3A_327 = tpu.vector_load %arg11[%get3A_325, %get3A_326] {strides = array<i32>} : memref<64x128xf32, #tpu.memory_space<vmem>>, vector<1x16xf32>,
        %get3A_328 = vector.shape_cast %get3A_327 : vector<1x16xf32> to vector<16xf32>
        %get3A_329 = arith.index_cast %add3A_257 : i32 to index
        %get3A_330 = arith.constant 64 : index
        %get3A_331 = tpu.vector_load %arg13[%get3A_329, %get3A_330] {strides = array<i32>} : memref<64x128xf32, #tpu.memory_space<vmem>>, vector<1x16xf32>,
        %get3A_332 = vector.shape_cast %get3A_331 : vector<1x16xf32> to vector<16xf32>
        %add3A_333 = arith.addf %get3A_328, %get3A_332 : vector<16xf32>
        %max3A_334 = arith.constant 0.000000e+00 : f32
        %max3A_335 = vector.broadcast %max3A_334 : f32 to vector<16xf32>
        %max3A_336 = arith.maximumf %add3A_333, %max3A_335 : vector<16xf32>
        %swap3A_337 = arith.index_cast %add3A_257 : i32 to index
        %swap3A_338 = arith.constant 64 : index
        %swap3A_339 = tpu.vector_load %arg11[%swap3A_337, %swap3A_338] {strides = array<i32>} : memref<64x128xf32, #tpu.memory_space<vmem>>, vector<1x16xf32>,
        %swap3A_340 = vector.shape_cast %swap3A_339 : vector<1x16xf32> to vector<16xf32>
        %swap3A_341 = vector.shape_cast %max3A_336 : vector<16xf32> to vector<1x16xf32>
        tpu.vector_store %arg11[%swap3A_337, %swap3A_338], %swap3A_341 {strides = array<i32>} : memref<64x128xf32, #tpu.memory_space<vmem>>, vector<1x16xf32>,
        %get3A_342 = arith.index_cast %add3A_257 : i32 to index
        %get3A_343 = arith.constant 80 : index
        %get3A_344 = tpu.vector_load %arg11[%get3A_342, %get3A_343] {strides = array<i32>} : memref<64x128xf32, #tpu.memory_space<vmem>>, vector<1x16xf32>,
        %get3A_345 = vector.shape_cast %get3A_344 : vector<1x16xf32> to vector<16xf32>
        %get3A_346 = arith.index_cast %add3A_257 : i32 to index
        %get3A_347 = arith.constant 80 : index
        %get3A_348 = tpu.vector_load %arg13[%get3A_346, %get3A_347] {strides = array<i32>} : memref<64x128xf32, #tpu.memory_space<vmem>>, vector<1x16xf32>,
        %get3A_349 = vector.shape_cast %get3A_348 : vector<1x16xf32> to vector<16xf32>
        %add3A_350 = arith.addf %get3A_345, %get3A_349 : vector<16xf32>
        %max3A_351 = arith.constant 0.000000e+00 : f32
        %max3A_352 = vector.broadcast %max3A_351 : f32 to vector<16xf32>
        %max3A_353 = arith.maximumf %add3A_350, %max3A_352 : vector<16xf32>
        %swap3A_354 = arith.index_cast %add3A_257 : i32 to index
        %swap3A_355 = arith.constant 80 : index
        %swap3A_356 = tpu.vector_load %arg11[%swap3A_354, %swap3A_355] {strides = array<i32>} : memref<64x128xf32, #tpu.memory_space<vmem>>, vector<1x16xf32>,
        %swap3A_357 = vector.shape_cast %swap3A_356 : vector<1x16xf32> to vector<16xf32>
        %swap3A_358 = vector.shape_cast %max3A_353 : vector<16xf32> to vector<1x16xf32>
        tpu.vector_store %arg11[%swap3A_354, %swap3A_355], %swap3A_358 {strides = array<i32>} : memref<64x128xf32, #tpu.memory_space<vmem>>, vector<1x16xf32>,
        %get3A_359 = arith.index_cast %add3A_257 : i32 to index
        %get3A_360 = arith.constant 96 : index
        %get3A_361 = tpu.vector_load %arg11[%get3A_359, %get3A_360] {strides = array<i32>} : memref<64x128xf32, #tpu.memory_space<vmem>>, vector<1x16xf32>,
        %get3A_362 = vector.shape_cast %get3A_361 : vector<1x16xf32> to vector<16xf32>
        %get3A_363 = arith.index_cast %add3A_257 : i32 to index
        %get3A_364 = arith.constant 96 : index
        %get3A_365 = tpu.vector_load %arg13[%get3A_363, %get3A_364] {strides = array<i32>} : memref<64x128xf32, #tpu.memory_space<vmem>>, vector<1x16xf32>,
        %get3A_366 = vector.shape_cast %get3A_365 : vector<1x16xf32> to vector<16xf32>
        %add3A_367 = arith.addf %get3A_362, %get3A_366 : vector<16xf32>
        %max3A_368 = arith.constant 0.000000e+00 : f32
        %max3A_369 = vector.broadcast %max3A_368 : f32 to vector<16xf32>
        %max3A_370 = arith.maximumf %add3A_367, %max3A_369 : vector<16xf32>
        %swap3A_371 = arith.index_cast %add3A_257 : i32 to index
        %swap3A_372 = arith.constant 96 : index
        %swap3A_373 = tpu.vector_load %arg11[%swap3A_371, %swap3A_372] {strides = array<i32>} : memref<64x128xf32, #tpu.memory_space<vmem>>, vector<1x16xf32>,
        %swap3A_374 = vector.shape_cast %swap3A_373 : vector<1x16xf32> to vector<16xf32>
        %swap3A_375 = vector.shape_cast %max3A_370 : vector<16xf32> to vector<1x16xf32>
        tpu.vector_store %arg11[%swap3A_371, %swap3A_372], %swap3A_375 {strides = array<i32>} : memref<64x128xf32, #tpu.memory_space<vmem>>, vector<1x16xf32>,
        %get3A_376 = arith.index_cast %add3A_257 : i32 to index
        %get3A_377 = arith.constant 112 : index
        %get3A_378 = tpu.vector_load %arg11[%get3A_376, %get3A_377] {strides = array<i32>} : memref<64x128xf32, #tpu.memory_space<vmem>>, vector<1x16xf32>,
        %get3A_379 = vector.shape_cast %get3A_378 : vector<1x16xf32> to vector<16xf32>
        %get3A_380 = arith.index_cast %add3A_257 : i32 to index
        %get3A_381 = arith.constant 112 : index
        %get3A_382 = tpu.vector_load %arg13[%get3A_380, %get3A_381] {strides = array<i32>} : memref<64x128xf32, #tpu.memory_space<vmem>>, vector<1x16xf32>,
        %get3A_383 = vector.shape_cast %get3A_382 : vector<1x16xf32> to vector<16xf32>
        %add3A_384 = arith.addf %get3A_379, %get3A_383 : vector<16xf32>
        %max3A_385 = arith.constant 0.000000e+00 : f32
        %max3A_386 = vector.broadcast %max3A_385 : f32 to vector<16xf32>
        %max3A_387 = arith.maximumf %add3A_384, %max3A_386 : vector<16xf32>
        %swap3A_388 = arith.index_cast %add3A_257 : i32 to index
        %swap3A_389 = arith.constant 112 : index
        %swap3A_390 = tpu.vector_load %arg11[%swap3A_388, %swap3A_389] {strides = array<i32>} : memref<64x128xf32, #tpu.memory_space<vmem>>, vector<1x16xf32>,
        %swap3A_391 = vector.shape_cast %swap3A_390 : vector<1x16xf32> to vector<16xf32>
        %swap3A_392 = vector.shape_cast %max3A_387 : vector<16xf32> to vector<1x16xf32>
        tpu.vector_store %arg11[%swap3A_388, %swap3A_389], %swap3A_392 {strides = array<i32>} : memref<64x128xf32, #tpu.memory_space<vmem>>, vector<1x16xf32>,
        %mul3A_393 = arith.constant 4 : i32
        %mul3A_394 = arith.muli %scan3A_252, %mul3A_393 : i32
        %add3A_395 = arith.constant 1 : i32
        %add3A_396 = arith.addi %mul3A_394, %add3A_395 : i32
        %get3A_397 = arith.index_cast %add3A_396 : i32 to index
        %get3A_398 = arith.constant 0 : index
        %get3A_399 = tpu.vector_load %arg11[%get3A_397, %get3A_398] {strides = array<i32>} : memref<64x128xf32, #tpu.memory_space<vmem>>, vector<1x16xf32>,
        %get3A_400 = vector.shape_cast %get3A_399 : vector<1x16xf32> to vector<16xf32>
        %get3A_401 = arith.index_cast %add3A_396 : i32 to index
        %get3A_402 = arith.constant 0 : index
        %get3A_403 = tpu.vector_load %arg13[%get3A_401, %get3A_402] {strides = array<i32>} : memref<64x128xf32, #tpu.memory_space<vmem>>, vector<1x16xf32>,
        %get3A_404 = vector.shape_cast %get3A_403 : vector<1x16xf32> to vector<16xf32>
        %add3A_405 = arith.addf %get3A_400, %get3A_404 : vector<16xf32>
        %max3A_406 = arith.constant 0.000000e+00 : f32
        %max3A_407 = vector.broadcast %max3A_406 : f32 to vector<16xf32>
        %max3A_408 = arith.maximumf %add3A_405, %max3A_407 : vector<16xf32>
        %swap3A_409 = arith.index_cast %add3A_396 : i32 to index
        %swap3A_410 = arith.constant 0 : index
        %swap3A_411 = tpu.vector_load %arg11[%swap3A_409, %swap3A_410] {strides = array<i32>} : memref<64x128xf32, #tpu.memory_space<vmem>>, vector<1x16xf32>,
        %swap3A_412 = vector.shape_cast %swap3A_411 : vector<1x16xf32> to vector<16xf32>
        %swap3A_413 = vector.shape_cast %max3A_408 : vector<16xf32> to vector<1x16xf32>
        tpu.vector_store %arg11[%swap3A_409, %swap3A_410], %swap3A_413 {strides = array<i32>} : memref<64x128xf32, #tpu.memory_space<vmem>>, vector<1x16xf32>,
        %get3A_414 = arith.index_cast %add3A_396 : i32 to index
        %get3A_415 = arith.constant 16 : index
        %get3A_416 = tpu.vector_load %arg11[%get3A_414, %get3A_415] {strides = array<i32>} : memref<64x128xf32, #tpu.memory_space<vmem>>, vector<1x16xf32>,
        %get3A_417 = vector.shape_cast %get3A_416 : vector<1x16xf32> to vector<16xf32>
        %get3A_418 = arith.index_cast %add3A_396 : i32 to index
        %get3A_419 = arith.constant 16 : index
        %get3A_420 = tpu.vector_load %arg13[%get3A_418, %get3A_419] {strides = array<i32>} : memref<64x128xf32, #tpu.memory_space<vmem>>, vector<1x16xf32>,
        %get3A_421 = vector.shape_cast %get3A_420 : vector<1x16xf32> to vector<16xf32>
        %add3A_422 = arith.addf %get3A_417, %get3A_421 : vector<16xf32>
        %max3A_423 = arith.constant 0.000000e+00 : f32
        %max3A_424 = vector.broadcast %max3A_423 : f32 to vector<16xf32>
        %max3A_425 = arith.maximumf %add3A_422, %max3A_424 : vector<16xf32>
        %swap3A_426 = arith.index_cast %add3A_396 : i32 to index
        %swap3A_427 = arith.constant 16 : index
        %swap3A_428 = tpu.vector_load %arg11[%swap3A_426, %swap3A_427] {strides = array<i32>} : memref<64x128xf32, #tpu.memory_space<vmem>>, vector<1x16xf32>,
        %swap3A_429 = vector.shape_cast %swap3A_428 : vector<1x16xf32> to vector<16xf32>
        %swap3A_430 = vector.shape_cast %max3A_425 : vector<16xf32> to vector<1x16xf32>
        tpu.vector_store %arg11[%swap3A_426, %swap3A_427], %swap3A_430 {strides = array<i32>} : memref<64x128xf32, #tpu.memory_space<vmem>>, vector<1x16xf32>,
        %get3A_431 = arith.index_cast %add3A_396 : i32 to index
        %get3A_432 = arith.constant 32 : index
        %get3A_433 = tpu.vector_load %arg11[%get3A_431, %get3A_432] {strides = array<i32>} : memref<64x128xf32, #tpu.memory_space<vmem>>, vector<1x16xf32>,
        %get3A_434 = vector.shape_cast %get3A_433 : vector<1x16xf32> to vector<16xf32>
        %get3A_435 = arith.index_cast %add3A_396 : i32 to index
        %get3A_436 = arith.constant 32 : index
        %get3A_437 = tpu.vector_load %arg13[%get3A_435, %get3A_436] {strides = array<i32>} : memref<64x128xf32, #tpu.memory_space<vmem>>, vector<1x16xf32>,
        %get3A_438 = vector.shape_cast %get3A_437 : vector<1x16xf32> to vector<16xf32>
        %add3A_439 = arith.addf %get3A_434, %get3A_438 : vector<16xf32>
        %max3A_440 = arith.constant 0.000000e+00 : f32
        %max3A_441 = vector.broadcast %max3A_440 : f32 to vector<16xf32>
        %max3A_442 = arith.maximumf %add3A_439, %max3A_441 : vector<16xf32>
        %swap3A_443 = arith.index_cast %add3A_396 : i32 to index
        %swap3A_444 = arith.constant 32 : index
        %swap3A_445 = tpu.vector_load %arg11[%swap3A_443, %swap3A_444] {strides = array<i32>} : memref<64x128xf32, #tpu.memory_space<vmem>>, vector<1x16xf32>,
        %swap3A_446 = vector.shape_cast %swap3A_445 : vector<1x16xf32> to vector<16xf32>
        %swap3A_447 = vector.shape_cast %max3A_442 : vector<16xf32> to vector<1x16xf32>
        tpu.vector_store %arg11[%swap3A_443, %swap3A_444], %swap3A_447 {strides = array<i32>} : memref<64x128xf32, #tpu.memory_space<vmem>>, vector<1x16xf32>,
        %get3A_448 = arith.index_cast %add3A_396 : i32 to index
        %get3A_449 = arith.constant 48 : index
        %get3A_450 = tpu.vector_load %arg11[%get3A_448, %get3A_449] {strides = array<i32>} : memref<64x128xf32, #tpu.memory_space<vmem>>, vector<1x16xf32>,
        %get3A_451 = vector.shape_cast %get3A_450 : vector<1x16xf32> to vector<16xf32>
        %get3A_452 = arith.index_cast %add3A_396 : i32 to index
        %get3A_453 = arith.constant 48 : index
        %get3A_454 = tpu.vector_load %arg13[%get3A_452, %get3A_453] {strides = array<i32>} : memref<64x128xf32, #tpu.memory_space<vmem>>, vector<1x16xf32>,
        %get3A_455 = vector.shape_cast %get3A_454 : vector<1x16xf32> to vector<16xf32>
        %add3A_456 = arith.addf %get3A_451, %get3A_455 : vector<16xf32>
        %max3A_457 = arith.constant 0.000000e+00 : f32
        %max3A_458 = vector.broadcast %max3A_457 : f32 to vector<16xf32>
        %max3A_459 = arith.maximumf %add3A_456, %max3A_458 : vector<16xf32>
        %swap3A_460 = arith.index_cast %add3A_396 : i32 to index
        %swap3A_461 = arith.constant 48 : index
        %swap3A_462 = tpu.vector_load %arg11[%swap3A_460, %swap3A_461] {strides = array<i32>} : memref<64x128xf32, #tpu.memory_space<vmem>>, vector<1x16xf32>,
        %swap3A_463 = vector.shape_cast %swap3A_462 : vector<1x16xf32> to vector<16xf32>
        %swap3A_464 = vector.shape_cast %max3A_459 : vector<16xf32> to vector<1x16xf32>
        tpu.vector_store %arg11[%swap3A_460, %swap3A_461], %swap3A_464 {strides = array<i32>} : memref<64x128xf32, #tpu.memory_space<vmem>>, vector<1x16xf32>,
        %get3A_465 = arith.index_cast %add3A_396 : i32 to index
        %get3A_466 = arith.constant 64 : index
        %get3A_467 = tpu.vector_load %arg11[%get3A_465, %get3A_466] {strides = array<i32>} : memref<64x128xf32, #tpu.memory_space<vmem>>, vector<1x16xf32>,
        %get3A_468 = vector.shape_cast %get3A_467 : vector<1x16xf32> to vector<16xf32>
        %get3A_469 = arith.index_cast %add3A_396 : i32 to index
        %get3A_470 = arith.constant 64 : index
        %get3A_471 = tpu.vector_load %arg13[%get3A_469, %get3A_470] {strides = array<i32>} : memref<64x128xf32, #tpu.memory_space<vmem>>, vector<1x16xf32>,
        %get3A_472 = vector.shape_cast %get3A_471 : vector<1x16xf32> to vector<16xf32>
        %add3A_473 = arith.addf %get3A_468, %get3A_472 : vector<16xf32>
        %max3A_474 = arith.constant 0.000000e+00 : f32
        %max3A_475 = vector.broadcast %max3A_474 : f32 to vector<16xf32>
        %max3A_476 = arith.maximumf %add3A_473, %max3A_475 : vector<16xf32>
        %swap3A_477 = arith.index_cast %add3A_396 : i32 to index
        %swap3A_478 = arith.constant 64 : index
        %swap3A_479 = tpu.vector_load %arg11[%swap3A_477, %swap3A_478] {strides = array<i32>} : memref<64x128xf32, #tpu.memory_space<vmem>>, vector<1x16xf32>,
        %swap3A_480 = vector.shape_cast %swap3A_479 : vector<1x16xf32> to vector<16xf32>
        %swap3A_481 = vector.shape_cast %max3A_476 : vector<16xf32> to vector<1x16xf32>
        tpu.vector_store %arg11[%swap3A_477, %swap3A_478], %swap3A_481 {strides = array<i32>} : memref<64x128xf32, #tpu.memory_space<vmem>>, vector<1x16xf32>,
        %get3A_482 = arith.index_cast %add3A_396 : i32 to index
        %get3A_483 = arith.constant 80 : index
        %get3A_484 = tpu.vector_load %arg11[%get3A_482, %get3A_483] {strides = array<i32>} : memref<64x128xf32, #tpu.memory_space<vmem>>, vector<1x16xf32>,
        %get3A_485 = vector.shape_cast %get3A_484 : vector<1x16xf32> to vector<16xf32>
        %get3A_486 = arith.index_cast %add3A_396 : i32 to index
        %get3A_487 = arith.constant 80 : index
        %get3A_488 = tpu.vector_load %arg13[%get3A_486, %get3A_487] {strides = array<i32>} : memref<64x128xf32, #tpu.memory_space<vmem>>, vector<1x16xf32>,
        %get3A_489 = vector.shape_cast %get3A_488 : vector<1x16xf32> to vector<16xf32>
        %add3A_490 = arith.addf %get3A_485, %get3A_489 : vector<16xf32>
        %max3A_491 = arith.constant 0.000000e+00 : f32
        %max3A_492 = vector.broadcast %max3A_491 : f32 to vector<16xf32>
        %max3A_493 = arith.maximumf %add3A_490, %max3A_492 : vector<16xf32>
        %swap3A_494 = arith.index_cast %add3A_396 : i32 to index
        %swap3A_495 = arith.constant 80 : index
        %swap3A_496 = tpu.vector_load %arg11[%swap3A_494, %swap3A_495] {strides = array<i32>} : memref<64x128xf32, #tpu.memory_space<vmem>>, vector<1x16xf32>,
        %swap3A_497 = vector.shape_cast %swap3A_496 : vector<1x16xf32> to vector<16xf32>
        %swap3A_498 = vector.shape_cast %max3A_493 : vector<16xf32> to vector<1x16xf32>
        tpu.vector_store %arg11[%swap3A_494, %swap3A_495], %swap3A_498 {strides = array<i32>} : memref<64x128xf32, #tpu.memory_space<vmem>>, vector<1x16xf32>,
        %get3A_499 = arith.index_cast %add3A_396 : i32 to index
        %get3A_500 = arith.constant 96 : index
        %get3A_501 = tpu.vector_load %arg11[%get3A_499, %get3A_500] {strides = array<i32>} : memref<64x128xf32, #tpu.memory_space<vmem>>, vector<1x16xf32>,
        %get3A_502 = vector.shape_cast %get3A_501 : vector<1x16xf32> to vector<16xf32>
        %get3A_503 = arith.index_cast %add3A_396 : i32 to index
        %get3A_504 = arith.constant 96 : index
        %get3A_505 = tpu.vector_load %arg13[%get3A_503, %get3A_504] {strides = array<i32>} : memref<64x128xf32, #tpu.memory_space<vmem>>, vector<1x16xf32>,
        %get3A_506 = vector.shape_cast %get3A_505 : vector<1x16xf32> to vector<16xf32>
        %add3A_507 = arith.addf %get3A_502, %get3A_506 : vector<16xf32>
        %max3A_508 = arith.constant 0.000000e+00 : f32
        %max3A_509 = vector.broadcast %max3A_508 : f32 to vector<16xf32>
        %max3A_510 = arith.maximumf %add3A_507, %max3A_509 : vector<16xf32>
        %swap3A_511 = arith.index_cast %add3A_396 : i32 to index
        %swap3A_512 = arith.constant 96 : index
        %swap3A_513 = tpu.vector_load %arg11[%swap3A_511, %swap3A_512] {strides = array<i32>} : memref<64x128xf32, #tpu.memory_space<vmem>>, vector<1x16xf32>,
        %swap3A_514 = vector.shape_cast %swap3A_513 : vector<1x16xf32> to vector<16xf32>
        %swap3A_515 = vector.shape_cast %max3A_510 : vector<16xf32> to vector<1x16xf32>
        tpu.vector_store %arg11[%swap3A_511, %swap3A_512], %swap3A_515 {strides = array<i32>} : memref<64x128xf32, #tpu.memory_space<vmem>>, vector<1x16xf32>,
        %get3A_516 = arith.index_cast %add3A_396 : i32 to index
        %get3A_517 = arith.constant 112 : index
        %get3A_518 = tpu.vector_load %arg11[%get3A_516, %get3A_517] {strides = array<i32>} : memref<64x128xf32, #tpu.memory_space<vmem>>, vector<1x16xf32>,
        %get3A_519 = vector.shape_cast %get3A_518 : vector<1x16xf32> to vector<16xf32>
        %get3A_520 = arith.index_cast %add3A_396 : i32 to index
        %get3A_521 = arith.constant 112 : index
        %get3A_522 = tpu.vector_load %arg13[%get3A_520, %get3A_521] {strides = array<i32>} : memref<64x128xf32, #tpu.memory_space<vmem>>, vector<1x16xf32>,
        %get3A_523 = vector.shape_cast %get3A_522 : vector<1x16xf32> to vector<16xf32>
        %add3A_524 = arith.addf %get3A_519, %get3A_523 : vector<16xf32>
        %max3A_525 = arith.constant 0.000000e+00 : f32
        %max3A_526 = vector.broadcast %max3A_525 : f32 to vector<16xf32>
        %max3A_527 = arith.maximumf %add3A_524, %max3A_526 : vector<16xf32>
        %swap3A_528 = arith.index_cast %add3A_396 : i32 to index
        %swap3A_529 = arith.constant 112 : index
        %swap3A_530 = tpu.vector_load %arg11[%swap3A_528, %swap3A_529] {strides = array<i32>} : memref<64x128xf32, #tpu.memory_space<vmem>>, vector<1x16xf32>,
        %swap3A_531 = vector.shape_cast %swap3A_530 : vector<1x16xf32> to vector<16xf32>
        %swap3A_532 = vector.shape_cast %max3A_527 : vector<16xf32> to vector<1x16xf32>
        tpu.vector_store %arg11[%swap3A_528, %swap3A_529], %swap3A_532 {strides = array<i32>} : memref<64x128xf32, #tpu.memory_space<vmem>>, vector<1x16xf32>,
        %mul3A_533 = arith.constant 4 : i32
        %mul3A_534 = arith.muli %scan3A_252, %mul3A_533 : i32
        %add3A_535 = arith.constant 2 : i32
        %add3A_536 = arith.addi %mul3A_534, %add3A_535 : i32
        %get3A_537 = arith.index_cast %add3A_536 : i32 to index
        %get3A_538 = arith.constant 0 : index
        %get3A_539 = tpu.vector_load %arg11[%get3A_537, %get3A_538] {strides = array<i32>} : memref<64x128xf32, #tpu.memory_space<vmem>>, vector<1x16xf32>,
        %get3A_540 = vector.shape_cast %get3A_539 : vector<1x16xf32> to vector<16xf32>
        %get3A_541 = arith.index_cast %add3A_536 : i32 to index
        %get3A_542 = arith.constant 0 : index
        %get3A_543 = tpu.vector_load %arg13[%get3A_541, %get3A_542] {strides = array<i32>} : memref<64x128xf32, #tpu.memory_space<vmem>>, vector<1x16xf32>,
        %get3A_544 = vector.shape_cast %get3A_543 : vector<1x16xf32> to vector<16xf32>
        %add3A_545 = arith.addf %get3A_540, %get3A_544 : vector<16xf32>
        %max3A_546 = arith.constant 0.000000e+00 : f32
        %max3A_547 = vector.broadcast %max3A_546 : f32 to vector<16xf32>
        %max3A_548 = arith.maximumf %add3A_545, %max3A_547 : vector<16xf32>
        %swap3A_549 = arith.index_cast %add3A_536 : i32 to index
        %swap3A_550 = arith.constant 0 : index
        %swap3A_551 = tpu.vector_load %arg11[%swap3A_549, %swap3A_550] {strides = array<i32>} : memref<64x128xf32, #tpu.memory_space<vmem>>, vector<1x16xf32>,
        %swap3A_552 = vector.shape_cast %swap3A_551 : vector<1x16xf32> to vector<16xf32>
        %swap3A_553 = vector.shape_cast %max3A_548 : vector<16xf32> to vector<1x16xf32>
        tpu.vector_store %arg11[%swap3A_549, %swap3A_550], %swap3A_553 {strides = array<i32>} : memref<64x128xf32, #tpu.memory_space<vmem>>, vector<1x16xf32>,
        %get3A_554 = arith.index_cast %add3A_536 : i32 to index
        %get3A_555 = arith.constant 16 : index
        %get3A_556 = tpu.vector_load %arg11[%get3A_554, %get3A_555] {strides = array<i32>} : memref<64x128xf32, #tpu.memory_space<vmem>>, vector<1x16xf32>,
        %get3A_557 = vector.shape_cast %get3A_556 : vector<1x16xf32> to vector<16xf32>
        %get3A_558 = arith.index_cast %add3A_536 : i32 to index
        %get3A_559 = arith.constant 16 : index
        %get3A_560 = tpu.vector_load %arg13[%get3A_558, %get3A_559] {strides = array<i32>} : memref<64x128xf32, #tpu.memory_space<vmem>>, vector<1x16xf32>,
        %get3A_561 = vector.shape_cast %get3A_560 : vector<1x16xf32> to vector<16xf32>
        %add3A_562 = arith.addf %get3A_557, %get3A_561 : vector<16xf32>
        %max3A_563 = arith.constant 0.000000e+00 : f32
        %max3A_564 = vector.broadcast %max3A_563 : f32 to vector<16xf32>
        %max3A_565 = arith.maximumf %add3A_562, %max3A_564 : vector<16xf32>
        %swap3A_566 = arith.index_cast %add3A_536 : i32 to index
        %swap3A_567 = arith.constant 16 : index
        %swap3A_568 = tpu.vector_load %arg11[%swap3A_566, %swap3A_567] {strides = array<i32>} : memref<64x128xf32, #tpu.memory_space<vmem>>, vector<1x16xf32>,
        %swap3A_569 = vector.shape_cast %swap3A_568 : vector<1x16xf32> to vector<16xf32>
        %swap3A_570 = vector.shape_cast %max3A_565 : vector<16xf32> to vector<1x16xf32>
        tpu.vector_store %arg11[%swap3A_566, %swap3A_567], %swap3A_570 {strides = array<i32>} : memref<64x128xf32, #tpu.memory_space<vmem>>, vector<1x16xf32>,
        %get3A_571 = arith.index_cast %add3A_536 : i32 to index
        %get3A_572 = arith.constant 32 : index
        %get3A_573 = tpu.vector_load %arg11[%get3A_571, %get3A_572] {strides = array<i32>} : memref<64x128xf32, #tpu.memory_space<vmem>>, vector<1x16xf32>,
        %get3A_574 = vector.shape_cast %get3A_573 : vector<1x16xf32> to vector<16xf32>
        %get3A_575 = arith.index_cast %add3A_536 : i32 to index
        %get3A_576 = arith.constant 32 : index
        %get3A_577 = tpu.vector_load %arg13[%get3A_575, %get3A_576] {strides = array<i32>} : memref<64x128xf32, #tpu.memory_space<vmem>>, vector<1x16xf32>,
        %get3A_578 = vector.shape_cast %get3A_577 : vector<1x16xf32> to vector<16xf32>
        %add3A_579 = arith.addf %get3A_574, %get3A_578 : vector<16xf32>
        %max3A_580 = arith.constant 0.000000e+00 : f32
        %max3A_581 = vector.broadcast %max3A_580 : f32 to vector<16xf32>
        %max3A_582 = arith.maximumf %add3A_579, %max3A_581 : vector<16xf32>
        %swap3A_583 = arith.index_cast %add3A_536 : i32 to index
        %swap3A_584 = arith.constant 32 : index
        %swap3A_585 = tpu.vector_load %arg11[%swap3A_583, %swap3A_584] {strides = array<i32>} : memref<64x128xf32, #tpu.memory_space<vmem>>, vector<1x16xf32>,
        %swap3A_586 = vector.shape_cast %swap3A_585 : vector<1x16xf32> to vector<16xf32>
        %swap3A_587 = vector.shape_cast %max3A_582 : vector<16xf32> to vector<1x16xf32>
        tpu.vector_store %arg11[%swap3A_583, %swap3A_584], %swap3A_587 {strides = array<i32>} : memref<64x128xf32, #tpu.memory_space<vmem>>, vector<1x16xf32>,
        %get3A_588 = arith.index_cast %add3A_536 : i32 to index
        %get3A_589 = arith.constant 48 : index
        %get3A_590 = tpu.vector_load %arg11[%get3A_588, %get3A_589] {strides = array<i32>} : memref<64x128xf32, #tpu.memory_space<vmem>>, vector<1x16xf32>,
        %get3A_591 = vector.shape_cast %get3A_590 : vector<1x16xf32> to vector<16xf32>
        %get3A_592 = arith.index_cast %add3A_536 : i32 to index
        %get3A_593 = arith.constant 48 : index
        %get3A_594 = tpu.vector_load %arg13[%get3A_592, %get3A_593] {strides = array<i32>} : memref<64x128xf32, #tpu.memory_space<vmem>>, vector<1x16xf32>,
        %get3A_595 = vector.shape_cast %get3A_594 : vector<1x16xf32> to vector<16xf32>
        %add3A_596 = arith.addf %get3A_591, %get3A_595 : vector<16xf32>
        %max3A_597 = arith.constant 0.000000e+00 : f32
        %max3A_598 = vector.broadcast %max3A_597 : f32 to vector<16xf32>
        %max3A_599 = arith.maximumf %add3A_596, %max3A_598 : vector<16xf32>
        %swap3A_600 = arith.index_cast %add3A_536 : i32 to index
        %swap3A_601 = arith.constant 48 : index
        %swap3A_602 = tpu.vector_load %arg11[%swap3A_600, %swap3A_601] {strides = array<i32>} : memref<64x128xf32, #tpu.memory_space<vmem>>, vector<1x16xf32>,
        %swap3A_603 = vector.shape_cast %swap3A_602 : vector<1x16xf32> to vector<16xf32>
        %swap3A_604 = vector.shape_cast %max3A_599 : vector<16xf32> to vector<1x16xf32>
        tpu.vector_store %arg11[%swap3A_600, %swap3A_601], %swap3A_604 {strides = array<i32>} : memref<64x128xf32, #tpu.memory_space<vmem>>, vector<1x16xf32>,
        %get3A_605 = arith.index_cast %add3A_536 : i32 to index
        %get3A_606 = arith.constant 64 : index
        %get3A_607 = tpu.vector_load %arg11[%get3A_605, %get3A_606] {strides = array<i32>} : memref<64x128xf32, #tpu.memory_space<vmem>>, vector<1x16xf32>,
        %get3A_608 = vector.shape_cast %get3A_607 : vector<1x16xf32> to vector<16xf32>
        %get3A_609 = arith.index_cast %add3A_536 : i32 to index
        %get3A_610 = arith.constant 64 : index
        %get3A_611 = tpu.vector_load %arg13[%get3A_609, %get3A_610] {strides = array<i32>} : memref<64x128xf32, #tpu.memory_space<vmem>>, vector<1x16xf32>,
        %get3A_612 = vector.shape_cast %get3A_611 : vector<1x16xf32> to vector<16xf32>
        %add3A_613 = arith.addf %get3A_608, %get3A_612 : vector<16xf32>
        %max3A_614 = arith.constant 0.000000e+00 : f32
        %max3A_615 = vector.broadcast %max3A_614 : f32 to vector<16xf32>
        %max3A_616 = arith.maximumf %add3A_613, %max3A_615 : vector<16xf32>
        %swap3A_617 = arith.index_cast %add3A_536 : i32 to index
        %swap3A_618 = arith.constant 64 : index
        %swap3A_619 = tpu.vector_load %arg11[%swap3A_617, %swap3A_618] {strides = array<i32>} : memref<64x128xf32, #tpu.memory_space<vmem>>, vector<1x16xf32>,
        %swap3A_620 = vector.shape_cast %swap3A_619 : vector<1x16xf32> to vector<16xf32>
        %swap3A_621 = vector.shape_cast %max3A_616 : vector<16xf32> to vector<1x16xf32>
        tpu.vector_store %arg11[%swap3A_617, %swap3A_618], %swap3A_621 {strides = array<i32>} : memref<64x128xf32, #tpu.memory_space<vmem>>, vector<1x16xf32>,
        %get3A_622 = arith.index_cast %add3A_536 : i32 to index
        %get3A_623 = arith.constant 80 : index
        %get3A_624 = tpu.vector_load %arg11[%get3A_622, %get3A_623] {strides = array<i32>} : memref<64x128xf32, #tpu.memory_space<vmem>>, vector<1x16xf32>,
        %get3A_625 = vector.shape_cast %get3A_624 : vector<1x16xf32> to vector<16xf32>
        %get3A_626 = arith.index_cast %add3A_536 : i32 to index
        %get3A_627 = arith.constant 80 : index
        %get3A_628 = tpu.vector_load %arg13[%get3A_626, %get3A_627] {strides = array<i32>} : memref<64x128xf32, #tpu.memory_space<vmem>>, vector<1x16xf32>,
        %get3A_629 = vector.shape_cast %get3A_628 : vector<1x16xf32> to vector<16xf32>
        %add3A_630 = arith.addf %get3A_625, %get3A_629 : vector<16xf32>
        %max3A_631 = arith.constant 0.000000e+00 : f32
        %max3A_632 = vector.broadcast %max3A_631 : f32 to vector<16xf32>
        %max3A_633 = arith.maximumf %add3A_630, %max3A_632 : vector<16xf32>
        %swap3A_634 = arith.index_cast %add3A_536 : i32 to index
        %swap3A_635 = arith.constant 80 : index
        %swap3A_636 = tpu.vector_load %arg11[%swap3A_634, %swap3A_635] {strides = array<i32>} : memref<64x128xf32, #tpu.memory_space<vmem>>, vector<1x16xf32>,
        %swap3A_637 = vector.shape_cast %swap3A_636 : vector<1x16xf32> to vector<16xf32>
        %swap3A_638 = vector.shape_cast %max3A_633 : vector<16xf32> to vector<1x16xf32>
        tpu.vector_store %arg11[%swap3A_634, %swap3A_635], %swap3A_638 {strides = array<i32>} : memref<64x128xf32, #tpu.memory_space<vmem>>, vector<1x16xf32>,
        %get3A_639 = arith.index_cast %add3A_536 : i32 to index
        %get3A_640 = arith.constant 96 : index
        %get3A_641 = tpu.vector_load %arg11[%get3A_639, %get3A_640] {strides = array<i32>} : memref<64x128xf32, #tpu.memory_space<vmem>>, vector<1x16xf32>,
        %get3A_642 = vector.shape_cast %get3A_641 : vector<1x16xf32> to vector<16xf32>
        %get3A_643 = arith.index_cast %add3A_536 : i32 to index
        %get3A_644 = arith.constant 96 : index
        %get3A_645 = tpu.vector_load %arg13[%get3A_643, %get3A_644] {strides = array<i32>} : memref<64x128xf32, #tpu.memory_space<vmem>>, vector<1x16xf32>,
        %get3A_646 = vector.shape_cast %get3A_645 : vector<1x16xf32> to vector<16xf32>
        %add3A_647 = arith.addf %get3A_642, %get3A_646 : vector<16xf32>
        %max3A_648 = arith.constant 0.000000e+00 : f32
        %max3A_649 = vector.broadcast %max3A_648 : f32 to vector<16xf32>
        %max3A_650 = arith.maximumf %add3A_647, %max3A_649 : vector<16xf32>
        %swap3A_651 = arith.index_cast %add3A_536 : i32 to index
        %swap3A_652 = arith.constant 96 : index
        %swap3A_653 = tpu.vector_load %arg11[%swap3A_651, %swap3A_652] {strides = array<i32>} : memref<64x128xf32, #tpu.memory_space<vmem>>, vector<1x16xf32>,
        %swap3A_654 = vector.shape_cast %swap3A_653 : vector<1x16xf32> to vector<16xf32>
        %swap3A_655 = vector.shape_cast %max3A_650 : vector<16xf32> to vector<1x16xf32>
        tpu.vector_store %arg11[%swap3A_651, %swap3A_652], %swap3A_655 {strides = array<i32>} : memref<64x128xf32, #tpu.memory_space<vmem>>, vector<1x16xf32>,
        %get3A_656 = arith.index_cast %add3A_536 : i32 to index
        %get3A_657 = arith.constant 112 : index
        %get3A_658 = tpu.vector_load %arg11[%get3A_656, %get3A_657] {strides = array<i32>} : memref<64x128xf32, #tpu.memory_space<vmem>>, vector<1x16xf32>,
        %get3A_659 = vector.shape_cast %get3A_658 : vector<1x16xf32> to vector<16xf32>
        %get3A_660 = arith.index_cast %add3A_536 : i32 to index
        %get3A_661 = arith.constant 112 : index
        %get3A_662 = tpu.vector_load %arg13[%get3A_660, %get3A_661] {strides = array<i32>} : memref<64x128xf32, #tpu.memory_space<vmem>>, vector<1x16xf32>,
        %get3A_663 = vector.shape_cast %get3A_662 : vector<1x16xf32> to vector<16xf32>
        %add3A_664 = arith.addf %get3A_659, %get3A_663 : vector<16xf32>
        %max3A_665 = arith.constant 0.000000e+00 : f32
        %max3A_666 = vector.broadcast %max3A_665 : f32 to vector<16xf32>
        %max3A_667 = arith.maximumf %add3A_664, %max3A_666 : vector<16xf32>
        %swap3A_668 = arith.index_cast %add3A_536 : i32 to index
        %swap3A_669 = arith.constant 112 : index
        %swap3A_670 = tpu.vector_load %arg11[%swap3A_668, %swap3A_669] {strides = array<i32>} : memref<64x128xf32, #tpu.memory_space<vmem>>, vector<1x16xf32>,
        %swap3A_671 = vector.shape_cast %swap3A_670 : vector<1x16xf32> to vector<16xf32>
        %swap3A_672 = vector.shape_cast %max3A_667 : vector<16xf32> to vector<1x16xf32>
        tpu.vector_store %arg11[%swap3A_668, %swap3A_669], %swap3A_672 {strides = array<i32>} : memref<64x128xf32, #tpu.memory_space<vmem>>, vector<1x16xf32>,
        %mul3A_673 = arith.constant 4 : i32
        %mul3A_674 = arith.muli %scan3A_252, %mul3A_673 : i32
        %add3A_675 = arith.constant 3 : i32
        %add3A_676 = arith.addi %mul3A_674, %add3A_675 : i32
        %get3A_677 = arith.index_cast %add3A_676 : i32 to index
        %get3A_678 = arith.constant 0 : index
        %get3A_679 = tpu.vector_load %arg11[%get3A_677, %get3A_678] {strides = array<i32>} : memref<64x128xf32, #tpu.memory_space<vmem>>, vector<1x16xf32>,
        %get3A_680 = vector.shape_cast %get3A_679 : vector<1x16xf32> to vector<16xf32>
        %get3A_681 = arith.index_cast %add3A_676 : i32 to index
        %get3A_682 = arith.constant 0 : index
        %get3A_683 = tpu.vector_load %arg13[%get3A_681, %get3A_682] {strides = array<i32>} : memref<64x128xf32, #tpu.memory_space<vmem>>, vector<1x16xf32>,
        %get3A_684 = vector.shape_cast %get3A_683 : vector<1x16xf32> to vector<16xf32>
        %add3A_685 = arith.addf %get3A_680, %get3A_684 : vector<16xf32>
        %max3A_686 = arith.constant 0.000000e+00 : f32
        %max3A_687 = vector.broadcast %max3A_686 : f32 to vector<16xf32>
        %max3A_688 = arith.maximumf %add3A_685, %max3A_687 : vector<16xf32>
        %swap3A_689 = arith.index_cast %add3A_676 : i32 to index
        %swap3A_690 = arith.constant 0 : index
        %swap3A_691 = tpu.vector_load %arg11[%swap3A_689, %swap3A_690] {strides = array<i32>} : memref<64x128xf32, #tpu.memory_space<vmem>>, vector<1x16xf32>,
        %swap3A_692 = vector.shape_cast %swap3A_691 : vector<1x16xf32> to vector<16xf32>
        %swap3A_693 = vector.shape_cast %max3A_688 : vector<16xf32> to vector<1x16xf32>
        tpu.vector_store %arg11[%swap3A_689, %swap3A_690], %swap3A_693 {strides = array<i32>} : memref<64x128xf32, #tpu.memory_space<vmem>>, vector<1x16xf32>,
        %get3A_694 = arith.index_cast %add3A_676 : i32 to index
        %get3A_695 = arith.constant 16 : index
        %get3A_696 = tpu.vector_load %arg11[%get3A_694, %get3A_695] {strides = array<i32>} : memref<64x128xf32, #tpu.memory_space<vmem>>, vector<1x16xf32>,
        %get3A_697 = vector.shape_cast %get3A_696 : vector<1x16xf32> to vector<16xf32>
        %get3A_698 = arith.index_cast %add3A_676 : i32 to index
        %get3A_699 = arith.constant 16 : index
        %get3A_700 = tpu.vector_load %arg13[%get3A_698, %get3A_699] {strides = array<i32>} : memref<64x128xf32, #tpu.memory_space<vmem>>, vector<1x16xf32>,
        %get3A_701 = vector.shape_cast %get3A_700 : vector<1x16xf32> to vector<16xf32>
        %add3A_702 = arith.addf %get3A_697, %get3A_701 : vector<16xf32>
        %max3A_703 = arith.constant 0.000000e+00 : f32
        %max3A_704 = vector.broadcast %max3A_703 : f32 to vector<16xf32>
        %max3A_705 = arith.maximumf %add3A_702, %max3A_704 : vector<16xf32>
        %swap3A_706 = arith.index_cast %add3A_676 : i32 to index
        %swap3A_707 = arith.constant 16 : index
        %swap3A_708 = tpu.vector_load %arg11[%swap3A_706, %swap3A_707] {strides = array<i32>} : memref<64x128xf32, #tpu.memory_space<vmem>>, vector<1x16xf32>,
        %swap3A_709 = vector.shape_cast %swap3A_708 : vector<1x16xf32> to vector<16xf32>
        %swap3A_710 = vector.shape_cast %max3A_705 : vector<16xf32> to vector<1x16xf32>
        tpu.vector_store %arg11[%swap3A_706, %swap3A_707], %swap3A_710 {strides = array<i32>} : memref<64x128xf32, #tpu.memory_space<vmem>>, vector<1x16xf32>,
        %get3A_711 = arith.index_cast %add3A_676 : i32 to index
        %get3A_712 = arith.constant 32 : index
        %get3A_713 = tpu.vector_load %arg11[%get3A_711, %get3A_712] {strides = array<i32>} : memref<64x128xf32, #tpu.memory_space<vmem>>, vector<1x16xf32>,
        %get3A_714 = vector.shape_cast %get3A_713 : vector<1x16xf32> to vector<16xf32>
        %get3A_715 = arith.index_cast %add3A_676 : i32 to index
        %get3A_716 = arith.constant 32 : index
        %get3A_717 = tpu.vector_load %arg13[%get3A_715, %get3A_716] {strides = array<i32>} : memref<64x128xf32, #tpu.memory_space<vmem>>, vector<1x16xf32>,
        %get3A_718 = vector.shape_cast %get3A_717 : vector<1x16xf32> to vector<16xf32>
        %add3A_719 = arith.addf %get3A_714, %get3A_718 : vector<16xf32>
        %max3A_720 = arith.constant 0.000000e+00 : f32
        %max3A_721 = vector.broadcast %max3A_720 : f32 to vector<16xf32>
        %max3A_722 = arith.maximumf %add3A_719, %max3A_721 : vector<16xf32>
        %swap3A_723 = arith.index_cast %add3A_676 : i32 to index
        %swap3A_724 = arith.constant 32 : index
        %swap3A_725 = tpu.vector_load %arg11[%swap3A_723, %swap3A_724] {strides = array<i32>} : memref<64x128xf32, #tpu.memory_space<vmem>>, vector<1x16xf32>,
        %swap3A_726 = vector.shape_cast %swap3A_725 : vector<1x16xf32> to vector<16xf32>
        %swap3A_727 = vector.shape_cast %max3A_722 : vector<16xf32> to vector<1x16xf32>
        tpu.vector_store %arg11[%swap3A_723, %swap3A_724], %swap3A_727 {strides = array<i32>} : memref<64x128xf32, #tpu.memory_space<vmem>>, vector<1x16xf32>,
        %get3A_728 = arith.index_cast %add3A_676 : i32 to index
        %get3A_729 = arith.constant 48 : index
        %get3A_730 = tpu.vector_load %arg11[%get3A_728, %get3A_729] {strides = array<i32>} : memref<64x128xf32, #tpu.memory_space<vmem>>, vector<1x16xf32>,
        %get3A_731 = vector.shape_cast %get3A_730 : vector<1x16xf32> to vector<16xf32>
        %get3A_732 = arith.index_cast %add3A_676 : i32 to index
        %get3A_733 = arith.constant 48 : index
        %get3A_734 = tpu.vector_load %arg13[%get3A_732, %get3A_733] {strides = array<i32>} : memref<64x128xf32, #tpu.memory_space<vmem>>, vector<1x16xf32>,
        %get3A_735 = vector.shape_cast %get3A_734 : vector<1x16xf32> to vector<16xf32>
        %add3A_736 = arith.addf %get3A_731, %get3A_735 : vector<16xf32>
        %max3A_737 = arith.constant 0.000000e+00 : f32
        %max3A_738 = vector.broadcast %max3A_737 : f32 to vector<16xf32>
        %max3A_739 = arith.maximumf %add3A_736, %max3A_738 : vector<16xf32>
        %swap3A_740 = arith.index_cast %add3A_676 : i32 to index
        %swap3A_741 = arith.constant 48 : index
        %swap3A_742 = tpu.vector_load %arg11[%swap3A_740, %swap3A_741] {strides = array<i32>} : memref<64x128xf32, #tpu.memory_space<vmem>>, vector<1x16xf32>,
        %swap3A_743 = vector.shape_cast %swap3A_742 : vector<1x16xf32> to vector<16xf32>
        %swap3A_744 = vector.shape_cast %max3A_739 : vector<16xf32> to vector<1x16xf32>
        tpu.vector_store %arg11[%swap3A_740, %swap3A_741], %swap3A_744 {strides = array<i32>} : memref<64x128xf32, #tpu.memory_space<vmem>>, vector<1x16xf32>,
        %get3A_745 = arith.index_cast %add3A_676 : i32 to index
        %get3A_746 = arith.constant 64 : index
        %get3A_747 = tpu.vector_load %arg11[%get3A_745, %get3A_746] {strides = array<i32>} : memref<64x128xf32, #tpu.memory_space<vmem>>, vector<1x16xf32>,
        %get3A_748 = vector.shape_cast %get3A_747 : vector<1x16xf32> to vector<16xf32>
        %get3A_749 = arith.index_cast %add3A_676 : i32 to index
        %get3A_750 = arith.constant 64 : index
        %get3A_751 = tpu.vector_load %arg13[%get3A_749, %get3A_750] {strides = array<i32>} : memref<64x128xf32, #tpu.memory_space<vmem>>, vector<1x16xf32>,
        %get3A_752 = vector.shape_cast %get3A_751 : vector<1x16xf32> to vector<16xf32>
        %add3A_753 = arith.addf %get3A_748, %get3A_752 : vector<16xf32>
        %max3A_754 = arith.constant 0.000000e+00 : f32
        %max3A_755 = vector.broadcast %max3A_754 : f32 to vector<16xf32>
        %max3A_756 = arith.maximumf %add3A_753, %max3A_755 : vector<16xf32>
        %swap3A_757 = arith.index_cast %add3A_676 : i32 to index
        %swap3A_758 = arith.constant 64 : index
        %swap3A_759 = tpu.vector_load %arg11[%swap3A_757, %swap3A_758] {strides = array<i32>} : memref<64x128xf32, #tpu.memory_space<vmem>>, vector<1x16xf32>,
        %swap3A_760 = vector.shape_cast %swap3A_759 : vector<1x16xf32> to vector<16xf32>
        %swap3A_761 = vector.shape_cast %max3A_756 : vector<16xf32> to vector<1x16xf32>
        tpu.vector_store %arg11[%swap3A_757, %swap3A_758], %swap3A_761 {strides = array<i32>} : memref<64x128xf32, #tpu.memory_space<vmem>>, vector<1x16xf32>,
        %get3A_762 = arith.index_cast %add3A_676 : i32 to index
        %get3A_763 = arith.constant 80 : index
        %get3A_764 = tpu.vector_load %arg11[%get3A_762, %get3A_763] {strides = array<i32>} : memref<64x128xf32, #tpu.memory_space<vmem>>, vector<1x16xf32>,
        %get3A_765 = vector.shape_cast %get3A_764 : vector<1x16xf32> to vector<16xf32>
        %get3A_766 = arith.index_cast %add3A_676 : i32 to index
        %get3A_767 = arith.constant 80 : index
        %get3A_768 = tpu.vector_load %arg13[%get3A_766, %get3A_767] {strides = array<i32>} : memref<64x128xf32, #tpu.memory_space<vmem>>, vector<1x16xf32>,
        %get3A_769 = vector.shape_cast %get3A_768 : vector<1x16xf32> to vector<16xf32>
        %add3A_770 = arith.addf %get3A_765, %get3A_769 : vector<16xf32>
        %max3A_771 = arith.constant 0.000000e+00 : f32
        %max3A_772 = vector.broadcast %max3A_771 : f32 to vector<16xf32>
        %max3A_773 = arith.maximumf %add3A_770, %max3A_772 : vector<16xf32>
        %swap3A_774 = arith.index_cast %add3A_676 : i32 to index
        %swap3A_775 = arith.constant 80 : index
        %swap3A_776 = tpu.vector_load %arg11[%swap3A_774, %swap3A_775] {strides = array<i32>} : memref<64x128xf32, #tpu.memory_space<vmem>>, vector<1x16xf32>,
        %swap3A_777 = vector.shape_cast %swap3A_776 : vector<1x16xf32> to vector<16xf32>
        %swap3A_778 = vector.shape_cast %max3A_773 : vector<16xf32> to vector<1x16xf32>
        tpu.vector_store %arg11[%swap3A_774, %swap3A_775], %swap3A_778 {strides = array<i32>} : memref<64x128xf32, #tpu.memory_space<vmem>>, vector<1x16xf32>,
        %get3A_779 = arith.index_cast %add3A_676 : i32 to index
        %get3A_780 = arith.constant 96 : index
        %get3A_781 = tpu.vector_load %arg11[%get3A_779, %get3A_780] {strides = array<i32>} : memref<64x128xf32, #tpu.memory_space<vmem>>, vector<1x16xf32>,
        %get3A_782 = vector.shape_cast %get3A_781 : vector<1x16xf32> to vector<16xf32>
        %get3A_783 = arith.index_cast %add3A_676 : i32 to index
        %get3A_784 = arith.constant 96 : index
        %get3A_785 = tpu.vector_load %arg13[%get3A_783, %get3A_784] {strides = array<i32>} : memref<64x128xf32, #tpu.memory_space<vmem>>, vector<1x16xf32>,
        %get3A_786 = vector.shape_cast %get3A_785 : vector<1x16xf32> to vector<16xf32>
        %add3A_787 = arith.addf %get3A_782, %get3A_786 : vector<16xf32>
        %max3A_788 = arith.constant 0.000000e+00 : f32
        %max3A_789 = vector.broadcast %max3A_788 : f32 to vector<16xf32>
        %max3A_790 = arith.maximumf %add3A_787, %max3A_789 : vector<16xf32>
        %swap3A_791 = arith.index_cast %add3A_676 : i32 to index
        %swap3A_792 = arith.constant 96 : index
        %swap3A_793 = tpu.vector_load %arg11[%swap3A_791, %swap3A_792] {strides = array<i32>} : memref<64x128xf32, #tpu.memory_space<vmem>>, vector<1x16xf32>,
        %swap3A_794 = vector.shape_cast %swap3A_793 : vector<1x16xf32> to vector<16xf32>
        %swap3A_795 = vector.shape_cast %max3A_790 : vector<16xf32> to vector<1x16xf32>
        tpu.vector_store %arg11[%swap3A_791, %swap3A_792], %swap3A_795 {strides = array<i32>} : memref<64x128xf32, #tpu.memory_space<vmem>>, vector<1x16xf32>,
        %get3A_796 = arith.index_cast %add3A_676 : i32 to index
        %get3A_797 = arith.constant 112 : index
        %get3A_798 = tpu.vector_load %arg11[%get3A_796, %get3A_797] {strides = array<i32>} : memref<64x128xf32, #tpu.memory_space<vmem>>, vector<1x16xf32>,
        %get3A_799 = vector.shape_cast %get3A_798 : vector<1x16xf32> to vector<16xf32>
        %get3A_800 = arith.index_cast %add3A_676 : i32 to index
        %get3A_801 = arith.constant 112 : index
        %get3A_802 = tpu.vector_load %arg13[%get3A_800, %get3A_801] {strides = array<i32>} : memref<64x128xf32, #tpu.memory_space<vmem>>, vector<1x16xf32>,
        %get3A_803 = vector.shape_cast %get3A_802 : vector<1x16xf32> to vector<16xf32>
        %add3A_804 = arith.addf %get3A_799, %get3A_803 : vector<16xf32>
        %max3A_805 = arith.constant 0.000000e+00 : f32
        %max3A_806 = vector.broadcast %max3A_805 : f32 to vector<16xf32>
        %max3A_807 = arith.maximumf %add3A_804, %max3A_806 : vector<16xf32>
        %swap3A_808 = arith.index_cast %add3A_676 : i32 to index
        %swap3A_809 = arith.constant 112 : index
        %swap3A_810 = tpu.vector_load %arg11[%swap3A_808, %swap3A_809] {strides = array<i32>} : memref<64x128xf32, #tpu.memory_space<vmem>>, vector<1x16xf32>,
        %swap3A_811 = vector.shape_cast %swap3A_810 : vector<1x16xf32> to vector<16xf32>
        %swap3A_812 = vector.shape_cast %max3A_807 : vector<16xf32> to vector<1x16xf32>
        tpu.vector_store %arg11[%swap3A_808, %swap3A_809], %swap3A_812 {strides = array<i32>} : memref<64x128xf32, #tpu.memory_space<vmem>>, vector<1x16xf32>,
        %scan3A_813 = arith.constant 0 : i32
        scf.yield %scan3A_813 : i32
      }
      %scan3A_187 = arith.constant 16 : i32
      %add3A_188 = arith.constant 1 : i32
      %add3A_189 = arith.addi %mul3A_94, %add3A_188 : i32
      %mul3A_190 = arith.constant 64 : i32
      %mul3A_191 = arith.muli %add3A_189, %mul3A_190 : i32
      %add3A_192 = arith.constant 0 : i32
      %add3A_193 = arith.addi %mul3A_191, %add3A_192 : i32
      %get3A_194 = arith.index_cast %add3A_193 : i32 to index
      %get3A_195 = tpu.vector_load %arg8[%get3A_194] {strides = array<i32>} : memref<8192xi32, #tpu.memory_space<vmem>>, vector<16xi32>,
      %get3A_196 = vector.shape_cast %get3A_195 : vector<16xi32> to vector<16xi32>
      %swap3A_197 = arith.constant 1 : i32
      %swap3A_198 = arith.index_cast %swap3A_197 : i32 to index
      %swap3A_199 = arith.constant 0 : index
      %swap3A_200 = tpu.vector_load %arg9[%swap3A_198, %swap3A_199] {strides = array<i32>} : memref<2x64xi32, #tpu.memory_space<vmem>>, vector<1x16xi32>,
      %swap3A_201 = vector.shape_cast %swap3A_200 : vector<1x16xi32> to vector<16xi32>
      %swap3A_202 = vector.shape_cast %get3A_196 : vector<16xi32> to vector<1x16xi32>
      tpu.vector_store %arg9[%swap3A_198, %swap3A_199], %swap3A_202 {strides = array<i32>} : memref<2x64xi32, #tpu.memory_space<vmem>>, vector<1x16xi32>,
      %mul3A_203 = arith.constant 64 : i32
      %mul3A_204 = arith.muli %add3A_189, %mul3A_203 : i32
      %add3A_205 = arith.constant 16 : i32
      %add3A_206 = arith.addi %mul3A_204, %add3A_205 : i32
      %get3A_207 = arith.index_cast %add3A_206 : i32 to index
      %get3A_208 = tpu.vector_load %arg8[%get3A_207] {strides = array<i32>} : memref<8192xi32, #tpu.memory_space<vmem>>, vector<16xi32>,
      %get3A_209 = vector.shape_cast %get3A_208 : vector<16xi32> to vector<16xi32>
      %swap3A_210 = arith.constant 1 : i32
      %swap3A_211 = arith.index_cast %swap3A_210 : i32 to index
      %swap3A_212 = arith.constant 16 : index
      %swap3A_213 = tpu.vector_load %arg9[%swap3A_211, %swap3A_212] {strides = array<i32>} : memref<2x64xi32, #tpu.memory_space<vmem>>, vector<1x16xi32>,
      %swap3A_214 = vector.shape_cast %swap3A_213 : vector<1x16xi32> to vector<16xi32>
      %swap3A_215 = vector.shape_cast %get3A_209 : vector<16xi32> to vector<1x16xi32>
      tpu.vector_store %arg9[%swap3A_211, %swap3A_212], %swap3A_215 {strides = array<i32>} : memref<2x64xi32, #tpu.memory_space<vmem>>, vector<1x16xi32>,
      %mul3A_216 = arith.constant 64 : i32
      %mul3A_217 = arith.muli %add3A_189, %mul3A_216 : i32
      %add3A_218 = arith.constant 32 : i32
      %add3A_219 = arith.addi %mul3A_217, %add3A_218 : i32
      %get3A_220 = arith.index_cast %add3A_219 : i32 to index
      %get3A_221 = tpu.vector_load %arg8[%get3A_220] {strides = array<i32>} : memref<8192xi32, #tpu.memory_space<vmem>>, vector<16xi32>,
      %get3A_222 = vector.shape_cast %get3A_221 : vector<16xi32> to vector<16xi32>
      %swap3A_223 = arith.constant 1 : i32
      %swap3A_224 = arith.index_cast %swap3A_223 : i32 to index
      %swap3A_225 = arith.constant 32 : index
      %swap3A_226 = tpu.vector_load %arg9[%swap3A_224, %swap3A_225] {strides = array<i32>} : memref<2x64xi32, #tpu.memory_space<vmem>>, vector<1x16xi32>,
      %swap3A_227 = vector.shape_cast %swap3A_226 : vector<1x16xi32> to vector<16xi32>
      %swap3A_228 = vector.shape_cast %get3A_222 : vector<16xi32> to vector<1x16xi32>
      tpu.vector_store %arg9[%swap3A_224, %swap3A_225], %swap3A_228 {strides = array<i32>} : memref<2x64xi32, #tpu.memory_space<vmem>>, vector<1x16xi32>,
      %mul3A_229 = arith.constant 64 : i32
      %mul3A_230 = arith.muli %add3A_189, %mul3A_229 : i32
      %add3A_231 = arith.constant 48 : i32
      %add3A_232 = arith.addi %mul3A_230, %add3A_231 : i32
      %get3A_233 = arith.index_cast %add3A_232 : i32 to index
      %get3A_234 = tpu.vector_load %arg8[%get3A_233] {strides = array<i32>} : memref<8192xi32, #tpu.memory_space<vmem>>, vector<16xi32>,
      %get3A_235 = vector.shape_cast %get3A_234 : vector<16xi32> to vector<16xi32>
      %swap3A_236 = arith.constant 1 : i32
      %swap3A_237 = arith.index_cast %swap3A_236 : i32 to index
      %swap3A_238 = arith.constant 48 : index
      %swap3A_239 = tpu.vector_load %arg9[%swap3A_237, %swap3A_238] {strides = array<i32>} : memref<2x64xi32, #tpu.memory_space<vmem>>, vector<1x16xi32>,
      %swap3A_240 = vector.shape_cast %swap3A_239 : vector<1x16xi32> to vector<16xi32>
      %swap3A_241 = vector.shape_cast %get3A_235 : vector<16xi32> to vector<1x16xi32>
      tpu.vector_store %arg9[%swap3A_237, %swap3A_238], %swap3A_241 {strides = array<i32>} : memref<2x64xi32, #tpu.memory_space<vmem>>, vector<1x16xi32>,
      %dma_start3A_242 = arith.constant 1 : i32
      %dma_start3A_243 = arith.constant 0 : i32
      %dma_start3A_244 = tpu.memref_slice %arg9[%dma_start3A_242, %dma_start3A_243] : memref<2x64xi32, #tpu.memory_space<vmem>> -> memref<1x64xi32, #tpu.memory_space<vmem>>
      %dma_start3A_245 = tpu.memref_squeeze %dma_start3A_244 : memref<1x64xi32, #tpu.memory_space<vmem>> -> memref<64xi32, #tpu.memory_space<vmem>>
      %dma_start3A_246 = arith.constant 0 : i32
      %dma_start3A_247 = arith.constant 0 : i32
      %dma_start3A_248 = tpu.memref_slice %arg14[%dma_start3A_246, %dma_start3A_247] : memref<8192x128xf32, #tpu.memory_space<vmem_shared>> -> memref<8192x128xf32, #tpu.memory_space<vmem_shared>>
      tpu.enqueue_indirect_dma source(%arg11 : memref<64x128xf32, #tpu.memory_space<vmem>>) target(%dma_start3A_248 : memref<8192x128xf32, #tpu.memory_space<vmem_shared>>) offsets(%dma_start3A_245 : memref<64xi32, #tpu.memory_space<vmem>>) semaphore(%arg20 : memref<!tpu.dma_semaphore, #tpu.memory_space<semaphore_mem>>) {add = true}
      %lt3A = arith.constant 63 : i32
      %lt3A_249 = arith.cmpi slt, %scan3A_91, %lt3A : i32
      %convert_element_type3A = arith.extui %lt3A_249 : i1 to i32
      %cond3A = arith.constant 0 : i32
      %cond3A_250 = arith.cmpi ne, %convert_element_type3A, %cond3A : i32
      scf.if %cond3A_250 {
        %dma_wait3A_252 = arith.constant 0 : i32
        %dma_wait3A_253 = arith.constant 0 : i32
        %dma_wait3A_254 = tpu.memref_slice %arg9[%dma_wait3A_252, %dma_wait3A_253] : memref<2x64xi32, #tpu.memory_space<vmem>> -> memref<1x64xi32, #tpu.memory_space<vmem>>
        %dma_wait3A_255 = tpu.memref_squeeze %dma_wait3A_254 : memref<1x64xi32, #tpu.memory_space<vmem>> -> memref<64xi32, #tpu.memory_space<vmem>>
        %dma_wait3A_256 = arith.constant 0 : i32
        %dma_wait3A_257 = arith.constant 0 : i32
        %dma_wait3A_258 = tpu.memref_slice %arg14[%dma_wait3A_256, %dma_wait3A_257] : memref<8192x128xf32, #tpu.memory_space<vmem_shared>> -> memref<8192x128xf32, #tpu.memory_space<vmem_shared>>
        tpu.wait_indirect_dma semaphore(%arg19 : memref<!tpu.dma_semaphore, #tpu.memory_space<semaphore_mem>>) src(%arg10 : memref<64x128xf32, #tpu.memory_space<vmem>>) dst(%dma_wait3A_258 : memref<8192x128xf32, #tpu.memory_space<vmem_shared>>)
        %add3A_259 = arith.constant 2 : i32
        %add3A_260 = arith.addi %mul3A_94, %add3A_259 : i32
        %mul3A_261 = arith.constant 64 : i32
        %mul3A_262 = arith.muli %add3A_260, %mul3A_261 : i32
        %add3A_263 = arith.addi %mul3A_2, %mul3A_262 : i32
        %multiple_of3A_264 = tpu.assume_multiple %add3A_263, 64 : i32
        %dma_start3A_265 = arith.constant 0 : i32
        %dma_start3A_266 = tpu.memref_slice %arg5[%multiple_of3A_264, %dma_start3A_265] : memref<262144x128xf32, #tpu.memory_space<hbm>> -> memref<64x128xf32, #tpu.memory_space<hbm>>
        %dma_start3A_267 = arith.constant 0 : i32
        %dma_start3A_268 = tpu.memref_slice %arg5[%multiple_of3A_264, %dma_start3A_267] : memref<262144x128xf32, #tpu.memory_space<hbm>> -> memref<64x128xf32, #tpu.memory_space<hbm>>
        tpu.enqueue_dma source(%dma_start3A_268 : memref<64x128xf32, #tpu.memory_space<hbm>>) target(%arg10 : memref<64x128xf32, #tpu.memory_space<vmem>>) target_semaphore(%arg15 : memref<!tpu.dma_semaphore, #tpu.memory_space<semaphore_mem>>)
        %mul3A_269 = arith.constant 64 : i32
        %mul3A_270 = arith.muli %add3A_260, %mul3A_269 : i32
        %dma_start3A_271 = tpu.memref_slice %arg7[%mul3A_270] : memref<8192xi32, #tpu.memory_space<vmem>> -> memref<64xi32, #tpu.memory_space<vmem>>
        %dma_start3A_272 = arith.constant 0 : i32
        %dma_start3A_273 = arith.constant 0 : i32
        %dma_start3A_274 = tpu.memref_slice %arg2[%dma_start3A_272, %dma_start3A_273] : memref<2048x128xf32, #tpu.memory_space<hbm>> -> memref<2048x128xf32, #tpu.memory_space<hbm>>
        tpu.enqueue_indirect_dma source(%dma_start3A_274 : memref<2048x128xf32, #tpu.memory_space<hbm>>) target(%arg12 : memref<64x128xf32, #tpu.memory_space<vmem>>) offsets(%dma_start3A_271 : memref<64xi32, #tpu.memory_space<vmem>>) semaphore(%arg17 : memref<!tpu.dma_semaphore, #tpu.memory_space<semaphore_mem>>)
        %dma_wait3A_275 = arith.constant 1 : i32
        %dma_wait3A_276 = arith.constant 0 : i32
        %dma_wait3A_277 = tpu.memref_slice %arg9[%dma_wait3A_275, %dma_wait3A_276] : memref<2x64xi32, #tpu.memory_space<vmem>> -> memref<1x64xi32, #tpu.memory_space<vmem>>
        %dma_wait3A_278 = tpu.memref_squeeze %dma_wait3A_277 : memref<1x64xi32, #tpu.memory_space<vmem>> -> memref<64xi32, #tpu.memory_space<vmem>>
        %dma_wait3A_279 = arith.constant 0 : i32
        %dma_wait3A_280 = arith.constant 0 : i32
        %dma_wait3A_281 = tpu.memref_slice %arg14[%dma_wait3A_279, %dma_wait3A_280] : memref<8192x128xf32, #tpu.memory_space<vmem_shared>> -> memref<8192x128xf32, #tpu.memory_space<vmem_shared>>
        tpu.wait_indirect_dma semaphore(%arg20 : memref<!tpu.dma_semaphore, #tpu.memory_space<semaphore_mem>>) src(%arg11 : memref<64x128xf32, #tpu.memory_space<vmem>>) dst(%dma_wait3A_281 : memref<8192x128xf32, #tpu.memory_space<vmem_shared>>)
        %add3A_282 = arith.constant 3 : i32
        %add3A_283 = arith.addi %mul3A_94, %add3A_282 : i32
        %mul3A_284 = arith.constant 64 : i32
        %mul3A_285 = arith.muli %add3A_283, %mul3A_284 : i32
        %add3A_286 = arith.addi %mul3A_2, %mul3A_285 : i32
        %multiple_of3A_287 = tpu.assume_multiple %add3A_286, 64 : i32
        %dma_start3A_288 = arith.constant 0 : i32
        %dma_start3A_289 = tpu.memref_slice %arg5[%multiple_of3A_287, %dma_start3A_288] : memref<262144x128xf32, #tpu.memory_space<hbm>> -> memref<64x128xf32, #tpu.memory_space<hbm>>
        %dma_start3A_290 = arith.constant 0 : i32
        %dma_start3A_291 = tpu.memref_slice %arg5[%multiple_of3A_287, %dma_start3A_290] : memref<262144x128xf32, #tpu.memory_space<hbm>> -> memref<64x128xf32, #tpu.memory_space<hbm>>
        tpu.enqueue_dma source(%dma_start3A_291 : memref<64x128xf32, #tpu.memory_space<hbm>>) target(%arg11 : memref<64x128xf32, #tpu.memory_space<vmem>>) target_semaphore(%arg16 : memref<!tpu.dma_semaphore, #tpu.memory_space<semaphore_mem>>)
        %mul3A_292 = arith.constant 64 : i32
        %mul3A_293 = arith.muli %add3A_283, %mul3A_292 : i32
        %dma_start3A_294 = tpu.memref_slice %arg7[%mul3A_293] : memref<8192xi32, #tpu.memory_space<vmem>> -> memref<64xi32, #tpu.memory_space<vmem>>
        %dma_start3A_295 = arith.constant 0 : i32
        %dma_start3A_296 = arith.constant 0 : i32
        %dma_start3A_297 = tpu.memref_slice %arg2[%dma_start3A_295, %dma_start3A_296] : memref<2048x128xf32, #tpu.memory_space<hbm>> -> memref<2048x128xf32, #tpu.memory_space<hbm>>
        tpu.enqueue_indirect_dma source(%dma_start3A_297 : memref<2048x128xf32, #tpu.memory_space<hbm>>) target(%arg13 : memref<64x128xf32, #tpu.memory_space<vmem>>) offsets(%dma_start3A_294 : memref<64xi32, #tpu.memory_space<vmem>>) semaphore(%arg18 : memref<!tpu.dma_semaphore, #tpu.memory_space<semaphore_mem>>)
      } else {
      }
      %scan3A_251 = arith.constant 0 : i32
      scf.yield %scan3A_251 : i32
    }
    %scan3A_69 = arith.constant 64 : i32
    %dma_wait3A = arith.constant 0 : i32
    %dma_wait3A_70 = arith.constant 0 : i32
    %dma_wait3A_71 = tpu.memref_slice %arg9[%dma_wait3A, %dma_wait3A_70] : memref<2x64xi32, #tpu.memory_space<vmem>> -> memref<1x64xi32, #tpu.memory_space<vmem>>
    %dma_wait3A_72 = tpu.memref_squeeze %dma_wait3A_71 : memref<1x64xi32, #tpu.memory_space<vmem>> -> memref<64xi32, #tpu.memory_space<vmem>>
    %dma_wait3A_73 = arith.constant 0 : i32
    %dma_wait3A_74 = arith.constant 0 : i32
    %dma_wait3A_75 = tpu.memref_slice %arg14[%dma_wait3A_73, %dma_wait3A_74] : memref<8192x128xf32, #tpu.memory_space<vmem_shared>> -> memref<8192x128xf32, #tpu.memory_space<vmem_shared>>
    tpu.wait_indirect_dma semaphore(%arg19 : memref<!tpu.dma_semaphore, #tpu.memory_space<semaphore_mem>>) src(%arg10 : memref<64x128xf32, #tpu.memory_space<vmem>>) dst(%dma_wait3A_75 : memref<8192x128xf32, #tpu.memory_space<vmem_shared>>)
    %dma_wait3A_76 = arith.constant 1 : i32
    %dma_wait3A_77 = arith.constant 0 : i32
    %dma_wait3A_78 = tpu.memref_slice %arg9[%dma_wait3A_76, %dma_wait3A_77] : memref<2x64xi32, #tpu.memory_space<vmem>> -> memref<1x64xi32, #tpu.memory_space<vmem>>
    %dma_wait3A_79 = tpu.memref_squeeze %dma_wait3A_78 : memref<1x64xi32, #tpu.memory_space<vmem>> -> memref<64xi32, #tpu.memory_space<vmem>>
    %dma_wait3A_80 = arith.constant 0 : i32
    %dma_wait3A_81 = arith.constant 0 : i32
    %dma_wait3A_82 = tpu.memref_slice %arg14[%dma_wait3A_80, %dma_wait3A_81] : memref<8192x128xf32, #tpu.memory_space<vmem_shared>> -> memref<8192x128xf32, #tpu.memory_space<vmem_shared>>
    tpu.wait_indirect_dma semaphore(%arg20 : memref<!tpu.dma_semaphore, #tpu.memory_space<semaphore_mem>>) src(%arg11 : memref<64x128xf32, #tpu.memory_space<vmem>>) dst(%dma_wait3A_82 : memref<8192x128xf32, #tpu.memory_space<vmem_shared>>)
    %barrier3A_83 = arith.constant 0 : index
    tpu.barrier barrier_id(%barrier3A_83)
    %mul3A_84 = arith.constant 8192 : i32
    %mul3A_85 = arith.muli %arg0, %mul3A_84 : i32
    %mul3A_86 = arith.constant 512 : i32
    %mul3A_87 = arith.muli %arg1, %mul3A_86 : i32
    %add3A_88 = arith.addi %mul3A_85, %mul3A_87 : i32
    %mul3A_89 = arith.constant 512 : i32
    %mul3A_90 = arith.muli %arg1, %mul3A_89 : i32
    "tpu.region"() ({
      %run_scoped3A = tpu.sem_alloc : memref<!tpu.dma_semaphore, #tpu.memory_space<semaphore_mem>>
      %dma_start3A_91 = arith.constant 0 : i32
      %dma_start3A_92 = tpu.memref_slice %arg6[%add3A_88, %dma_start3A_91] : memref<16384x128xf32, #tpu.memory_space<hbm>> -> memref<512x128xf32, #tpu.memory_space<hbm>>
      %dma_start3A_93 = arith.constant 0 : i32
      %dma_start3A_94 = tpu.memref_slice %arg14[%mul3A_90, %dma_start3A_93] : memref<8192x128xf32, #tpu.memory_space<vmem_shared>> -> memref<512x128xf32, #tpu.memory_space<vmem_shared>>
      tpu.enqueue_dma source(%dma_start3A_94 : memref<512x128xf32, #tpu.memory_space<vmem_shared>>) target(%dma_start3A_92 : memref<512x128xf32, #tpu.memory_space<hbm>>) target_semaphore(%run_scoped3A : memref<!tpu.dma_semaphore, #tpu.memory_space<semaphore_mem>>)
      %dma_wait3A_95 = arith.constant 0 : i32
      %dma_wait3A_96 = tpu.memref_slice %arg6[%add3A_88, %dma_wait3A_95] : memref<16384x128xf32, #tpu.memory_space<hbm>> -> memref<512x128xf32, #tpu.memory_space<hbm>>
      %dma_wait3A_97 = arith.constant 0 : i32
      %dma_wait3A_98 = tpu.memref_slice %arg14[%mul3A_90, %dma_wait3A_97] : memref<8192x128xf32, #tpu.memory_space<vmem_shared>> -> memref<512x128xf32, #tpu.memory_space<vmem_shared>>
      tpu.wait_dma2 semaphore(%run_scoped3A : memref<!tpu.dma_semaphore, #tpu.memory_space<semaphore_mem>>) src(%dma_wait3A_98 : memref<512x128xf32, #tpu.memory_space<vmem_shared>>) dst(%dma_wait3A_96 : memref<512x128xf32, #tpu.memory_space<hbm>>)
      tpu.yield
    }) : () -> ()
    return
  }
}

module attributes {stable_mosaic.version = 14 : i64} {
  func.func @_emb_body(%arg0: i32, %arg1: memref<4096x6xf32, #tpu.memory_space<vmem>>, %arg2: memref<4096x1xi32, #tpu.memory_space<vmem>>, %arg3: memref<6x24xf32, #tpu.memory_space<vmem>>, %arg4: memref<28x128xf32, #tpu.memory_space<vmem>>, %arg5: memref<4x128xf32, #tpu.memory_space<vmem>>, %arg6: memref<4096x128xf32, #tpu.memory_space<vmem>>) attributes {dimension_semantics = [#tpu.dimension_semantics<arbitrary>], iteration_bounds = array<i64: 64>, scalar_prefetch = 0 : i64, scratch_operands = 0 : i64, tpu.core_type = #tpu.core_type<tc>, window_params = [{transform_indices = @transform_0, window_bounds = array<i64: 4096, 6>}, {transform_indices = @transform_1, window_bounds = array<i64: 4096, 1>}, {pipeline_mode = #tpu.pipeline_mode<synchronous>, transform_indices = @transform_2, window_bounds = array<i64: 6, 24>}, {pipeline_mode = #tpu.pipeline_mode<synchronous>, transform_indices = @transform_3, window_bounds = array<i64: 28, 128>}, {pipeline_mode = #tpu.pipeline_mode<synchronous>, transform_indices = @transform_4, window_bounds = array<i64: 4, 128>}, {transform_indices = @transform_5, window_bounds = array<i64: 4096, 128>}]} {
    %get3A = arith.constant 0 : index
    %get3A_0 = arith.constant 0 : index
    %get3A_1 = vector.load %arg1[%get3A, %get3A_0] : memref<4096x6xf32, #tpu.memory_space<vmem>>, vector<4096x6xf32>
    %convert_element_type3A = arith.truncf %get3A_1 : vector<4096x6xf32> to vector<4096x6xbf16>
    %get3A_2 = arith.constant 0 : index
    %get3A_3 = arith.constant 0 : index
    %get3A_4 = vector.load %arg3[%get3A_2, %get3A_3] : memref<6x24xf32, #tpu.memory_space<vmem>>, vector<6x24xf32>
    %convert_element_type3A_5 = arith.truncf %get3A_4 : vector<6x24xf32> to vector<6x24xbf16>
    %dot_general3A = arith.constant dense<0.000000e+00> : vector<4096x24xf32>
    %dot_general3A_6 = tpu.matmul %convert_element_type3A, %convert_element_type3A_5, %dot_general3A {dimension_numbers = #tpu.dot_dimension_numbers<[1], [0], [0], [1], [0, 0, 1, 1], [], []>, transpose_lhs_hint = false} : vector<4096x6xbf16>, vector<6x24xbf16>, vector<4096x24xf32> -> vector<4096x24xf32>
    %get3A_7 = arith.constant 0 : index
    %get3A_8 = arith.constant 0 : index
    %get3A_9 = vector.load %arg2[%get3A_7, %get3A_8] : memref<4096x1xi32, #tpu.memory_space<vmem>>, vector<4096x1xi32>
    %iota3A = tpu.iota {dimensions = array<i32: 1>} : vector<1x24xi32>
    %jit3A = arith.constant 6 : i32
    %div3A = vector.broadcast %jit3A : i32 to vector<1x24xi32>
    %div3A_10 = arith.divsi %iota3A, %div3A : vector<1x24xi32>
    %sign3A = arith.constant 0 : i32
    %sign3A_11 = vector.broadcast %sign3A : i32 to vector<1x24xi32>
    %sign3A_12 = arith.cmpi sgt, %iota3A, %sign3A_11 : vector<1x24xi32>
    %sign3A_13 = arith.extui %sign3A_12 : vector<1x24xi1> to vector<1x24xi32>
    %sign3A_14 = arith.constant 0 : i32
    %sign3A_15 = vector.broadcast %sign3A_14 : i32 to vector<1x24xi32>
    %sign3A_16 = arith.cmpi slt, %iota3A, %sign3A_15 : vector<1x24xi32>
    %sign3A_17 = arith.extui %sign3A_16 : vector<1x24xi1> to vector<1x24xi32>
    %sign3A_18 = arith.subi %sign3A_13, %sign3A_17 : vector<1x24xi32>
    %sign3A_19 = arith.constant 0 : i32
    %sign3A_20 = arith.cmpi sgt, %jit3A, %sign3A_19 : i32
    %sign3A_21 = arith.extui %sign3A_20 : i1 to i32
    %sign3A_22 = arith.constant 0 : i32
    %sign3A_23 = arith.cmpi slt, %jit3A, %sign3A_22 : i32
    %sign3A_24 = arith.extui %sign3A_23 : i1 to i32
    %sign3A_25 = arith.subi %sign3A_21, %sign3A_24 : i32
    %ne3A = vector.broadcast %sign3A_25 : i32 to vector<1x24xi32>
    %ne3A_26 = arith.cmpi ne, %sign3A_18, %ne3A : vector<1x24xi32>
    %rem3A = vector.broadcast %jit3A : i32 to vector<1x24xi32>
    %rem3A_27 = arith.remsi %iota3A, %rem3A : vector<1x24xi32>
    %ne3A_28 = arith.constant 0 : i32
    %ne3A_29 = vector.broadcast %ne3A_28 : i32 to vector<1x24xi32>
    %ne3A_30 = arith.cmpi ne, %rem3A_27, %ne3A_29 : vector<1x24xi32>
    %and3A = arith.andi %ne3A_26, %ne3A_30 : vector<1x24xi1>
    %sub3A = arith.constant 1 : i32
    %sub3A_31 = vector.broadcast %sub3A : i32 to vector<1x24xi32>
    %sub3A_32 = arith.subi %div3A_10, %sub3A_31 : vector<1x24xi32>
    %select_n3A = arith.select %and3A, %sub3A_32, %div3A_10 : vector<1x24xi1>, vector<1x24xi32>
    %eq3A = vector.broadcast %get3A_9 : vector<4096x1xi32> to vector<4096x24xi32>
    %eq3A_33 = vector.broadcast %select_n3A : vector<1x24xi32> to vector<4096x24xi32>
    %eq3A_34 = arith.cmpi eq, %eq3A, %eq3A_33 : vector<4096x24xi32>
    %convert_element_type3A_35 = arith.extui %eq3A_34 : vector<4096x24xi1> to vector<4096x24xi32>
    %convert_element_type3A_36 = arith.sitofp %convert_element_type3A_35 : vector<4096x24xi32> to vector<4096x24xf32>
    %mul3A = arith.mulf %dot_general3A_6, %convert_element_type3A_36 : vector<4096x24xf32>
    %convert_element_type3A_37 = arith.truncf %mul3A : vector<4096x24xf32> to vector<4096x24xbf16>
    %iota3A_38 = tpu.iota {dimensions = array<i32: 1>} : vector<1x4xi32>
    %eq3A_39 = vector.broadcast %get3A_9 : vector<4096x1xi32> to vector<4096x4xi32>
    %eq3A_40 = vector.broadcast %iota3A_38 : vector<1x4xi32> to vector<4096x4xi32>
    %eq3A_41 = arith.cmpi eq, %eq3A_39, %eq3A_40 : vector<4096x4xi32>
    %convert_element_type3A_42 = arith.extui %eq3A_41 : vector<4096x4xi1> to vector<4096x4xi32>
    %convert_element_type3A_43 = arith.sitofp %convert_element_type3A_42 : vector<4096x4xi32> to vector<4096x4xf32>
    %convert_element_type3A_44 = arith.truncf %convert_element_type3A_43 : vector<4096x4xf32> to vector<4096x4xbf16>
    %concatenate3A = tpu.concatenate %convert_element_type3A_37, %convert_element_type3A_44 in 1 : vector<4096x24xbf16>, vector<4096x4xbf16> -> vector<4096x28xbf16>
    %get3A_45 = arith.constant 0 : index
    %get3A_46 = arith.constant 0 : index
    %get3A_47 = vector.load %arg4[%get3A_45, %get3A_46] : memref<28x128xf32, #tpu.memory_space<vmem>>, vector<28x128xf32>
    %convert_element_type3A_48 = arith.truncf %get3A_47 : vector<28x128xf32> to vector<28x128xbf16>
    %dot_general3A_49 = arith.constant dense<0.000000e+00> : vector<4096x128xf32>
    %dot_general3A_50 = tpu.matmul %concatenate3A, %convert_element_type3A_48, %dot_general3A_49 {dimension_numbers = #tpu.dot_dimension_numbers<[1], [0], [0], [1], [0, 0, 1, 1], [], []>, transpose_lhs_hint = false} : vector<4096x28xbf16>, vector<28x128xbf16>, vector<4096x128xf32> -> vector<4096x128xf32>
    %get3A_51 = arith.constant 0 : index
    %get3A_52 = arith.constant 0 : index
    %get3A_53 = vector.load %arg5[%get3A_51, %get3A_52] : memref<4x128xf32, #tpu.memory_space<vmem>>, vector<4x128xf32>
    %dot_general3A_54 = arith.constant dense<0.000000e+00> : vector<4096x128xf32>
    %dot_general3A_55 = tpu.matmul %convert_element_type3A_43, %get3A_53, %dot_general3A_54 {dimension_numbers = #tpu.dot_dimension_numbers<[1], [0], [0], [1], [0, 0, 1, 1], [], []>, transpose_lhs_hint = false} : vector<4096x4xf32>, vector<4x128xf32>, vector<4096x128xf32> -> vector<4096x128xf32>
    %add3A = arith.addf %dot_general3A_50, %dot_general3A_55 : vector<4096x128xf32>
    %swap3A = arith.constant 0 : index
    %swap3A_56 = arith.constant 0 : index
    %swap3A_57 = vector.load %arg6[%swap3A, %swap3A_56] : memref<4096x128xf32, #tpu.memory_space<vmem>>, vector<4096x128xf32>
    tpu.vector_store %arg6[%swap3A, %swap3A_56], %add3A {strides = array<i32>} : memref<4096x128xf32, #tpu.memory_space<vmem>>, vector<4096x128xf32>,
    return
  }
  func.func @transform_0(%arg0: i32) -> (i32, i32) {
    %c0_i32 = arith.constant 0 : i32
    %c0_i32_0 = arith.constant 0 : i32
    return %arg0, %c0_i32 : i32, i32
  }
  func.func @transform_1(%arg0: i32) -> (i32, i32) {
    %c0_i32 = arith.constant 0 : i32
    %c0_i32_0 = arith.constant 0 : i32
    return %arg0, %c0_i32 : i32, i32
  }
  func.func @transform_2(%arg0: i32) -> (i32, i32) {
    %c0_i32 = arith.constant 0 : i32
    %c0_i32_0 = arith.constant 0 : i32
    %c0_i32_1 = arith.constant 0 : i32
    return %c0_i32, %c0_i32_0 : i32, i32
  }
  func.func @transform_3(%arg0: i32) -> (i32, i32) {
    %c0_i32 = arith.constant 0 : i32
    %c0_i32_0 = arith.constant 0 : i32
    %c0_i32_1 = arith.constant 0 : i32
    return %c0_i32, %c0_i32_0 : i32, i32
  }
  func.func @transform_4(%arg0: i32) -> (i32, i32) {
    %c0_i32 = arith.constant 0 : i32
    %c0_i32_0 = arith.constant 0 : i32
    %c0_i32_1 = arith.constant 0 : i32
    return %c0_i32, %c0_i32_0 : i32, i32
  }
  func.func @transform_5(%arg0: i32) -> (i32, i32) {
    %c0_i32 = arith.constant 0 : i32
    %c0_i32_0 = arith.constant 0 : i32
    return %arg0, %c0_i32 : i32, i32
  }
}

module attributes {stable_mosaic.version = 14 : i64} {
  func.func @_qkv_body(%arg0: memref<2048x128xf32, #tpu.memory_space<vmem>>, %arg1: memref<384x128xf32, #tpu.memory_space<vmem>>, %arg2: memref<1x384xf32, #tpu.memory_space<vmem>>, %arg3: memref<2048x384xf32, #tpu.memory_space<vmem>>) attributes {dimension_semantics = [], scalar_prefetch = 0 : i64, scratch_operands = 0 : i64, tpu.core_type = #tpu.core_type<tc>} {
    %get3A = arith.constant 0 : index
    %get3A_0 = arith.constant 0 : index
    %get3A_1 = vector.load %arg0[%get3A, %get3A_0] : memref<2048x128xf32, #tpu.memory_space<vmem>>, vector<2048x128xf32>
    %get3A_2 = arith.constant 0 : index
    %get3A_3 = arith.constant 0 : index
    %get3A_4 = vector.load %arg1[%get3A_2, %get3A_3] : memref<384x128xf32, #tpu.memory_space<vmem>>, vector<384x128xf32>
    %dot_general3A = arith.constant dense<0.000000e+00> : vector<2048x384xf32>
    %dot_general3A_5 = tpu.matmul %get3A_1, %get3A_4, %dot_general3A {dimension_numbers = #tpu.dot_dimension_numbers<[1], [1], [0], [0], [0, 0, 1, 0], [], []>, transpose_lhs_hint = false} : vector<2048x128xf32>, vector<384x128xf32>, vector<2048x384xf32> -> vector<2048x384xf32>
    %get3A_6 = arith.constant 0 : index
    %get3A_7 = arith.constant 0 : index
    %get3A_8 = vector.load %arg2[%get3A_6, %get3A_7] : memref<1x384xf32, #tpu.memory_space<vmem>>, vector<1x384xf32>
    %add3A = vector.broadcast %get3A_8 : vector<1x384xf32> to vector<2048x384xf32>
    %add3A_9 = arith.addf %dot_general3A_5, %add3A : vector<2048x384xf32>
    %swap3A = arith.constant 0 : index
    %swap3A_10 = arith.constant 0 : index
    %swap3A_11 = vector.load %arg3[%swap3A, %swap3A_10] : memref<2048x384xf32, #tpu.memory_space<vmem>>, vector<2048x384xf32>
    tpu.vector_store %arg3[%swap3A, %swap3A_10], %add3A_9 {strides = array<i32>} : memref<2048x384xf32, #tpu.memory_space<vmem>>, vector<2048x384xf32>,
    return
  }
}

module attributes {stable_mosaic.version = 14 : i64} {
  func.func @_attn_body(%arg0: i32, %arg1: memref<256x128xf32, #tpu.memory_space<vmem>>, %arg2: memref<2048x128xf32, #tpu.memory_space<vmem>>, %arg3: memref<2048x128xf32, #tpu.memory_space<vmem>>, %arg4: memref<256x2048xf32, #tpu.memory_space<vmem>>, %arg5: memref<256x128xf32, #tpu.memory_space<vmem>>) attributes {dimension_semantics = [#tpu.dimension_semantics<arbitrary>], iteration_bounds = array<i64: 8>, scalar_prefetch = 0 : i64, scratch_operands = 0 : i64, tpu.core_type = #tpu.core_type<tc>, window_params = [{transform_indices = @transform_0, window_bounds = array<i64: 256, 128>}, {pipeline_mode = #tpu.pipeline_mode<synchronous>, transform_indices = @transform_1, window_bounds = array<i64: 2048, 128>}, {pipeline_mode = #tpu.pipeline_mode<synchronous>, transform_indices = @transform_2, window_bounds = array<i64: 2048, 128>}, {transform_indices = @transform_3, window_bounds = array<i64: 256, 2048>}, {transform_indices = @transform_4, window_bounds = array<i64: 256, 128>}]} {
    %get3A = arith.constant 0 : index
    %get3A_0 = arith.constant 0 : index
    %get3A_1 = vector.load %arg4[%get3A, %get3A_0] : memref<256x2048xf32, #tpu.memory_space<vmem>>, vector<256x2048xf32>
    %get3A_2 = arith.constant 0 : index
    %get3A_3 = arith.constant 0 : index
    %get3A_4 = vector.load %arg1[%get3A_2, %get3A_3] : memref<256x128xf32, #tpu.memory_space<vmem>>, vector<256x16xf32>
    %mul3A = arith.constant 2.500000e-01 : f32
    %mul3A_5 = vector.broadcast %mul3A : f32 to vector<256x16xf32>
    %mul3A_6 = arith.mulf %get3A_4, %mul3A_5 : vector<256x16xf32>
    %get3A_7 = arith.constant 0 : index
    %get3A_8 = arith.constant 0 : index
    %get3A_9 = vector.load %arg2[%get3A_7, %get3A_8] : memref<2048x128xf32, #tpu.memory_space<vmem>>, vector<2048x16xf32>
    %dot_general3A = arith.constant dense<0.000000e+00> : vector<256x2048xf32>
    %dot_general3A_10 = tpu.matmul %mul3A_6, %get3A_9, %dot_general3A {dimension_numbers = #tpu.dot_dimension_numbers<[1], [1], [0], [0], [0, 0, 1, 0], [], []>, transpose_lhs_hint = false} : vector<256x16xf32>, vector<2048x16xf32>, vector<256x2048xf32> -> vector<256x2048xf32>
    %add3A = arith.addf %dot_general3A_10, %get3A_1 : vector<256x2048xf32>
    %reduce_max3A = arith.constant dense<0xFF800000> : vector<256xf32>
    %reduce_max3A_11 = vector.multi_reduction <maximumf>, %add3A, %reduce_max3A [1] : vector<256x2048xf32> to vector<256xf32>
    %broadcast_in_dim3A = vector.shape_cast %reduce_max3A_11 : vector<256xf32> to vector<256x1xf32>
    %sub3A = vector.broadcast %broadcast_in_dim3A : vector<256x1xf32> to vector<256x2048xf32>
    %sub3A_12 = arith.subf %add3A, %sub3A : vector<256x2048xf32>
    %exp3A = math.exp %sub3A_12 : vector<256x2048xf32>
    %reduce_sum3A = arith.constant dense<0.000000e+00> : vector<256xf32>
    %reduce_sum3A_13 = vector.multi_reduction <add>, %exp3A, %reduce_sum3A [1] : vector<256x2048xf32> to vector<256xf32>
    %broadcast_in_dim3A_14 = vector.shape_cast %reduce_sum3A_13 : vector<256xf32> to vector<256x1xf32>
    %div3A = vector.broadcast %broadcast_in_dim3A_14 : vector<256x1xf32> to vector<256x2048xf32>
    %div3A_15 = arith.divf %exp3A, %div3A : vector<256x2048xf32>
    %get3A_16 = arith.constant 0 : index
    %get3A_17 = arith.constant 0 : index
    %get3A_18 = vector.load %arg3[%get3A_16, %get3A_17] : memref<2048x128xf32, #tpu.memory_space<vmem>>, vector<2048x16xf32>
    %dot_general3A_19 = arith.constant dense<0.000000e+00> : vector<256x16xf32>
    %dot_general3A_20 = tpu.matmul %div3A_15, %get3A_18, %dot_general3A_19 {dimension_numbers = #tpu.dot_dimension_numbers<[1], [0], [0], [1], [0, 0, 1, 1], [], []>, transpose_lhs_hint = false} : vector<256x2048xf32>, vector<2048x16xf32>, vector<256x16xf32> -> vector<256x16xf32>
    %get3A_21 = arith.constant 0 : index
    %get3A_22 = arith.constant 16 : index
    %get3A_23 = vector.load %arg1[%get3A_21, %get3A_22] : memref<256x128xf32, #tpu.memory_space<vmem>>, vector<256x16xf32>
    %mul3A_24 = arith.constant 2.500000e-01 : f32
    %mul3A_25 = vector.broadcast %mul3A_24 : f32 to vector<256x16xf32>
    %mul3A_26 = arith.mulf %get3A_23, %mul3A_25 : vector<256x16xf32>
    %get3A_27 = arith.constant 0 : index
    %get3A_28 = arith.constant 16 : index
    %get3A_29 = vector.load %arg2[%get3A_27, %get3A_28] : memref<2048x128xf32, #tpu.memory_space<vmem>>, vector<2048x16xf32>
    %dot_general3A_30 = arith.constant dense<0.000000e+00> : vector<256x2048xf32>
    %dot_general3A_31 = tpu.matmul %mul3A_26, %get3A_29, %dot_general3A_30 {dimension_numbers = #tpu.dot_dimension_numbers<[1], [1], [0], [0], [0, 0, 1, 0], [], []>, transpose_lhs_hint = false} : vector<256x16xf32>, vector<2048x16xf32>, vector<256x2048xf32> -> vector<256x2048xf32>
    %add3A_32 = arith.addf %dot_general3A_31, %get3A_1 : vector<256x2048xf32>
    %reduce_max3A_33 = arith.constant dense<0xFF800000> : vector<256xf32>
    %reduce_max3A_34 = vector.multi_reduction <maximumf>, %add3A_32, %reduce_max3A_33 [1] : vector<256x2048xf32> to vector<256xf32>
    %broadcast_in_dim3A_35 = vector.shape_cast %reduce_max3A_34 : vector<256xf32> to vector<256x1xf32>
    %sub3A_36 = vector.broadcast %broadcast_in_dim3A_35 : vector<256x1xf32> to vector<256x2048xf32>
    %sub3A_37 = arith.subf %add3A_32, %sub3A_36 : vector<256x2048xf32>
    %exp3A_38 = math.exp %sub3A_37 : vector<256x2048xf32>
    %reduce_sum3A_39 = arith.constant dense<0.000000e+00> : vector<256xf32>
    %reduce_sum3A_40 = vector.multi_reduction <add>, %exp3A_38, %reduce_sum3A_39 [1] : vector<256x2048xf32> to vector<256xf32>
    %broadcast_in_dim3A_41 = vector.shape_cast %reduce_sum3A_40 : vector<256xf32> to vector<256x1xf32>
    %div3A_42 = vector.broadcast %broadcast_in_dim3A_41 : vector<256x1xf32> to vector<256x2048xf32>
    %div3A_43 = arith.divf %exp3A_38, %div3A_42 : vector<256x2048xf32>
    %get3A_44 = arith.constant 0 : index
    %get3A_45 = arith.constant 16 : index
    %get3A_46 = vector.load %arg3[%get3A_44, %get3A_45] : memref<2048x128xf32, #tpu.memory_space<vmem>>, vector<2048x16xf32>
    %dot_general3A_47 = arith.constant dense<0.000000e+00> : vector<256x16xf32>
    %dot_general3A_48 = tpu.matmul %div3A_43, %get3A_46, %dot_general3A_47 {dimension_numbers = #tpu.dot_dimension_numbers<[1], [0], [0], [1], [0, 0, 1, 1], [], []>, transpose_lhs_hint = false} : vector<256x2048xf32>, vector<2048x16xf32>, vector<256x16xf32> -> vector<256x16xf32>
    %get3A_49 = arith.constant 0 : index
    %get3A_50 = arith.constant 32 : index
    %get3A_51 = vector.load %arg1[%get3A_49, %get3A_50] : memref<256x128xf32, #tpu.memory_space<vmem>>, vector<256x16xf32>
    %mul3A_52 = arith.constant 2.500000e-01 : f32
    %mul3A_53 = vector.broadcast %mul3A_52 : f32 to vector<256x16xf32>
    %mul3A_54 = arith.mulf %get3A_51, %mul3A_53 : vector<256x16xf32>
    %get3A_55 = arith.constant 0 : index
    %get3A_56 = arith.constant 32 : index
    %get3A_57 = vector.load %arg2[%get3A_55, %get3A_56] : memref<2048x128xf32, #tpu.memory_space<vmem>>, vector<2048x16xf32>
    %dot_general3A_58 = arith.constant dense<0.000000e+00> : vector<256x2048xf32>
    %dot_general3A_59 = tpu.matmul %mul3A_54, %get3A_57, %dot_general3A_58 {dimension_numbers = #tpu.dot_dimension_numbers<[1], [1], [0], [0], [0, 0, 1, 0], [], []>, transpose_lhs_hint = false} : vector<256x16xf32>, vector<2048x16xf32>, vector<256x2048xf32> -> vector<256x2048xf32>
    %add3A_60 = arith.addf %dot_general3A_59, %get3A_1 : vector<256x2048xf32>
    %reduce_max3A_61 = arith.constant dense<0xFF800000> : vector<256xf32>
    %reduce_max3A_62 = vector.multi_reduction <maximumf>, %add3A_60, %reduce_max3A_61 [1] : vector<256x2048xf32> to vector<256xf32>
    %broadcast_in_dim3A_63 = vector.shape_cast %reduce_max3A_62 : vector<256xf32> to vector<256x1xf32>
    %sub3A_64 = vector.broadcast %broadcast_in_dim3A_63 : vector<256x1xf32> to vector<256x2048xf32>
    %sub3A_65 = arith.subf %add3A_60, %sub3A_64 : vector<256x2048xf32>
    %exp3A_66 = math.exp %sub3A_65 : vector<256x2048xf32>
    %reduce_sum3A_67 = arith.constant dense<0.000000e+00> : vector<256xf32>
    %reduce_sum3A_68 = vector.multi_reduction <add>, %exp3A_66, %reduce_sum3A_67 [1] : vector<256x2048xf32> to vector<256xf32>
    %broadcast_in_dim3A_69 = vector.shape_cast %reduce_sum3A_68 : vector<256xf32> to vector<256x1xf32>
    %div3A_70 = vector.broadcast %broadcast_in_dim3A_69 : vector<256x1xf32> to vector<256x2048xf32>
    %div3A_71 = arith.divf %exp3A_66, %div3A_70 : vector<256x2048xf32>
    %get3A_72 = arith.constant 0 : index
    %get3A_73 = arith.constant 32 : index
    %get3A_74 = vector.load %arg3[%get3A_72, %get3A_73] : memref<2048x128xf32, #tpu.memory_space<vmem>>, vector<2048x16xf32>
    %dot_general3A_75 = arith.constant dense<0.000000e+00> : vector<256x16xf32>
    %dot_general3A_76 = tpu.matmul %div3A_71, %get3A_74, %dot_general3A_75 {dimension_numbers = #tpu.dot_dimension_numbers<[1], [0], [0], [1], [0, 0, 1, 1], [], []>, transpose_lhs_hint = false} : vector<256x2048xf32>, vector<2048x16xf32>, vector<256x16xf32> -> vector<256x16xf32>
    %get3A_77 = arith.constant 0 : index
    %get3A_78 = arith.constant 48 : index
    %get3A_79 = vector.load %arg1[%get3A_77, %get3A_78] : memref<256x128xf32, #tpu.memory_space<vmem>>, vector<256x16xf32>
    %mul3A_80 = arith.constant 2.500000e-01 : f32
    %mul3A_81 = vector.broadcast %mul3A_80 : f32 to vector<256x16xf32>
    %mul3A_82 = arith.mulf %get3A_79, %mul3A_81 : vector<256x16xf32>
    %get3A_83 = arith.constant 0 : index
    %get3A_84 = arith.constant 48 : index
    %get3A_85 = vector.load %arg2[%get3A_83, %get3A_84] : memref<2048x128xf32, #tpu.memory_space<vmem>>, vector<2048x16xf32>
    %dot_general3A_86 = arith.constant dense<0.000000e+00> : vector<256x2048xf32>
    %dot_general3A_87 = tpu.matmul %mul3A_82, %get3A_85, %dot_general3A_86 {dimension_numbers = #tpu.dot_dimension_numbers<[1], [1], [0], [0], [0, 0, 1, 0], [], []>, transpose_lhs_hint = false} : vector<256x16xf32>, vector<2048x16xf32>, vector<256x2048xf32> -> vector<256x2048xf32>
    %add3A_88 = arith.addf %dot_general3A_87, %get3A_1 : vector<256x2048xf32>
    %reduce_max3A_89 = arith.constant dense<0xFF800000> : vector<256xf32>
    %reduce_max3A_90 = vector.multi_reduction <maximumf>, %add3A_88, %reduce_max3A_89 [1] : vector<256x2048xf32> to vector<256xf32>
    %broadcast_in_dim3A_91 = vector.shape_cast %reduce_max3A_90 : vector<256xf32> to vector<256x1xf32>
    %sub3A_92 = vector.broadcast %broadcast_in_dim3A_91 : vector<256x1xf32> to vector<256x2048xf32>
    %sub3A_93 = arith.subf %add3A_88, %sub3A_92 : vector<256x2048xf32>
    %exp3A_94 = math.exp %sub3A_93 : vector<256x2048xf32>
    %reduce_sum3A_95 = arith.constant dense<0.000000e+00> : vector<256xf32>
    %reduce_sum3A_96 = vector.multi_reduction <add>, %exp3A_94, %reduce_sum3A_95 [1] : vector<256x2048xf32> to vector<256xf32>
    %broadcast_in_dim3A_97 = vector.shape_cast %reduce_sum3A_96 : vector<256xf32> to vector<256x1xf32>
    %div3A_98 = vector.broadcast %broadcast_in_dim3A_97 : vector<256x1xf32> to vector<256x2048xf32>
    %div3A_99 = arith.divf %exp3A_94, %div3A_98 : vector<256x2048xf32>
    %get3A_100 = arith.constant 0 : index
    %get3A_101 = arith.constant 48 : index
    %get3A_102 = vector.load %arg3[%get3A_100, %get3A_101] : memref<2048x128xf32, #tpu.memory_space<vmem>>, vector<2048x16xf32>
    %dot_general3A_103 = arith.constant dense<0.000000e+00> : vector<256x16xf32>
    %dot_general3A_104 = tpu.matmul %div3A_99, %get3A_102, %dot_general3A_103 {dimension_numbers = #tpu.dot_dimension_numbers<[1], [0], [0], [1], [0, 0, 1, 1], [], []>, transpose_lhs_hint = false} : vector<256x2048xf32>, vector<2048x16xf32>, vector<256x16xf32> -> vector<256x16xf32>
    %get3A_105 = arith.constant 0 : index
    %get3A_106 = arith.constant 64 : index
    %get3A_107 = vector.load %arg1[%get3A_105, %get3A_106] : memref<256x128xf32, #tpu.memory_space<vmem>>, vector<256x16xf32>
    %mul3A_108 = arith.constant 2.500000e-01 : f32
    %mul3A_109 = vector.broadcast %mul3A_108 : f32 to vector<256x16xf32>
    %mul3A_110 = arith.mulf %get3A_107, %mul3A_109 : vector<256x16xf32>
    %get3A_111 = arith.constant 0 : index
    %get3A_112 = arith.constant 64 : index
    %get3A_113 = vector.load %arg2[%get3A_111, %get3A_112] : memref<2048x128xf32, #tpu.memory_space<vmem>>, vector<2048x16xf32>
    %dot_general3A_114 = arith.constant dense<0.000000e+00> : vector<256x2048xf32>
    %dot_general3A_115 = tpu.matmul %mul3A_110, %get3A_113, %dot_general3A_114 {dimension_numbers = #tpu.dot_dimension_numbers<[1], [1], [0], [0], [0, 0, 1, 0], [], []>, transpose_lhs_hint = false} : vector<256x16xf32>, vector<2048x16xf32>, vector<256x2048xf32> -> vector<256x2048xf32>
    %add3A_116 = arith.addf %dot_general3A_115, %get3A_1 : vector<256x2048xf32>
    %reduce_max3A_117 = arith.constant dense<0xFF800000> : vector<256xf32>
    %reduce_max3A_118 = vector.multi_reduction <maximumf>, %add3A_116, %reduce_max3A_117 [1] : vector<256x2048xf32> to vector<256xf32>
    %broadcast_in_dim3A_119 = vector.shape_cast %reduce_max3A_118 : vector<256xf32> to vector<256x1xf32>
    %sub3A_120 = vector.broadcast %broadcast_in_dim3A_119 : vector<256x1xf32> to vector<256x2048xf32>
    %sub3A_121 = arith.subf %add3A_116, %sub3A_120 : vector<256x2048xf32>
    %exp3A_122 = math.exp %sub3A_121 : vector<256x2048xf32>
    %reduce_sum3A_123 = arith.constant dense<0.000000e+00> : vector<256xf32>
    %reduce_sum3A_124 = vector.multi_reduction <add>, %exp3A_122, %reduce_sum3A_123 [1] : vector<256x2048xf32> to vector<256xf32>
    %broadcast_in_dim3A_125 = vector.shape_cast %reduce_sum3A_124 : vector<256xf32> to vector<256x1xf32>
    %div3A_126 = vector.broadcast %broadcast_in_dim3A_125 : vector<256x1xf32> to vector<256x2048xf32>
    %div3A_127 = arith.divf %exp3A_122, %div3A_126 : vector<256x2048xf32>
    %get3A_128 = arith.constant 0 : index
    %get3A_129 = arith.constant 64 : index
    %get3A_130 = vector.load %arg3[%get3A_128, %get3A_129] : memref<2048x128xf32, #tpu.memory_space<vmem>>, vector<2048x16xf32>
    %dot_general3A_131 = arith.constant dense<0.000000e+00> : vector<256x16xf32>
    %dot_general3A_132 = tpu.matmul %div3A_127, %get3A_130, %dot_general3A_131 {dimension_numbers = #tpu.dot_dimension_numbers<[1], [0], [0], [1], [0, 0, 1, 1], [], []>, transpose_lhs_hint = false} : vector<256x2048xf32>, vector<2048x16xf32>, vector<256x16xf32> -> vector<256x16xf32>
    %get3A_133 = arith.constant 0 : index
    %get3A_134 = arith.constant 80 : index
    %get3A_135 = vector.load %arg1[%get3A_133, %get3A_134] : memref<256x128xf32, #tpu.memory_space<vmem>>, vector<256x16xf32>
    %mul3A_136 = arith.constant 2.500000e-01 : f32
    %mul3A_137 = vector.broadcast %mul3A_136 : f32 to vector<256x16xf32>
    %mul3A_138 = arith.mulf %get3A_135, %mul3A_137 : vector<256x16xf32>
    %get3A_139 = arith.constant 0 : index
    %get3A_140 = arith.constant 80 : index
    %get3A_141 = vector.load %arg2[%get3A_139, %get3A_140] : memref<2048x128xf32, #tpu.memory_space<vmem>>, vector<2048x16xf32>
    %dot_general3A_142 = arith.constant dense<0.000000e+00> : vector<256x2048xf32>
    %dot_general3A_143 = tpu.matmul %mul3A_138, %get3A_141, %dot_general3A_142 {dimension_numbers = #tpu.dot_dimension_numbers<[1], [1], [0], [0], [0, 0, 1, 0], [], []>, transpose_lhs_hint = false} : vector<256x16xf32>, vector<2048x16xf32>, vector<256x2048xf32> -> vector<256x2048xf32>
    %add3A_144 = arith.addf %dot_general3A_143, %get3A_1 : vector<256x2048xf32>
    %reduce_max3A_145 = arith.constant dense<0xFF800000> : vector<256xf32>
    %reduce_max3A_146 = vector.multi_reduction <maximumf>, %add3A_144, %reduce_max3A_145 [1] : vector<256x2048xf32> to vector<256xf32>
    %broadcast_in_dim3A_147 = vector.shape_cast %reduce_max3A_146 : vector<256xf32> to vector<256x1xf32>
    %sub3A_148 = vector.broadcast %broadcast_in_dim3A_147 : vector<256x1xf32> to vector<256x2048xf32>
    %sub3A_149 = arith.subf %add3A_144, %sub3A_148 : vector<256x2048xf32>
    %exp3A_150 = math.exp %sub3A_149 : vector<256x2048xf32>
    %reduce_sum3A_151 = arith.constant dense<0.000000e+00> : vector<256xf32>
    %reduce_sum3A_152 = vector.multi_reduction <add>, %exp3A_150, %reduce_sum3A_151 [1] : vector<256x2048xf32> to vector<256xf32>
    %broadcast_in_dim3A_153 = vector.shape_cast %reduce_sum3A_152 : vector<256xf32> to vector<256x1xf32>
    %div3A_154 = vector.broadcast %broadcast_in_dim3A_153 : vector<256x1xf32> to vector<256x2048xf32>
    %div3A_155 = arith.divf %exp3A_150, %div3A_154 : vector<256x2048xf32>
    %get3A_156 = arith.constant 0 : index
    %get3A_157 = arith.constant 80 : index
    %get3A_158 = vector.load %arg3[%get3A_156, %get3A_157] : memref<2048x128xf32, #tpu.memory_space<vmem>>, vector<2048x16xf32>
    %dot_general3A_159 = arith.constant dense<0.000000e+00> : vector<256x16xf32>
    %dot_general3A_160 = tpu.matmul %div3A_155, %get3A_158, %dot_general3A_159 {dimension_numbers = #tpu.dot_dimension_numbers<[1], [0], [0], [1], [0, 0, 1, 1], [], []>, transpose_lhs_hint = false} : vector<256x2048xf32>, vector<2048x16xf32>, vector<256x16xf32> -> vector<256x16xf32>
    %get3A_161 = arith.constant 0 : index
    %get3A_162 = arith.constant 96 : index
    %get3A_163 = vector.load %arg1[%get3A_161, %get3A_162] : memref<256x128xf32, #tpu.memory_space<vmem>>, vector<256x16xf32>
    %mul3A_164 = arith.constant 2.500000e-01 : f32
    %mul3A_165 = vector.broadcast %mul3A_164 : f32 to vector<256x16xf32>
    %mul3A_166 = arith.mulf %get3A_163, %mul3A_165 : vector<256x16xf32>
    %get3A_167 = arith.constant 0 : index
    %get3A_168 = arith.constant 96 : index
    %get3A_169 = vector.load %arg2[%get3A_167, %get3A_168] : memref<2048x128xf32, #tpu.memory_space<vmem>>, vector<2048x16xf32>
    %dot_general3A_170 = arith.constant dense<0.000000e+00> : vector<256x2048xf32>
    %dot_general3A_171 = tpu.matmul %mul3A_166, %get3A_169, %dot_general3A_170 {dimension_numbers = #tpu.dot_dimension_numbers<[1], [1], [0], [0], [0, 0, 1, 0], [], []>, transpose_lhs_hint = false} : vector<256x16xf32>, vector<2048x16xf32>, vector<256x2048xf32> -> vector<256x2048xf32>
    %add3A_172 = arith.addf %dot_general3A_171, %get3A_1 : vector<256x2048xf32>
    %reduce_max3A_173 = arith.constant dense<0xFF800000> : vector<256xf32>
    %reduce_max3A_174 = vector.multi_reduction <maximumf>, %add3A_172, %reduce_max3A_173 [1] : vector<256x2048xf32> to vector<256xf32>
    %broadcast_in_dim3A_175 = vector.shape_cast %reduce_max3A_174 : vector<256xf32> to vector<256x1xf32>
    %sub3A_176 = vector.broadcast %broadcast_in_dim3A_175 : vector<256x1xf32> to vector<256x2048xf32>
    %sub3A_177 = arith.subf %add3A_172, %sub3A_176 : vector<256x2048xf32>
    %exp3A_178 = math.exp %sub3A_177 : vector<256x2048xf32>
    %reduce_sum3A_179 = arith.constant dense<0.000000e+00> : vector<256xf32>
    %reduce_sum3A_180 = vector.multi_reduction <add>, %exp3A_178, %reduce_sum3A_179 [1] : vector<256x2048xf32> to vector<256xf32>
    %broadcast_in_dim3A_181 = vector.shape_cast %reduce_sum3A_180 : vector<256xf32> to vector<256x1xf32>
    %div3A_182 = vector.broadcast %broadcast_in_dim3A_181 : vector<256x1xf32> to vector<256x2048xf32>
    %div3A_183 = arith.divf %exp3A_178, %div3A_182 : vector<256x2048xf32>
    %get3A_184 = arith.constant 0 : index
    %get3A_185 = arith.constant 96 : index
    %get3A_186 = vector.load %arg3[%get3A_184, %get3A_185] : memref<2048x128xf32, #tpu.memory_space<vmem>>, vector<2048x16xf32>
    %dot_general3A_187 = arith.constant dense<0.000000e+00> : vector<256x16xf32>
    %dot_general3A_188 = tpu.matmul %div3A_183, %get3A_186, %dot_general3A_187 {dimension_numbers = #tpu.dot_dimension_numbers<[1], [0], [0], [1], [0, 0, 1, 1], [], []>, transpose_lhs_hint = false} : vector<256x2048xf32>, vector<2048x16xf32>, vector<256x16xf32> -> vector<256x16xf32>
    %get3A_189 = arith.constant 0 : index
    %get3A_190 = arith.constant 112 : index
    %get3A_191 = vector.load %arg1[%get3A_189, %get3A_190] : memref<256x128xf32, #tpu.memory_space<vmem>>, vector<256x16xf32>
    %mul3A_192 = arith.constant 2.500000e-01 : f32
    %mul3A_193 = vector.broadcast %mul3A_192 : f32 to vector<256x16xf32>
    %mul3A_194 = arith.mulf %get3A_191, %mul3A_193 : vector<256x16xf32>
    %get3A_195 = arith.constant 0 : index
    %get3A_196 = arith.constant 112 : index
    %get3A_197 = vector.load %arg2[%get3A_195, %get3A_196] : memref<2048x128xf32, #tpu.memory_space<vmem>>, vector<2048x16xf32>
    %dot_general3A_198 = arith.constant dense<0.000000e+00> : vector<256x2048xf32>
    %dot_general3A_199 = tpu.matmul %mul3A_194, %get3A_197, %dot_general3A_198 {dimension_numbers = #tpu.dot_dimension_numbers<[1], [1], [0], [0], [0, 0, 1, 0], [], []>, transpose_lhs_hint = false} : vector<256x16xf32>, vector<2048x16xf32>, vector<256x2048xf32> -> vector<256x2048xf32>
    %add3A_200 = arith.addf %dot_general3A_199, %get3A_1 : vector<256x2048xf32>
    %reduce_max3A_201 = arith.constant dense<0xFF800000> : vector<256xf32>
    %reduce_max3A_202 = vector.multi_reduction <maximumf>, %add3A_200, %reduce_max3A_201 [1] : vector<256x2048xf32> to vector<256xf32>
    %broadcast_in_dim3A_203 = vector.shape_cast %reduce_max3A_202 : vector<256xf32> to vector<256x1xf32>
    %sub3A_204 = vector.broadcast %broadcast_in_dim3A_203 : vector<256x1xf32> to vector<256x2048xf32>
    %sub3A_205 = arith.subf %add3A_200, %sub3A_204 : vector<256x2048xf32>
    %exp3A_206 = math.exp %sub3A_205 : vector<256x2048xf32>
    %reduce_sum3A_207 = arith.constant dense<0.000000e+00> : vector<256xf32>
    %reduce_sum3A_208 = vector.multi_reduction <add>, %exp3A_206, %reduce_sum3A_207 [1] : vector<256x2048xf32> to vector<256xf32>
    %broadcast_in_dim3A_209 = vector.shape_cast %reduce_sum3A_208 : vector<256xf32> to vector<256x1xf32>
    %div3A_210 = vector.broadcast %broadcast_in_dim3A_209 : vector<256x1xf32> to vector<256x2048xf32>
    %div3A_211 = arith.divf %exp3A_206, %div3A_210 : vector<256x2048xf32>
    %get3A_212 = arith.constant 0 : index
    %get3A_213 = arith.constant 112 : index
    %get3A_214 = vector.load %arg3[%get3A_212, %get3A_213] : memref<2048x128xf32, #tpu.memory_space<vmem>>, vector<2048x16xf32>
    %dot_general3A_215 = arith.constant dense<0.000000e+00> : vector<256x16xf32>
    %dot_general3A_216 = tpu.matmul %div3A_211, %get3A_214, %dot_general3A_215 {dimension_numbers = #tpu.dot_dimension_numbers<[1], [0], [0], [1], [0, 0, 1, 1], [], []>, transpose_lhs_hint = false} : vector<256x2048xf32>, vector<2048x16xf32>, vector<256x16xf32> -> vector<256x16xf32>
    %concatenate3A = tpu.concatenate %dot_general3A_20, %dot_general3A_48, %dot_general3A_76, %dot_general3A_104, %dot_general3A_132, %dot_general3A_160, %dot_general3A_188, %dot_general3A_216 in 1 : vector<256x16xf32>, vector<256x16xf32>, vector<256x16xf32>, vector<256x16xf32>, vector<256x16xf32>, vector<256x16xf32>, vector<256x16xf32>, vector<256x16xf32> -> vector<256x128xf32>
    %swap3A = arith.constant 0 : index
    %swap3A_217 = arith.constant 0 : index
    %swap3A_218 = vector.load %arg5[%swap3A, %swap3A_217] : memref<256x128xf32, #tpu.memory_space<vmem>>, vector<256x128xf32>
    tpu.vector_store %arg5[%swap3A, %swap3A_217], %concatenate3A {strides = array<i32>} : memref<256x128xf32, #tpu.memory_space<vmem>>, vector<256x128xf32>,
    return
  }
  func.func @transform_0(%arg0: i32) -> (i32, i32) {
    %c0_i32 = arith.constant 0 : i32
    %c0_i32_0 = arith.constant 0 : i32
    return %arg0, %c0_i32 : i32, i32
  }
  func.func @transform_1(%arg0: i32) -> (i32, i32) {
    %c0_i32 = arith.constant 0 : i32
    %c0_i32_0 = arith.constant 0 : i32
    %c0_i32_1 = arith.constant 0 : i32
    return %c0_i32, %c0_i32_0 : i32, i32
  }
  func.func @transform_2(%arg0: i32) -> (i32, i32) {
    %c0_i32 = arith.constant 0 : i32
    %c0_i32_0 = arith.constant 0 : i32
    %c0_i32_1 = arith.constant 0 : i32
    return %c0_i32, %c0_i32_0 : i32, i32
  }
  func.func @transform_3(%arg0: i32) -> (i32, i32) {
    %c0_i32 = arith.constant 0 : i32
    %c0_i32_0 = arith.constant 0 : i32
    return %arg0, %c0_i32 : i32, i32
  }
  func.func @transform_4(%arg0: i32) -> (i32, i32) {
    %c0_i32 = arith.constant 0 : i32
    %c0_i32_0 = arith.constant 0 : i32
    return %arg0, %c0_i32 : i32, i32
  }
}

module attributes {stable_mosaic.version = 14 : i64} {
  func.func @_combine_body(%arg0: memref<2048x128xf32, #tpu.memory_space<vmem>>, %arg1: memref<16384x128xf32, #tpu.memory_space<vmem>>, %arg2: memref<2048x128xf32, #tpu.memory_space<vmem>>, %arg3: memref<4x256x128xf32, #tpu.memory_space<vmem>>, %arg4: memref<4x256xf32, #tpu.memory_space<vmem>>, %arg5: memref<4x128x256xf32, #tpu.memory_space<vmem>>, %arg6: memref<4x128xf32, #tpu.memory_space<vmem>>, %arg7: memref<1x4xf32, #tpu.memory_space<vmem>>, %arg8: memref<128x128xf32, #tpu.memory_space<vmem>>, %arg9: memref<1x128xf32, #tpu.memory_space<vmem>>, %arg10: memref<512x256xf32, #tpu.memory_space<vmem>>, %arg11: memref<1x512xf32, #tpu.memory_space<vmem>>, %arg12: memref<128x512xf32, #tpu.memory_space<vmem>>, %arg13: memref<1x128xf32, #tpu.memory_space<vmem>>, %arg14: memref<1x128xf32, #tpu.memory_space<vmem>>, %arg15: memref<1x128xf32, #tpu.memory_space<vmem>>, %arg16: memref<2048x128xf32, #tpu.memory_space<vmem>>) attributes {dimension_semantics = [], scalar_prefetch = 0 : i64, scratch_operands = 0 : i64, tpu.core_type = #tpu.core_type<tc>} {
    %get3A = arith.constant 0 : index
    %get3A_0 = arith.constant 0 : index
    %get3A_1 = vector.load %arg0[%get3A, %get3A_0] : memref<2048x128xf32, #tpu.memory_space<vmem>>, vector<2048x128xf32>
    %get3A_2 = arith.constant 0 : index
    %get3A_3 = arith.constant 0 : index
    %get3A_4 = vector.load %arg1[%get3A_2, %get3A_3] : memref<16384x128xf32, #tpu.memory_space<vmem>>, vector<8192x128xf32>
    %get3A_5 = arith.constant 8192 : index
    %get3A_6 = arith.constant 0 : index
    %get3A_7 = vector.load %arg1[%get3A_5, %get3A_6] : memref<16384x128xf32, #tpu.memory_space<vmem>>, vector<8192x128xf32>
    %add3A = arith.addf %get3A_4, %get3A_7 : vector<8192x128xf32>
    %get3A_8 = arith.constant 0 : index
    %get3A_9 = arith.constant 0 : index
    %get3A_10 = vector.load %arg7[%get3A_8, %get3A_9] : memref<1x4xf32, #tpu.memory_space<vmem>>, vector<1x4xf32>
    %reduce_max3A = vector.shape_cast %get3A_10 : vector<1x4xf32> to vector<1x1x4xf32>
    %reduce_max3A_11 = arith.constant dense<0xFF800000> : vector<1xf32>
    %reduce_max3A_12 = vector.multi_reduction <maximumf>, %reduce_max3A, %reduce_max3A_11 [1, 2] : vector<1x1x4xf32> to vector<1xf32>
    %reduce_max3A_13 = vector.shape_cast %reduce_max3A_12 : vector<1xf32> to vector<1x1x1xf32>
    %reduce_max3A_14 = vector.extract %reduce_max3A_13[0, 0, 0] : f32 from vector<1x1x1xf32>
    %sub3A = vector.broadcast %reduce_max3A_14 : f32 to vector<1x4xf32>
    %sub3A_15 = arith.subf %get3A_10, %sub3A : vector<1x4xf32>
    %exp3A = math.exp %sub3A_15 : vector<1x4xf32>
    %reduce_sum3A = vector.shape_cast %exp3A : vector<1x4xf32> to vector<1x1x4xf32>
    %reduce_sum3A_16 = arith.constant dense<0.000000e+00> : vector<1xf32>
    %reduce_sum3A_17 = vector.multi_reduction <add>, %reduce_sum3A, %reduce_sum3A_16 [1, 2] : vector<1x1x4xf32> to vector<1xf32>
    %reduce_sum3A_18 = vector.shape_cast %reduce_sum3A_17 : vector<1xf32> to vector<1x1x1xf32>
    %reduce_sum3A_19 = vector.extract %reduce_sum3A_18[0, 0, 0] : f32 from vector<1x1x1xf32>
    %div3A = vector.broadcast %reduce_sum3A_19 : f32 to vector<1x4xf32>
    %div3A_20 = arith.divf %exp3A, %div3A : vector<1x4xf32>
    %broadcast_in_dim3A = arith.constant 0.000000e+00 : f32
    %broadcast_in_dim3A_21 = vector.broadcast %broadcast_in_dim3A : f32 to vector<2048x128xf32>
    %slice3A = vector.extract_strided_slice %add3A {offsets = [0, 0], sizes = [2048, 128], strides = [1, 1]} : vector<8192x128xf32> to vector<2048x128xf32>
    %add3A_22 = arith.addf %get3A_1, %slice3A : vector<2048x128xf32>
    %get3A_23 = arith.constant 0 : index
    %get3A_24 = arith.constant 0 : index
    %get3A_25 = arith.constant 0 : index
    %get3A_26 = vector.load %arg3[%get3A_23, %get3A_24, %get3A_25] : memref<4x256x128xf32, #tpu.memory_space<vmem>>, vector<1x256x128xf32>
    %get3A_27 = vector.shape_cast %get3A_26 : vector<1x256x128xf32> to vector<256x128xf32>
    %dot_general3A = arith.constant dense<0.000000e+00> : vector<2048x256xf32>
    %dot_general3A_28 = tpu.matmul %add3A_22, %get3A_27, %dot_general3A {dimension_numbers = #tpu.dot_dimension_numbers<[1], [1], [0], [0], [0, 0, 1, 0], [], []>, transpose_lhs_hint = false} : vector<2048x128xf32>, vector<256x128xf32>, vector<2048x256xf32> -> vector<2048x256xf32>
    %get3A_29 = arith.constant 0 : index
    %get3A_30 = arith.constant 0 : index
    %get3A_31 = vector.load %arg4[%get3A_29, %get3A_30] : memref<4x256xf32, #tpu.memory_space<vmem>>, vector<1x256xf32>
    %add3A_32 = vector.broadcast %get3A_31 : vector<1x256xf32> to vector<2048x256xf32>
    %add3A_33 = arith.addf %dot_general3A_28, %add3A_32 : vector<2048x256xf32>
    %max3A = arith.constant 0.000000e+00 : f32
    %max3A_34 = vector.broadcast %max3A : f32 to vector<2048x256xf32>
    %max3A_35 = arith.maximumf %add3A_33, %max3A_34 : vector<2048x256xf32>
    %get3A_36 = arith.constant 0 : index
    %get3A_37 = arith.constant 0 : index
    %get3A_38 = arith.constant 0 : index
    %get3A_39 = vector.load %arg5[%get3A_36, %get3A_37, %get3A_38] : memref<4x128x256xf32, #tpu.memory_space<vmem>>, vector<1x128x256xf32>
    %get3A_40 = vector.shape_cast %get3A_39 : vector<1x128x256xf32> to vector<128x256xf32>
    %dot_general3A_41 = arith.constant dense<0.000000e+00> : vector<2048x128xf32>
    %dot_general3A_42 = tpu.matmul %max3A_35, %get3A_40, %dot_general3A_41 {dimension_numbers = #tpu.dot_dimension_numbers<[1], [1], [0], [0], [0, 0, 1, 0], [], []>, transpose_lhs_hint = false} : vector<2048x256xf32>, vector<128x256xf32>, vector<2048x128xf32> -> vector<2048x128xf32>
    %get3A_43 = arith.constant 0 : index
    %get3A_44 = arith.constant 0 : index
    %get3A_45 = vector.load %arg6[%get3A_43, %get3A_44] : memref<4x128xf32, #tpu.memory_space<vmem>>, vector<1x128xf32>
    %add3A_46 = vector.broadcast %get3A_45 : vector<1x128xf32> to vector<2048x128xf32>
    %add3A_47 = arith.addf %dot_general3A_42, %add3A_46 : vector<2048x128xf32>
    %slice3A_48 = vector.extract_strided_slice %div3A_20 {offsets = [0, 0], sizes = [1, 1], strides = [1, 1]} : vector<1x4xf32> to vector<1x1xf32>
    %mul3A = vector.broadcast %slice3A_48 : vector<1x1xf32> to vector<2048x128xf32>
    %mul3A_49 = arith.mulf %mul3A, %add3A_47 : vector<2048x128xf32>
    %add3A_50 = arith.addf %broadcast_in_dim3A_21, %mul3A_49 : vector<2048x128xf32>
    %slice3A_51 = vector.extract_strided_slice %add3A {offsets = [2048, 0], sizes = [2048, 128], strides = [1, 1]} : vector<8192x128xf32> to vector<2048x128xf32>
    %add3A_52 = arith.addf %get3A_1, %slice3A_51 : vector<2048x128xf32>
    %get3A_53 = arith.constant 1 : index
    %get3A_54 = arith.constant 0 : index
    %get3A_55 = arith.constant 0 : index
    %get3A_56 = vector.load %arg3[%get3A_53, %get3A_54, %get3A_55] : memref<4x256x128xf32, #tpu.memory_space<vmem>>, vector<1x256x128xf32>
    %get3A_57 = vector.shape_cast %get3A_56 : vector<1x256x128xf32> to vector<256x128xf32>
    %dot_general3A_58 = arith.constant dense<0.000000e+00> : vector<2048x256xf32>
    %dot_general3A_59 = tpu.matmul %add3A_52, %get3A_57, %dot_general3A_58 {dimension_numbers = #tpu.dot_dimension_numbers<[1], [1], [0], [0], [0, 0, 1, 0], [], []>, transpose_lhs_hint = false} : vector<2048x128xf32>, vector<256x128xf32>, vector<2048x256xf32> -> vector<2048x256xf32>
    %get3A_60 = arith.constant 1 : index
    %get3A_61 = arith.constant 0 : index
    %get3A_62 = vector.load %arg4[%get3A_60, %get3A_61] : memref<4x256xf32, #tpu.memory_space<vmem>>, vector<1x256xf32>
    %add3A_63 = vector.broadcast %get3A_62 : vector<1x256xf32> to vector<2048x256xf32>
    %add3A_64 = arith.addf %dot_general3A_59, %add3A_63 : vector<2048x256xf32>
    %max3A_65 = arith.constant 0.000000e+00 : f32
    %max3A_66 = vector.broadcast %max3A_65 : f32 to vector<2048x256xf32>
    %max3A_67 = arith.maximumf %add3A_64, %max3A_66 : vector<2048x256xf32>
    %get3A_68 = arith.constant 1 : index
    %get3A_69 = arith.constant 0 : index
    %get3A_70 = arith.constant 0 : index
    %get3A_71 = vector.load %arg5[%get3A_68, %get3A_69, %get3A_70] : memref<4x128x256xf32, #tpu.memory_space<vmem>>, vector<1x128x256xf32>
    %get3A_72 = vector.shape_cast %get3A_71 : vector<1x128x256xf32> to vector<128x256xf32>
    %dot_general3A_73 = arith.constant dense<0.000000e+00> : vector<2048x128xf32>
    %dot_general3A_74 = tpu.matmul %max3A_67, %get3A_72, %dot_general3A_73 {dimension_numbers = #tpu.dot_dimension_numbers<[1], [1], [0], [0], [0, 0, 1, 0], [], []>, transpose_lhs_hint = false} : vector<2048x256xf32>, vector<128x256xf32>, vector<2048x128xf32> -> vector<2048x128xf32>
    %get3A_75 = arith.constant 1 : index
    %get3A_76 = arith.constant 0 : index
    %get3A_77 = vector.load %arg6[%get3A_75, %get3A_76] : memref<4x128xf32, #tpu.memory_space<vmem>>, vector<1x128xf32>
    %add3A_78 = vector.broadcast %get3A_77 : vector<1x128xf32> to vector<2048x128xf32>
    %add3A_79 = arith.addf %dot_general3A_74, %add3A_78 : vector<2048x128xf32>
    %slice3A_80 = vector.extract_strided_slice %div3A_20 {offsets = [0, 1], sizes = [1, 1], strides = [1, 1]} : vector<1x4xf32> to vector<1x1xf32>
    %mul3A_81 = vector.broadcast %slice3A_80 : vector<1x1xf32> to vector<2048x128xf32>
    %mul3A_82 = arith.mulf %mul3A_81, %add3A_79 : vector<2048x128xf32>
    %add3A_83 = arith.addf %add3A_50, %mul3A_82 : vector<2048x128xf32>
    %slice3A_84 = vector.extract_strided_slice %add3A {offsets = [4096, 0], sizes = [2048, 128], strides = [1, 1]} : vector<8192x128xf32> to vector<2048x128xf32>
    %add3A_85 = arith.addf %get3A_1, %slice3A_84 : vector<2048x128xf32>
    %get3A_86 = arith.constant 2 : index
    %get3A_87 = arith.constant 0 : index
    %get3A_88 = arith.constant 0 : index
    %get3A_89 = vector.load %arg3[%get3A_86, %get3A_87, %get3A_88] : memref<4x256x128xf32, #tpu.memory_space<vmem>>, vector<1x256x128xf32>
    %get3A_90 = vector.shape_cast %get3A_89 : vector<1x256x128xf32> to vector<256x128xf32>
    %dot_general3A_91 = arith.constant dense<0.000000e+00> : vector<2048x256xf32>
    %dot_general3A_92 = tpu.matmul %add3A_85, %get3A_90, %dot_general3A_91 {dimension_numbers = #tpu.dot_dimension_numbers<[1], [1], [0], [0], [0, 0, 1, 0], [], []>, transpose_lhs_hint = false} : vector<2048x128xf32>, vector<256x128xf32>, vector<2048x256xf32> -> vector<2048x256xf32>
    %get3A_93 = arith.constant 2 : index
    %get3A_94 = arith.constant 0 : index
    %get3A_95 = vector.load %arg4[%get3A_93, %get3A_94] : memref<4x256xf32, #tpu.memory_space<vmem>>, vector<1x256xf32>
    %add3A_96 = vector.broadcast %get3A_95 : vector<1x256xf32> to vector<2048x256xf32>
    %add3A_97 = arith.addf %dot_general3A_92, %add3A_96 : vector<2048x256xf32>
    %max3A_98 = arith.constant 0.000000e+00 : f32
    %max3A_99 = vector.broadcast %max3A_98 : f32 to vector<2048x256xf32>
    %max3A_100 = arith.maximumf %add3A_97, %max3A_99 : vector<2048x256xf32>
    %get3A_101 = arith.constant 2 : index
    %get3A_102 = arith.constant 0 : index
    %get3A_103 = arith.constant 0 : index
    %get3A_104 = vector.load %arg5[%get3A_101, %get3A_102, %get3A_103] : memref<4x128x256xf32, #tpu.memory_space<vmem>>, vector<1x128x256xf32>
    %get3A_105 = vector.shape_cast %get3A_104 : vector<1x128x256xf32> to vector<128x256xf32>
    %dot_general3A_106 = arith.constant dense<0.000000e+00> : vector<2048x128xf32>
    %dot_general3A_107 = tpu.matmul %max3A_100, %get3A_105, %dot_general3A_106 {dimension_numbers = #tpu.dot_dimension_numbers<[1], [1], [0], [0], [0, 0, 1, 0], [], []>, transpose_lhs_hint = false} : vector<2048x256xf32>, vector<128x256xf32>, vector<2048x128xf32> -> vector<2048x128xf32>
    %get3A_108 = arith.constant 2 : index
    %get3A_109 = arith.constant 0 : index
    %get3A_110 = vector.load %arg6[%get3A_108, %get3A_109] : memref<4x128xf32, #tpu.memory_space<vmem>>, vector<1x128xf32>
    %add3A_111 = vector.broadcast %get3A_110 : vector<1x128xf32> to vector<2048x128xf32>
    %add3A_112 = arith.addf %dot_general3A_107, %add3A_111 : vector<2048x128xf32>
    %slice3A_113 = vector.extract_strided_slice %div3A_20 {offsets = [0, 2], sizes = [1, 1], strides = [1, 1]} : vector<1x4xf32> to vector<1x1xf32>
    %mul3A_114 = vector.broadcast %slice3A_113 : vector<1x1xf32> to vector<2048x128xf32>
    %mul3A_115 = arith.mulf %mul3A_114, %add3A_112 : vector<2048x128xf32>
    %add3A_116 = arith.addf %add3A_83, %mul3A_115 : vector<2048x128xf32>
    %slice3A_117 = vector.extract_strided_slice %add3A {offsets = [6144, 0], sizes = [2048, 128], strides = [1, 1]} : vector<8192x128xf32> to vector<2048x128xf32>
    %add3A_118 = arith.addf %get3A_1, %slice3A_117 : vector<2048x128xf32>
    %get3A_119 = arith.constant 3 : index
    %get3A_120 = arith.constant 0 : index
    %get3A_121 = arith.constant 0 : index
    %get3A_122 = vector.load %arg3[%get3A_119, %get3A_120, %get3A_121] : memref<4x256x128xf32, #tpu.memory_space<vmem>>, vector<1x256x128xf32>
    %get3A_123 = vector.shape_cast %get3A_122 : vector<1x256x128xf32> to vector<256x128xf32>
    %dot_general3A_124 = arith.constant dense<0.000000e+00> : vector<2048x256xf32>
    %dot_general3A_125 = tpu.matmul %add3A_118, %get3A_123, %dot_general3A_124 {dimension_numbers = #tpu.dot_dimension_numbers<[1], [1], [0], [0], [0, 0, 1, 0], [], []>, transpose_lhs_hint = false} : vector<2048x128xf32>, vector<256x128xf32>, vector<2048x256xf32> -> vector<2048x256xf32>
    %get3A_126 = arith.constant 3 : index
    %get3A_127 = arith.constant 0 : index
    %get3A_128 = vector.load %arg4[%get3A_126, %get3A_127] : memref<4x256xf32, #tpu.memory_space<vmem>>, vector<1x256xf32>
    %add3A_129 = vector.broadcast %get3A_128 : vector<1x256xf32> to vector<2048x256xf32>
    %add3A_130 = arith.addf %dot_general3A_125, %add3A_129 : vector<2048x256xf32>
    %max3A_131 = arith.constant 0.000000e+00 : f32
    %max3A_132 = vector.broadcast %max3A_131 : f32 to vector<2048x256xf32>
    %max3A_133 = arith.maximumf %add3A_130, %max3A_132 : vector<2048x256xf32>
    %get3A_134 = arith.constant 3 : index
    %get3A_135 = arith.constant 0 : index
    %get3A_136 = arith.constant 0 : index
    %get3A_137 = vector.load %arg5[%get3A_134, %get3A_135, %get3A_136] : memref<4x128x256xf32, #tpu.memory_space<vmem>>, vector<1x128x256xf32>
    %get3A_138 = vector.shape_cast %get3A_137 : vector<1x128x256xf32> to vector<128x256xf32>
    %dot_general3A_139 = arith.constant dense<0.000000e+00> : vector<2048x128xf32>
    %dot_general3A_140 = tpu.matmul %max3A_133, %get3A_138, %dot_general3A_139 {dimension_numbers = #tpu.dot_dimension_numbers<[1], [1], [0], [0], [0, 0, 1, 0], [], []>, transpose_lhs_hint = false} : vector<2048x256xf32>, vector<128x256xf32>, vector<2048x128xf32> -> vector<2048x128xf32>
    %get3A_141 = arith.constant 3 : index
    %get3A_142 = arith.constant 0 : index
    %get3A_143 = vector.load %arg6[%get3A_141, %get3A_142] : memref<4x128xf32, #tpu.memory_space<vmem>>, vector<1x128xf32>
    %add3A_144 = vector.broadcast %get3A_143 : vector<1x128xf32> to vector<2048x128xf32>
    %add3A_145 = arith.addf %dot_general3A_140, %add3A_144 : vector<2048x128xf32>
    %slice3A_146 = vector.extract_strided_slice %div3A_20 {offsets = [0, 3], sizes = [1, 1], strides = [1, 1]} : vector<1x4xf32> to vector<1x1xf32>
    %mul3A_147 = vector.broadcast %slice3A_146 : vector<1x1xf32> to vector<2048x128xf32>
    %mul3A_148 = arith.mulf %mul3A_147, %add3A_145 : vector<2048x128xf32>
    %add3A_149 = arith.addf %add3A_116, %mul3A_148 : vector<2048x128xf32>
    %get3A_150 = arith.constant 0 : index
    %get3A_151 = arith.constant 0 : index
    %get3A_152 = vector.load %arg2[%get3A_150, %get3A_151] : memref<2048x128xf32, #tpu.memory_space<vmem>>, vector<2048x128xf32>
    %get3A_153 = arith.constant 0 : index
    %get3A_154 = arith.constant 0 : index
    %get3A_155 = vector.load %arg8[%get3A_153, %get3A_154] : memref<128x128xf32, #tpu.memory_space<vmem>>, vector<128x128xf32>
    %dot_general3A_156 = arith.constant dense<0.000000e+00> : vector<2048x128xf32>
    %dot_general3A_157 = tpu.matmul %get3A_152, %get3A_155, %dot_general3A_156 {dimension_numbers = #tpu.dot_dimension_numbers<[1], [1], [0], [0], [0, 0, 1, 0], [], []>, transpose_lhs_hint = false} : vector<2048x128xf32>, vector<128x128xf32>, vector<2048x128xf32> -> vector<2048x128xf32>
    %get3A_158 = arith.constant 0 : index
    %get3A_159 = arith.constant 0 : index
    %get3A_160 = vector.load %arg9[%get3A_158, %get3A_159] : memref<1x128xf32, #tpu.memory_space<vmem>>, vector<1x128xf32>
    %add3A_161 = vector.broadcast %get3A_160 : vector<1x128xf32> to vector<2048x128xf32>
    %add3A_162 = arith.addf %dot_general3A_157, %add3A_161 : vector<2048x128xf32>
    %concatenate3A = tpu.concatenate %add3A_149, %add3A_162 in 1 : vector<2048x128xf32>, vector<2048x128xf32> -> vector<2048x256xf32>
    %get3A_163 = arith.constant 0 : index
    %get3A_164 = arith.constant 0 : index
    %get3A_165 = vector.load %arg10[%get3A_163, %get3A_164] : memref<512x256xf32, #tpu.memory_space<vmem>>, vector<512x256xf32>
    %dot_general3A_166 = arith.constant dense<0.000000e+00> : vector<2048x512xf32>
    %dot_general3A_167 = tpu.matmul %concatenate3A, %get3A_165, %dot_general3A_166 {dimension_numbers = #tpu.dot_dimension_numbers<[1], [1], [0], [0], [0, 0, 1, 0], [], []>, transpose_lhs_hint = false} : vector<2048x256xf32>, vector<512x256xf32>, vector<2048x512xf32> -> vector<2048x512xf32>
    %get3A_168 = arith.constant 0 : index
    %get3A_169 = arith.constant 0 : index
    %get3A_170 = vector.load %arg11[%get3A_168, %get3A_169] : memref<1x512xf32, #tpu.memory_space<vmem>>, vector<1x512xf32>
    %add3A_171 = vector.broadcast %get3A_170 : vector<1x512xf32> to vector<2048x512xf32>
    %add3A_172 = arith.addf %dot_general3A_167, %add3A_171 : vector<2048x512xf32>
    %max3A_173 = arith.constant 0.000000e+00 : f32
    %max3A_174 = vector.broadcast %max3A_173 : f32 to vector<2048x512xf32>
    %max3A_175 = arith.maximumf %add3A_172, %max3A_174 : vector<2048x512xf32>
    %get3A_176 = arith.constant 0 : index
    %get3A_177 = arith.constant 0 : index
    %get3A_178 = vector.load %arg12[%get3A_176, %get3A_177] : memref<128x512xf32, #tpu.memory_space<vmem>>, vector<128x512xf32>
    %dot_general3A_179 = arith.constant dense<0.000000e+00> : vector<2048x128xf32>
    %dot_general3A_180 = tpu.matmul %max3A_175, %get3A_178, %dot_general3A_179 {dimension_numbers = #tpu.dot_dimension_numbers<[1], [1], [0], [0], [0, 0, 1, 0], [], []>, transpose_lhs_hint = false} : vector<2048x512xf32>, vector<128x512xf32>, vector<2048x128xf32> -> vector<2048x128xf32>
    %get3A_181 = arith.constant 0 : index
    %get3A_182 = arith.constant 0 : index
    %get3A_183 = vector.load %arg13[%get3A_181, %get3A_182] : memref<1x128xf32, #tpu.memory_space<vmem>>, vector<1x128xf32>
    %add3A_184 = vector.broadcast %get3A_183 : vector<1x128xf32> to vector<2048x128xf32>
    %add3A_185 = arith.addf %dot_general3A_180, %add3A_184 : vector<2048x128xf32>
    %reduce_sum3A_186 = arith.constant dense<0.000000e+00> : vector<128xf32>
    %reduce_sum3A_187 = vector.multi_reduction <add>, %add3A_185, %reduce_sum3A_186 [0] : vector<2048x128xf32> to vector<128xf32>
    %broadcast_in_dim3A_188 = vector.shape_cast %reduce_sum3A_187 : vector<128xf32> to vector<1x128xf32>
    %div3A_189 = arith.constant 2.048000e+03 : f32
    %div3A_190 = vector.broadcast %div3A_189 : f32 to vector<1x128xf32>
    %div3A_191 = arith.divf %broadcast_in_dim3A_188, %div3A_190 : vector<1x128xf32>
    %sub3A_192 = vector.broadcast %div3A_191 : vector<1x128xf32> to vector<2048x128xf32>
    %sub3A_193 = arith.subf %add3A_185, %sub3A_192 : vector<2048x128xf32>
    %mul3A_194 = arith.mulf %sub3A_193, %sub3A_193 : vector<2048x128xf32>
    %reduce_sum3A_195 = arith.constant dense<0.000000e+00> : vector<128xf32>
    %reduce_sum3A_196 = vector.multi_reduction <add>, %mul3A_194, %reduce_sum3A_195 [0] : vector<2048x128xf32> to vector<128xf32>
    %broadcast_in_dim3A_197 = vector.shape_cast %reduce_sum3A_196 : vector<128xf32> to vector<1x128xf32>
    %div3A_198 = arith.constant 2.048000e+03 : f32
    %div3A_199 = vector.broadcast %div3A_198 : f32 to vector<1x128xf32>
    %div3A_200 = arith.divf %broadcast_in_dim3A_197, %div3A_199 : vector<1x128xf32>
    %add3A_201 = arith.constant 9.99999974E-6 : f32
    %add3A_202 = vector.broadcast %add3A_201 : f32 to vector<1x128xf32>
    %add3A_203 = arith.addf %div3A_200, %add3A_202 : vector<1x128xf32>
    %rsqrt3A = math.rsqrt %add3A_203 : vector<1x128xf32>
    %mul3A_204 = vector.broadcast %rsqrt3A : vector<1x128xf32> to vector<2048x128xf32>
    %mul3A_205 = arith.mulf %sub3A_193, %mul3A_204 : vector<2048x128xf32>
    %get3A_206 = arith.constant 0 : index
    %get3A_207 = arith.constant 0 : index
    %get3A_208 = vector.load %arg14[%get3A_206, %get3A_207] : memref<1x128xf32, #tpu.memory_space<vmem>>, vector<1x128xf32>
    %mul3A_209 = vector.broadcast %get3A_208 : vector<1x128xf32> to vector<2048x128xf32>
    %mul3A_210 = arith.mulf %mul3A_205, %mul3A_209 : vector<2048x128xf32>
    %get3A_211 = arith.constant 0 : index
    %get3A_212 = arith.constant 0 : index
    %get3A_213 = vector.load %arg15[%get3A_211, %get3A_212] : memref<1x128xf32, #tpu.memory_space<vmem>>, vector<1x128xf32>
    %add3A_214 = vector.broadcast %get3A_213 : vector<1x128xf32> to vector<2048x128xf32>
    %add3A_215 = arith.addf %mul3A_210, %add3A_214 : vector<2048x128xf32>
    %add3A_216 = arith.addf %get3A_1, %add3A_215 : vector<2048x128xf32>
    %swap3A = arith.constant 0 : index
    %swap3A_217 = arith.constant 0 : index
    %swap3A_218 = vector.load %arg16[%swap3A, %swap3A_217] : memref<2048x128xf32, #tpu.memory_space<vmem>>, vector<2048x128xf32>
    tpu.vector_store %arg16[%swap3A, %swap3A_217], %add3A_216 {strides = array<i32>} : memref<2048x128xf32, #tpu.memory_space<vmem>>, vector<2048x128xf32>,
    return
  }
}

</mosaic_0001>

<sc_bundles>
// kernel: kernel.7.cloned.1.call-start
scs
__scs_entry_jumppad:
0x0: {  	(pc) =	sbr.rel $0x88, $3  }
0x1: {  	(tag) =	ssettag $0x0;
	lr =	simm.s32 $0x1  }
0x2: {  	[smem:$0x3F87] =	sst lr;
	_ =	strace $0xD0000000  }
0x3: {  	_ = 	snop  }
0x4: {  	_ = 	snop  }
0x5: {  	_ = 	snop  }
0x6: {  	_ = 	snop  }
0x7: {  	_ = 	snop  }
__scs_overlays_trampoline_lowered:
0x8: {  	[smem:$0x3F96] =	sst s0  }
0x9: {  	[smem:$0x3F97] =	sst s1  }
0xa: {  	[smem:$0x3F98] =	sst s2  }
0xb: {  	[smem:$0x3F99] =	sst s3  }
0xc: {  	[smem:$0x3F9A] =	sst s4  }
0xd: {  	[smem:$0x3F9B] =	sst s5  }
0xe: {  	[smem:$0x3F9C] =	sst s6  }
0xf: {  	[smem:$0x3F9D] =	sst s7  }
0x10: {  	[smem:$0x3F9E] =	sst s8  }
0x11: {  	[smem:$0x3F9F] =	sst s9;
	s0 =	simm.s32 @!p0 $0x0  }
0x12: {  	s1 =	sld [smem:$0x3F85];
	s0 =	simm.s32 @p0 $0x1  }
0x13: {  	[smem:$0x3FA0] =	sst s0;
	s0 =	simm.s32 @!p1 $0x0  }
0x14: {  	s2 =	sld [smem:$0x3F84];
	s0 =	simm.s32 @p1 $0x1  }
0x15: {  	[smem:$0x3FA1] =	sst s0;
	s0 =	simm.s32 @!p2 $0x0  }
0x16: {  	s3 =	sld [smem:$0x3FDB];
	s0 =	simm.s32 @p2 $0x1  }
0x17: {  	s4 =	simm.s32 $0x1BF5;
	[smem:$0x3FA3] =	sst s0  }
0x18: {  	s0 =	sld [smem:$0x3F86];
	_ =	swait.ge [sflag:s4], $0x0  }
0x19: {  	s7 =	sld [smem:$0x3F87]  }
0x1a: {  	s8 =	sadd.s32 $0xFFFFE003, lr  }
0x1b: {  	s9 =	sadd.s32 $0xFFFFFEF7, lr;
	s5 =	simm.s32 $0xFFFFFFFF;
	p2 =	slt.u32 s8, $0xFFFFF086  }
0x1c: {  	p1 =	slt.u32 s9, $0xF7A;
	s5 =	simm.s32 @!p2 $0x0  }
0x1d: {  	s5 =	simm.s32 @p1 $0x1;
	p0 =	seq.s32 s7, s2  }
0x1e: {  	s7 =	smul.u32 @!p0 $0xF7A, s2;
	p2 =	seq.s32 @!p0 s5, $0x0  }
0x1f: {  	s9 =	smul.u32 $0xF7A, s1;
	s8 =	simm.s32 @!p0 $0x1BF5;
	p2 =	por !p2, p0  }
0x20: {  	[sflag:s8] =	ssyncset.s32 @!p0 $0xFFFFF086;
	s6 =	sadd.s32 @!p0 s3, s7;
	s7 =	simm.s32 @!p0 $0x108  }
0x21: {  	s3 =	sadd.s32 s3, s9;
	s6 =	sadd.s32 @!p0 $0x88, s6;
	s7 =	simm.s32 @p2 $0x1082  }
0x22: {  	[simem:s7], [sflag:s8] =	dma.local @!p0 [hbm:s6], $0xF7A  }
0x23: {  	s9 =	sor.u32 $0xD0000000, s2;
	s6 =	simm.s32 $0x108;
	_ =	swait.ge @!p0 [sflag:s8], $0x0  }
0x24: {  	s3 =	sadd.s32 $0x88, s3;
	s6 =	simm.s32 @!p1 $0x1082;
	[sflag:s4] =	ssyncset.s32 $0xFFFFF086  }
0x25: {  	[simem:s6], [sflag:s4] =	dma.local [hbm:s3], $0xF7A  }
0x26: {  	[smem:$0x3F87] =	sst s1;
	(tag) =	ssettag s2;
	_ =	strace s9  }
0x27: {  	s1 =	sld [smem:$0x3F97]  }
0x28: {  	s2 =	sld [smem:$0x3F98]  }
0x29: {  	s4 =	sld [smem:$0x3F9A]  }
0x2a: {  	p0 =	seq.s32 s5, $0x0;
	s5 =	sld [smem:$0x3F9B]  }
0x2b: {  	s6 =	sld [smem:$0x3F9C]  }
0x2c: {  	s7 =	sld [smem:$0x3F9D]  }
0x2d: {  	s3 =	simm.s32 $0x108;
	s8 =	sld [smem:$0x3F9E]  }
0x2e: {  	s3 =	simm.s32 @!p0 $0x1082;
	s9 =	sld [smem:$0x3F9F]  }
0x2f: {  	lr =	sadd.s32 s0, s3;
	s0 =	sld [smem:$0x3F96]  }
0x30: {  	s3 =	sld [smem:$0x3F99]  }
0x31: {  	[smem:$0x3FA2] =	sst s10  }
0x32: {  	s10 =	sld [smem:$0x3FA0];
	_ =	sdelay $0x3  }
0x33: {  	p0 =	seq.s32 s10, $0x1;
	s10 =	sld [smem:$0x3FA2];
	_ =	sdelay $0x3  }
0x34: {  	[smem:$0x3FA2] =	sst s10  }
0x35: {  	s10 =	sld [smem:$0x3FA1];
	_ =	sdelay $0x3  }
0x36: {  	p1 =	seq.s32 s10, $0x1;
	s10 =	sld [smem:$0x3FA2];
	_ =	sdelay $0x3  }
0x37: {  	[smem:$0x3FA2] =	sst s10  }
0x38: {  	s10 =	sld [smem:$0x3FA3]  }
0x39: {  	_ = 	snop;
	(pc) =	sbr.ind lr, $3  }
0x3a: {  	_ = 	snop  }
0x3b: {  	_ = 	snop  }
0x3c: {  	p2 =	seq.s32 s10, $0x1;
	s10 =	sld [smem:$0x3FA2]  }
0x3d: {  	_ =	shalt  }
0x3e: {  	_ =	shalt  }
0x3f: {  	_ =	shalt  }
0x40: {  	_ =	shalt  }
0x41: {  	_ =	shalt  }
0x42: {  	_ =	shalt  }
0x43: {  	_ =	shalt  }
0x44: {  	_ =	shalt  }
0x45: {  	_ =	shalt  }
0x46: {  	_ =	shalt  }
0x47: {  	_ =	shalt  }
0x48: {  	_ =	shalt  }
0x49: {  	_ =	shalt  }
0x4a: {  	_ =	shalt  }
0x4b: {  	_ =	shalt  }
0x4c: {  	_ =	shalt  }
0x4d: {  	_ =	shalt  }
0x4e: {  	_ =	shalt  }
0x4f: {  	_ =	shalt  }
0x50: {  	_ =	shalt  }
0x51: {  	_ =	shalt  }
0x52: {  	_ =	shalt  }
0x53: {  	_ =	shalt  }
0x54: {  	_ =	shalt  }
0x55: {  	_ =	shalt  }
0x56: {  	_ =	shalt  }
0x57: {  	_ =	shalt  }
0x58: {  	_ =	shalt  }
0x59: {  	_ =	shalt  }
0x5a: {  	_ =	shalt  }
0x5b: {  	_ =	shalt  }
0x5c: {  	_ =	shalt  }
0x5d: {  	_ =	shalt  }
0x5e: {  	_ =	shalt  }
0x5f: {  	_ =	shalt  }
0x60: {  	_ =	shalt  }
0x61: {  	_ =	shalt  }
0x62: {  	_ =	shalt  }
0x63: {  	_ =	shalt  }
0x64: {  	_ =	shalt  }
0x65: {  	_ =	shalt  }
0x66: {  	_ =	shalt  }
0x67: {  	_ =	shalt  }
0x68: {  	_ =	shalt  }
0x69: {  	_ =	shalt  }
0x6a: {  	_ =	shalt  }
0x6b: {  	_ =	shalt  }
0x6c: {  	_ =	shalt  }
0x6d: {  	_ =	shalt  }
0x6e: {  	_ =	shalt  }
0x6f: {  	_ =	shalt  }
0x70: {  	_ =	shalt  }
0x71: {  	_ =	shalt  }
0x72: {  	_ =	shalt  }
0x73: {  	_ =	shalt  }
0x74: {  	_ =	shalt  }
0x75: {  	_ =	shalt  }
0x76: {  	_ =	shalt  }
0x77: {  	_ =	shalt  }
0x78: {  	_ =	shalt  }
0x79: {  	_ =	shalt  }
0x7a: {  	_ =	shalt  }
0x7b: {  	_ =	shalt  }
0x7c: {  	_ =	shalt  }
0x7d: {  	_ =	shalt  }
0x7e: {  	_ =	shalt  }
0x7f: {  	_ =	shalt  }
0x80: {  	_ =	shalt  }
0x81: {  	_ =	shalt  }
0x82: {  	_ =	shalt  }
0x83: {  	_ =	shalt  }
0x84: {  	_ =	shalt  }
0x85: {  	_ =	shalt  }
0x86: {  	_ =	shalt  }
0x87: {  	_ =	shalt  }
.Lfunc_end0:
.L_simem_size_0:
called_computation_lowered:
.L_overlay_start_0:
0x88: {  	s2 =	sld [smem:$0x3FD9]  }
0x89: {  	s3 =	sld [smem:$0x3FFE];
	_ =	sdelay $0x1  }
0x8a: {  	s1 =	srdreg.scid  }
0x8b: {  	s0 =	sand.u32 $0x1, s1  }
0x8c: {  	s17 =	sshll.u32 s0, $0xA;
	s2 =	sadd.s32 s3, s2  }
0x8d: {  	s2 =	sadd.s32 s2, s17  }
0x8e: {  	[smem:$0x3FAE] =	sst s2  }
0x8f: {  	_ = 	snop  }
0x90: {  	s2 =	sld [smem:$0x3FC9]  }
0x91: {  	s18 =	sld [smem:$0x3FD0];
	(tm) =	ssettm $0x1  }
0x92: {  	s4 =	sld [smem:$0x3FFB];
	_ =	sdelay $0x3  }
0x93: {  	_ =	strace s4  }
0x94: {  	s4 =	sld [smem:$0x3FFC];
	_ =	sdelay $0x3  }
0x95: {  	_ =	strace s4  }
0x96: {  	s4 =	sld [smem:$0x3FFD];
	_ =	sdelay $0x3  }
0x97: {  	_ =	strace s4  }
0x98: {  	_ =	strace $0x8FFFFFFF  }
0x99: {  	s19 =	sld [smem:$0x3FDB];
	_ =	sdelay $0x1  }
0x9a: {  	s5 =	simm.s32 $_scs_section_size  }
0x9b: {  	s6 =	simm.s32 $_size__tile_overlayer_lowered;
	s7 =	simm.s32 $_tile_overlayer_lowered  }
0x9c: {  	s22 =	simm.s32 $0x1BFF;
	s21 =	sshll.u32 s7, $0x1;
	s4 =	sadd.s32 s5, s19  }
0x9d: {  	s8 =	simm.s32 $0x0;
	s20 =	sshll.u32 s6, $0x1;
	s6 =	sadd.s32 s21, s4  }
0x9e: {  	[timem:s8], [sflag:s22] =	dma.local [hbm:s6], s20  }
0x9f: {  	_ =	swait.ge [sflag:s22], s20  }
0xa0: {  	s5 =	ssub.s32 $0x0, s20;
	[sflag:s22] =	ssyncset.done $0x0  }
0xa1: {  	[sflag:s22] =	ssyncadd.s32 s5;
	_ =	sdelay $0x1  }
0xa2: {  	s23 =	simm.s32 $0x1B8B  }
0xa3: {  	_ =	swait.ge [sflag:s23], $0x1  }
0xa4: {  	[sflag:s23] =	ssyncset.done $0x0  }
0xa5: {  	s25 =	simm.s32 $0x1B8E;
	s24 =	sld [smem:$0x3FFE];
	[sflag:s23] =	ssyncadd.s32 $0xFFFFFFFF  }
0xa6: {  	s26 =	simm.s32 $execute0_lowered;
	[smem:$0x3FD2] =	sst s25  }
0xa7: {  	s6 =	sshll.u32 s26, $0x1;
	_ =	strace $0x80000046;
	[dreg:$0x1] =	wrdreg $0xFFFFFFFF  }
0xa8: {  	s28 =	simm.s32 $_size_execute0_lowered;
	s4 =	sadd.s32 s4, s6;
	[dreg:$0x0] =	wrdreg $0x0  }
0xa9: {  	s6 =	sshll.u32 s28, $0x1;
	[dreg:$0x2] =	wrdreg s4  }
0xaa: {  	[dreg:$0x3] =	wrdreg s6  }
0xab: {  	[dreg:$0x4] =	wrdreg $0xC0  }
0xac: {  	_ =	task [dreg:s8], $0x5FFFF  }
0xad: {  	[dreg:$0x1] =	wrdreg $0xFFFFFFFF  }
0xae: {  	[dreg:$0x0] =	wrdreg $0x60  }
0xaf: {  	[dreg:$0x2] =	wrdreg s2  }
0xb0: {  	[dreg:$0x3] =	wrdreg s18  }
0xb1: {  	[dreg:$0x4] =	wrdreg s24  }
0xb2: {  	[dreg:$0x5] =	wrdreg $0xC1000  }
0xb3: {  	[dreg:$0x6] =	wrdreg $0x9  }
0xb4: {  	_ =	task.clear_ibuf [dreg:s8], $0x7FFFF;
	_ =	strace $0x90000046  }
0xb5: {  	s29 =	simm.s32 $0x9;
	_ =	strace $0x80000048  }
0xb6: {  	_ =	swait.ge [sflag:s29], $0x1  }
0xb7: {  	[sflag:s29] =	ssyncadd.s32 $0xFFFFFFFF  }
0xb8: {  	_ =	strace $0x90000048  }
0xb9: {  	_ =	sfence  }
0xba: {  	s30 =	sld [smem:$0x0];
	_ =	sdelay $0x2  }
0xbb: {  	s31 =	sshll.u32 s1, $0xD;
	s1 =	sshrl.u32 s1, $0x2  }
0xbc: {  	s3 =	sand.u32 $0x4000, s31;
	s1 =	sadd.s32 s1, s30  }
0xbd: {  	s0 =	sor.u32 s3, s0;
	s1 =	sshll.u32 s1, $0x11  }
0xbe: {  	s0 =	sor.u32 s1, s0  }
0xbf: {  	s0 =	sadd.s32 $0x8F2B, s0  }
0xc0: {  	[sflag:s0] =	ssyncadd.remote.s32 $0x1  }
0xc1: {  	_ =	sfence.sel $0xFFFF  }
0xc2: {  	[dreg:$0x0] =	wrdreg $0xFFFFFFFF;
	(pc) =	sbr.abs _section_cstart, $3  }
0xc3: {  	[dreg:$0x1] =	wrdreg $0xFFFFFFFF  }
0xc4: {  	_ =	task.clear_ibuf [dreg:s8], $0x2FFFF;
	_ =	strace $0x9FFFFFFF  }
0xc5: {  	(tm) =	ssettm $0x7FFFFFFF  }
tec
execute0_lowered:
.L_overlay_start_1:
0x0: {  	(tag) =	ssettag $0x1  }
0x1: {  	s1 =	rddreg [dreg:$0x0]  }
0x2: {  	s0 =	rddreg [dreg:$0x1]  }
0x3: {  	s2 =	srdreg.scid;
	s7 =	rddreg [dreg:$0x2]  }
0x4: {  	s13 =	stileid.u32;
	s3 =	rddreg [dreg:$0x3];
	s4 =	simm.s32 $0x0  }
0x5: {  	s28 =	simm.s32 $0xA100;
	s29 =	simm.s32 $0x1;
	s30 =	simm.s32 $0x3  }
0x6: {  	s31 =	simm.s32 $0x4000;
	s2 =	sand.u32 $0x1, s2;
	s5 =	sshll.u32 s13, $0xE  }
0x7: {  	[smem:$0x7FF] =	sst s4;
	s11 =	sshll.u32 s13, $0xD;
	s16 =	sshll.u32 s13, $0x10  }
0x8: {  	s6 =	sshll.u32 s2, $0xD;
	_ =	strace $0x80000047;
	s10 =	ssub.s32 $0x2, s2  }
0x9: {  	s25 =	sshll.u32 s2, $0x11;
	s2 =	simm.s32 $0x2;
	s5 =	sor.u32 s6, s5  }
0xa: {  	s6 =	sadd.s32 $0x80BA00, s7;
	s12 =	sshrl.u32 s10, $0x1;
	s8 =	sshrl.u32 s5, $0x3  }
0xb: {  	s10 =	ssub.s32 s10, s12;
	s9 =	sadd.s32 s8, s7;
	s0 =	sadd.s32 s0, s8  }
0xc: {  	[dreg:$0x5] =	wrdreg s0;
	s17 =	sadd.s32 $0x403A00, s9;
	s9 =	sadd.s32 s16, s3  }
0xd: {  	s23 =	sshll.u32 s5, $0x4;
	[dreg:$0x6] =	wrdreg s17;
	s18 =	sadd.s32 $0x2000, s9  }
0xe: {  	s7 =	sadd.s32 s11, s7;
	s19 =	sadd.s32 $0x4000, s9;
	[dreg:$0x7] =	wrdreg s18  }
0xf: {  	s8 =	simm.s32 $0x6;
	s20 =	sadd.s32 $0x6000, s9;
	[dreg:$0x8] =	wrdreg s19  }
0x10: {  	s16 =	sadd.s32 s6, s23;
	s21 =	sadd.s32 $0x8000, s9;
	[dreg:$0x9] =	wrdreg s20  }
0x11: {  	s0 =	sadd.s32 s25, s7;
	s22 =	sadd.s32 $0xA000, s9;
	[dreg:$0xa] =	wrdreg s21  }
0x12: {  	s23 =	simm.s32 $0x4100;
	s24 =	sadd.s32 $0xC000, s9;
	[dreg:$0xb] =	wrdreg s22  }
.Ltmp0:
0x13: {  	s26 =	sadd.s32 $0xE000, s9;
	[dreg:$0xc] =	wrdreg s24;
	(pc) =	sbr.rel .LBB2_1-.Ltmp0, $4  }
0x14: {  	s25 =	simm.s32 $0x8100;
	s7 =	simm.s32 $0x5;
	[dreg:$0xd] =	wrdreg s26  }
0x15: {  	s18 =	sadd.s32 $0x400, s16;
	s19 =	sadd.s32 $0x3A00, s0;
	s20 =	smax.u32 s10, $0x1  }
0x16: {  	s21 =	simm.s32 $0x7;
	s24 =	simm.s32 $0x40;
	s26 =	simm.s32 $0x6100  }
0x17: {  	v0 =	vimm.f32 $0.0e+00;
	s22 =	simm.s32 $0x4;
	s0 =	simm.s32 $0x4080;
	s10 =	simm.s32 $0x0  }
.LBB2_10:
0x18: {  	_ =	swait.ge [sflag:s7], $0x2000  }
0x19: {  	[sflag:s7] =	ssyncset.done $0x0  }
0x1a: {  	[sflag:s7] =	ssyncadd.s32 $0xFFFFE000  }
0x1b: {  	s11 =	stileid.u32;
	_ =	swait.ge [sflag:s8], $0x2000  }
0x1c: {  	s12 =	sshrl.u32 s9, $0x3;
	s10 =	sadd.s32 $0x1, s10;
	[sflag:s8] =	ssyncset.done $0x0  }
0x1d: {  	s11 =	sshll.u32 s11, $0x6;
	p0 =	sne.s32 s10, s20;
	[sflag:s8] =	ssyncadd.s32 $0xFFFFE000  }
.Ltmp1:
0x1e: {  	s11 =	sor.u32 $0x1C07, s11;
	[bflag:$0x0] =	sbarrier.arrive $0xFFFF;
	(pc) =	sbr.rel @!p0 .LBB2_11-.Ltmp1, $4  }
0x1f: {  	[hbm:s19], [sflag:s11] =	dma.local [spmem:s12], $0x2000  }
0x20: {  	_ =	swait.ge [sflag:s21], $0x2000  }
0x21: {  	[sflag:s21] =	ssyncset.done $0x0  }
0x22: {  	[sflag:s21] =	ssyncadd.s32 $0xFFFFE000  }
.LBB2_1:
0x23: {  	s11 =	rddreg [dreg:$0x5]  }
0x24: {  	[tilespmem:s4], [sflag:$0x7] =	stream.linear.gather [hbm4b:s11+s4], $0x2000, $0x38;
	[tilespmem:$0x1C100] =	vst v63  }
0x25: {  	_ =	swait.ge [sflag:s21], $0x2000  }
0x26: {  	[sflag:s21] =	ssyncset.done $0x0  }
0x27: {  	s12 =	simm.s32 $0x2000;
	s17 =	rddreg [dreg:$0x6];
	[sflag:s21] =	ssyncadd.s32 $0xFFFFE000  }
0x28: {  	[tilespmem:s12], [sflag:$0x7] =	stream.linear.gather [hbm4b:s17+s4], $0x2000, $0x38;
	[tilespmem:$0x1C100] =	vst v63  }
0x29: {  	_ =	swait.ge [sflag:s21], $0x2000  }
0x2a: {  	[sflag:s21] =	ssyncset.done $0x0  }
0x2b: {  	s11 =	simm.s32 $0x0;
	s12 =	simm.s32 $0x200;
	[sflag:s21] =	ssyncadd.s32 $0xFFFFE000  }
.LBB2_2:
0x2c: {  	p0 =	sne.s32 s12, $0x7E00;
	[tilespmem:s11+$0x4170] =	vst v0  }
0x2d: {  	[tilespmem:s11+$0x4100] =	vst v0  }
0x2e: {  	[tilespmem:s11+$0x4110] =	vst v0  }
.Ltmp2:
0x2f: {  	[tilespmem:s11+$0x4120] =	vst v0;
	(pc) =	sbr.rel @p0 .LBB2_2-.Ltmp2, $4  }
0x30: {  	[tilespmem:s11+$0x4130] =	vst v0  }
0x31: {  	[tilespmem:s11+$0x4140] =	vst v0  }
0x32: {  	[tilespmem:s11+$0x4150] =	vst v0  }
0x33: {  	[tilespmem:s11+$0x4160] =	vst v0;
	s11 =	sshra.s32 s12, $0x2;
	s12 =	sadd.s32 $0x200, s12  }
0x34: {  	[tilespmem:s11+$0x4170] =	vst v0  }
0x35: {  	[tilespmem:s11+$0x4100] =	vst v0  }
0x36: {  	[tilespmem:s11+$0x4110] =	vst v0  }
0x37: {  	[tilespmem:s11+$0x4120] =	vst v0  }
0x38: {  	[tilespmem:s11+$0x4130] =	vst v0  }
0x39: {  	[tilespmem:s11+$0x4140] =	vst v0  }
0x3a: {  	[tilespmem:s11+$0x4150] =	vst v0  }
0x3b: {  	[tilespmem:s11+$0x4160] =	vst v0  }
0x3c: {  	[spmem:s9] =	stream.linear.scatter [tilespmem:s23], [sflag:$0x7], $0x2000, $0x38;
	[tilespmem:$0x1C100] =	vst v63  }
0x3d: {  	_ =	swait.ge [sflag:s21], $0x2000  }
0x3e: {  	[sflag:s21] =	ssyncset.done $0x0  }
0x3f: {  	s15 =	rddreg [dreg:$0x7];
	[sflag:s21] =	ssyncadd.s32 $0xFFFFE000  }
0x40: {  	[spmem:s15] =	stream.linear.scatter [tilespmem:s23], [sflag:$0x7], $0x2000, $0x38;
	[tilespmem:$0x1C100] =	vst v63  }
0x41: {  	_ =	swait.ge [sflag:s21], $0x2000  }
0x42: {  	[sflag:s21] =	ssyncset.done $0x0  }
0x43: {  	s17 =	rddreg [dreg:$0x8];
	[sflag:s21] =	ssyncadd.s32 $0xFFFFE000  }
0x44: {  	[spmem:s17] =	stream.linear.scatter [tilespmem:s23], [sflag:$0x7], $0x2000, $0x38;
	[tilespmem:$0x1C100] =	vst v63  }
0x45: {  	_ =	swait.ge [sflag:s21], $0x2000  }
0x46: {  	[sflag:s21] =	ssyncset.done $0x0  }
0x47: {  	s12 =	rddreg [dreg:$0x9];
	[sflag:s21] =	ssyncadd.s32 $0xFFFFE000  }
0x48: {  	[spmem:s12] =	stream.linear.scatter [tilespmem:s23], [sflag:$0x7], $0x2000, $0x38;
	[tilespmem:$0x1C100] =	vst v63  }
0x49: {  	_ =	swait.ge [sflag:s21], $0x2000  }
0x4a: {  	[sflag:s21] =	ssyncset.done $0x0  }
0x4b: {  	s13 =	rddreg [dreg:$0xa];
	[sflag:s21] =	ssyncadd.s32 $0xFFFFE000  }
0x4c: {  	[spmem:s13] =	stream.linear.scatter [tilespmem:s23], [sflag:$0x7], $0x2000, $0x38;
	[tilespmem:$0x1C100] =	vst v63  }
0x4d: {  	_ =	swait.ge [sflag:s21], $0x2000  }
0x4e: {  	[sflag:s21] =	ssyncset.done $0x0  }
0x4f: {  	s14 =	rddreg [dreg:$0xb];
	[sflag:s21] =	ssyncadd.s32 $0xFFFFE000  }
0x50: {  	[spmem:s14] =	stream.linear.scatter [tilespmem:s23], [sflag:$0x7], $0x2000, $0x38;
	[tilespmem:$0x1C100] =	vst v63  }
0x51: {  	_ =	swait.ge [sflag:s21], $0x2000  }
0x52: {  	[sflag:s21] =	ssyncset.done $0x0  }
0x53: {  	s15 =	rddreg [dreg:$0xc];
	[sflag:s21] =	ssyncadd.s32 $0xFFFFE000  }
0x54: {  	[spmem:s15] =	stream.linear.scatter [tilespmem:s23], [sflag:$0x7], $0x2000, $0x38;
	[tilespmem:$0x1C100] =	vst v63  }
0x55: {  	_ =	swait.ge [sflag:s21], $0x2000  }
0x56: {  	[sflag:s21] =	ssyncset.done $0x0  }
0x57: {  	s17 =	rddreg [dreg:$0xd];
	[sflag:s21] =	ssyncadd.s32 $0xFFFFE000  }
0x58: {  	[spmem:s17] =	stream.linear.scatter [tilespmem:s23], [sflag:$0x7], $0x2000, $0x38;
	[tilespmem:$0x1C100] =	vst v63  }
0x59: {  	_ =	swait.ge [sflag:s21], $0x2000  }
0x5a: {  	[sflag:s21] =	ssyncset.done $0x0  }
0x5b: {  	[sflag:s21] =	ssyncadd.s32 $0xFFFFE000  }
0x5c: {  	s11 =	simm.s32 $0x0;
	[bflag:$0x0] =	sbarrier.arrive $0xFFFF  }
0x5d: {  	[tilespmem:s23], [sflag:$0x1] =	stream.linear.gather [hbm4b:s16+s11], $0x2000, $0x38;
	[tilespmem:$0x1C100] =	vst v63  }
0x5e: {  	_ = 	snop  }
0x5f: {  	[tilespmem:s25], [sflag:$0x3] =	stream.indirect.gather [hbm4b:s1+s24], $0x80, s11, s24, $0xb8;
	[tilespmem:$0x1C100] =	vst v63  }
0x60: {  	_ = 	snop  }
0x61: {  	[tilespmem:s26], [sflag:$0x2] =	stream.linear.gather [hbm4b:s18+s11], $0x2000, $0x38;
	[tilespmem:$0x1C100] =	vst v63  }
0x62: {  	_ = 	snop  }
0x63: {  	[tilespmem:s28], [sflag:$0x4] =	stream.indirect.gather [hbm4b:s1+s24], $0x80, s24, s24, $0xb8;
	[tilespmem:$0x1C100] =	vst v63  }
.LBB2_4:
0x64: {  	_ =	swait.ge [sflag:s29], $0x2000  }
0x65: {  	[sflag:s29] =	ssyncset.done $0x0  }
0x66: {  	[sflag:s29] =	ssyncadd.s32 $0xFFFFE000  }
0x67: {  	_ =	swait.ge [sflag:s30], $0x2000  }
0x68: {  	[sflag:s30] =	ssyncset.done $0x0  }
0x69: {  	s13 =	simm.s32 $0x0;
	[sflag:s30] =	ssyncadd.s32 $0xFFFFE000  }
0x6a: {  	v7 =	vld [tilespmem:s13+$0x8100]  }
0x6b: {  	v8 =	vld [tilespmem:s13+$0x8110]  }
0x6c: {  	v9 =	vld [tilespmem:s13+$0x8120]  }
0x6d: {  	v10 =	vld [tilespmem:s13+$0x8130]  }
0x6e: {  	v11 =	vld [tilespmem:s13+$0x8140]  }
0x6f: {  	v12 =	vld [tilespmem:s13+$0x8150]  }
0x70: {  	v13 =	vld [tilespmem:s13+$0x8160]  }
0x71: {  	v14 =	vld [tilespmem:s13+$0x8170]  }
0x72: {  	v15 =	vld [tilespmem:s13+$0x8180]  }
0x73: {  	v16 =	vld [tilespmem:s13+$0x8190]  }
0x74: {  	v17 =	vld [tilespmem:s13+$0x81A0]  }
0x75: {  	v18 =	vld [tilespmem:s13+$0x81B0]  }
0x76: {  	v19 =	vld [tilespmem:s13+$0x81C0]  }
0x77: {  	v20 =	vld [tilespmem:s13+$0x81D0]  }
0x78: {  	v21 =	vld [tilespmem:s13+$0x81E0]  }
0x79: {  	v22 =	vld [tilespmem:s13+$0x81F0]  }
0x7a: {  	v23 =	vld [tilespmem:s13+$0x8200]  }
0x7b: {  	v24 =	vld [tilespmem:s13+$0x8210]  }
0x7c: {  	v25 =	vld [tilespmem:s13+$0x8220]  }
0x7d: {  	v26 =	vld [tilespmem:s13+$0x8230]  }
0x7e: {  	v27 =	vld [tilespmem:s13+$0x8240]  }
0x7f: {  	v33 =	vld [tilespmem:s13+$0x4100]  }
0x80: {  	v28 =	vld [tilespmem:s13+$0x8250]  }
0x81: {  	v34 =	vld [tilespmem:s13+$0x4110]  }
0x82: {  	v35 =	vld [tilespmem:s13+$0x4120]  }
0x83: {  	v29 =	vld [tilespmem:s13+$0x8260]  }
0x84: {  	v36 =	vld [tilespmem:s13+$0x4130];
	v7 =	vadd.f32 v7, v33  }
0x85: {  	v37 =	vld [tilespmem:s13+$0x4140]  }
0x86: {  	v30 =	vld [tilespmem:s13+$0x8270];
	v8 =	vadd.f32 v8, v34;
	v7 =	vmax.f32 v7, $0.0e+00  }
0x87: {  	v61 =	vld [tilespmem:s13+$0x4150];
	[tilespmem:s13+$0x4100] =	vst v7;
	v7 =	vadd.f32 v9, v35  }
0x88: {  	v38 =	vld [tilespmem:s13+$0x4160];
	v8 =	vmax.f32 v8, $0.0e+00  }
0x89: {  	v31 =	vld [tilespmem:s13+$0x8280];
	[tilespmem:s13+$0x4110] =	vst v8;
	v8 =	vadd.f32 v10, v36;
	v7 =	vmax.f32 v7, $0.0e+00  }
0x8a: {  	v62 =	vld [tilespmem:s13+$0x4170];
	[tilespmem:s13+$0x4120] =	vst v7;
	v7 =	vadd.f32 v11, v37  }
0x8b: {  	v9 =	vld [tilespmem:s13+$0x4180];
	v8 =	vmax.f32 v8, $0.0e+00  }
0x8c: {  	v32 =	vld [tilespmem:s13+$0x8290];
	[tilespmem:s13+$0x4130] =	vst v8;
	v8 =	vadd.f32 v12, v61;
	v7 =	vmax.f32 v7, $0.0e+00  }
0x8d: {  	v10 =	vld [tilespmem:s13+$0x4190];
	[tilespmem:s13+$0x4140] =	vst v7;
	v7 =	vadd.f32 v13, v38  }
0x8e: {  	v11 =	vld [tilespmem:s13+$0x41A0];
	v8 =	vmax.f32 v8, $0.0e+00  }
0x8f: {  	v6 =	vld [tilespmem:s13+$0x82A0];
	[tilespmem:s13+$0x4150] =	vst v8;
	v8 =	vadd.f32 v14, v62;
	v7 =	vmax.f32 v7, $0.0e+00  }
0x90: {  	v12 =	vld [tilespmem:s13+$0x41B0];
	[tilespmem:s13+$0x4160] =	vst v7;
	v7 =	vadd.f32 v15, v9  }
0x91: {  	v13 =	vld [tilespmem:s13+$0x41C0];
	v8 =	vmax.f32 v8, $0.0e+00  }
0x92: {  	v5 =	vld [tilespmem:s13+$0x82B0];
	[tilespmem:s13+$0x4170] =	vst v8;
	v8 =	vadd.f32 v16, v10;
	v7 =	vmax.f32 v7, $0.0e+00  }
0x93: {  	v14 =	vld [tilespmem:s13+$0x41D0];
	[tilespmem:s13+$0x4180] =	vst v7;
	v7 =	vadd.f32 v17, v11  }
0x94: {  	v9 =	vld [tilespmem:s13+$0x41E0];
	v8 =	vmax.f32 v8, $0.0e+00  }
0x95: {  	v4 =	vld [tilespmem:s13+$0x82C0];
	[tilespmem:s13+$0x4190] =	vst v8;
	v8 =	vadd.f32 v18, v12;
	v7 =	vmax.f32 v7, $0.0e+00  }
0x96: {  	v10 =	vld [tilespmem:s13+$0x41F0];
	[tilespmem:s13+$0x41A0] =	vst v7;
	v7 =	vadd.f32 v19, v13  }
0x97: {  	v11 =	vld [tilespmem:s13+$0x4200];
	v8 =	vmax.f32 v8, $0.0e+00  }
0x98: {  	v3 =	vld [tilespmem:s13+$0x82D0];
	[tilespmem:s13+$0x41B0] =	vst v8;
	v8 =	vadd.f32 v20, v14;
	v7 =	vmax.f32 v7, $0.0e+00  }
0x99: {  	v12 =	vld [tilespmem:s13+$0x4210];
	[tilespmem:s13+$0x41C0] =	vst v7;
	v7 =	vadd.f32 v21, v9  }
0x9a: {  	v13 =	vld [tilespmem:s13+$0x4220];
	v8 =	vmax.f32 v8, $0.0e+00  }
0x9b: {  	v2 =	vld [tilespmem:s13+$0x82E0];
	[tilespmem:s13+$0x41D0] =	vst v8;
	v8 =	vadd.f32 v22, v10;
	v7 =	vmax.f32 v7, $0.0e+00  }
0x9c: {  	v14 =	vld [tilespmem:s13+$0x4230];
	[tilespmem:s13+$0x41E0] =	vst v7;
	v7 =	vadd.f32 v23, v11  }
0x9d: {  	v9 =	vld [tilespmem:s13+$0x4240];
	v8 =	vmax.f32 v8, $0.0e+00  }
0x9e: {  	v1 =	vld [tilespmem:s13+$0x82F0];
	[tilespmem:s13+$0x41F0] =	vst v8;
	v8 =	vadd.f32 v24, v12;
	v7 =	vmax.f32 v7, $0.0e+00  }
0x9f: {  	v10 =	vld [tilespmem:s13+$0x4250];
	[tilespmem:s13+$0x4200] =	vst v7;
	v7 =	vadd.f32 v25, v13  }
0xa0: {  	v15 =	vld [tilespmem:s13+$0x4260];
	v8 =	vmax.f32 v8, $0.0e+00  }
0xa1: {  	v12 =	vld [tilespmem:s13+$0x4270];
	[tilespmem:s13+$0x4210] =	vst v8;
	v8 =	vadd.f32 v26, v14;
	v7 =	vmax.f32 v7, $0.0e+00  }
0xa2: {  	v13 =	vld [tilespmem:s13+$0x4280];
	[tilespmem:s13+$0x4220] =	vst v7;
	v7 =	vadd.f32 v27, v9  }
0xa3: {  	v63 =	vld [tilespmem:s13+$0x4290];
	v8 =	vmax.f32 v8, $0.0e+00  }
0xa4: {  	v11 =	vld [tilespmem:s13+$0x42A0];
	[tilespmem:s13+$0x4230] =	vst v8;
	v8 =	vadd.f32 v28, v10;
	v7 =	vmax.f32 v7, $0.0e+00  }
0xa5: {  	v10 =	vld [tilespmem:s13+$0x42B0];
	[tilespmem:s13+$0x4240] =	vst v7;
	v7 =	vadd.f32 v29, v15  }
0xa6: {  	v12 =	vadd.f32 v30, v12;
	v9 =	vld [tilespmem:s13+$0x42C0];
	v8 =	vmax.f32 v8, $0.0e+00  }
0xa7: {  	v13 =	vadd.f32 v31, v13;
	[tilespmem:s13+$0x4250] =	vst v8;
	v8 =	vld [tilespmem:s13+$0x42D0];
	v7 =	vmax.f32 v7, $0.0e+00  }
0xa8: {  	s12 =	simm.s32 $0x800;
	v14 =	vmax.f32 v12, $0.0e+00;
	v12 =	vadd.f32 v32, v63;
	[tilespmem:s13+$0x4260] =	vst v7;
	v7 =	vld [tilespmem:s13+$0x42E0]  }
.LBB2_5:
0xa9: {  	s14 =	sshra.s32 s12, $0x2;
	p0 =	sne.s32 s12, $0x7800;
	[tilespmem:s13+$0x4270] =	vst v14;
	v13 =	vmax.f32 v13, $0.0e+00;
	v6 =	vadd.f32 v6, v11;
	v11 =	vld [tilespmem:s13+$0x42F0]  }
0xaa: {  	v14 =	vld [tilespmem:s14+$0x8100];
	[tilespmem:s13+$0x4280] =	vst v13;
	v12 =	vmax.f32 v12, $0.0e+00;
	v5 =	vadd.f32 v5, v10  }
0xab: {  	v13 =	vld [tilespmem:s14+$0x8110];
	[tilespmem:s13+$0x4290] =	vst v12;
	v6 =	vmax.f32 v6, $0.0e+00;
	v4 =	vadd.f32 v4, v9  }
0xac: {  	v15 =	vld [tilespmem:s14+$0x8120];
	[tilespmem:s13+$0x42A0] =	vst v6;
	v5 =	vmax.f32 v5, $0.0e+00;
	v3 =	vadd.f32 v3, v8  }
0xad: {  	v16 =	vld [tilespmem:s14+$0x8130];
	[tilespmem:s13+$0x42B0] =	vst v5;
	v4 =	vmax.f32 v4, $0.0e+00;
	v2 =	vadd.f32 v2, v7  }
0xae: {  	v17 =	vld [tilespmem:s14+$0x8140];
	[tilespmem:s13+$0x42C0] =	vst v4;
	v3 =	vmax.f32 v3, $0.0e+00;
	v1 =	vadd.f32 v1, v11  }
0xaf: {  	v18 =	vld [tilespmem:s14+$0x8150];
	[tilespmem:s13+$0x42D0] =	vst v3;
	v2 =	vmax.f32 v2, $0.0e+00  }
0xb0: {  	v19 =	vld [tilespmem:s14+$0x8160];
	[tilespmem:s13+$0x42E0] =	vst v2;
	v1 =	vmax.f32 v1, $0.0e+00  }
0xb1: {  	v20 =	vld [tilespmem:s14+$0x8170];
	[tilespmem:s13+$0x42F0] =	vst v1;
	s13 =	smov.u32 s14  }
0xb2: {  	v21 =	vld [tilespmem:s13+$0x8180]  }
0xb3: {  	v22 =	vld [tilespmem:s13+$0x8190]  }
0xb4: {  	v23 =	vld [tilespmem:s13+$0x81A0]  }
0xb5: {  	v24 =	vld [tilespmem:s13+$0x81B0]  }
0xb6: {  	v25 =	vld [tilespmem:s13+$0x81C0]  }
0xb7: {  	v26 =	vld [tilespmem:s13+$0x81D0]  }
0xb8: {  	v27 =	vld [tilespmem:s13+$0x81E0]  }
0xb9: {  	v28 =	vld [tilespmem:s13+$0x81F0]  }
0xba: {  	v29 =	vld [tilespmem:s13+$0x8200]  }
0xbb: {  	v30 =	vld [tilespmem:s13+$0x8210]  }
0xbc: {  	v31 =	vld [tilespmem:s13+$0x8220]  }
0xbd: {  	v32 =	vld [tilespmem:s13+$0x8230]  }
0xbe: {  	v12 =	vld [tilespmem:s13+$0x8240]  }
0xbf: {  	v11 =	vld [tilespmem:s13+$0x8250]  }
0xc0: {  	v10 =	vld [tilespmem:s13+$0x8260]  }
0xc1: {  	v9 =	vld [tilespmem:s13+$0x8270]  }
0xc2: {  	v8 =	vld [tilespmem:s13+$0x8280]  }
0xc3: {  	v7 =	vld [tilespmem:s13+$0x8290]  }
0xc4: {  	v6 =	vld [tilespmem:s13+$0x82A0]  }
0xc5: {  	v5 =	vld [tilespmem:s13+$0x82B0]  }
0xc6: {  	v4 =	vld [tilespmem:s13+$0x82C0]  }
0xc7: {  	v3 =	vld [tilespmem:s13+$0x82D0]  }
0xc8: {  	v2 =	vld [tilespmem:s13+$0x82E0]  }
0xc9: {  	v1 =	vld [tilespmem:s13+$0x82F0]  }
0xca: {  	v33 =	vld [tilespmem:s13+$0x4100]  }
0xcb: {  	v34 =	vld [tilespmem:s13+$0x4110]  }
0xcc: {  	v35 =	vld [tilespmem:s13+$0x4120]  }
0xcd: {  	v36 =	vld [tilespmem:s13+$0x4130]  }
0xce: {  	v37 =	vld [tilespmem:s13+$0x4140]  }
0xcf: {  	v14 =	vadd.f32 v14, v33;
	v33 =	vld [tilespmem:s13+$0x4150]  }
0xd0: {  	v13 =	vadd.f32 v13, v34;
	v34 =	vld [tilespmem:s13+$0x4160]  }
0xd1: {  	v14 =	vmax.f32 v14, $0.0e+00;
	v15 =	vadd.f32 v15, v35;
	v35 =	vld [tilespmem:s13+$0x4170]  }
0xd2: {  	[tilespmem:s13+$0x4100] =	vst v14;
	v13 =	vmax.f32 v13, $0.0e+00;
	v14 =	vadd.f32 v16, v36;
	v16 =	vld [tilespmem:s13+$0x4180]  }
0xd3: {  	[tilespmem:s13+$0x4110] =	vst v13;
	v13 =	vmax.f32 v15, $0.0e+00;
	v15 =	vadd.f32 v17, v37;
	v17 =	vld [tilespmem:s13+$0x4190]  }
0xd4: {  	[tilespmem:s13+$0x4120] =	vst v13;
	v13 =	vmax.f32 v14, $0.0e+00;
	v14 =	vadd.f32 v18, v33;
	v18 =	vld [tilespmem:s13+$0x41A0]  }
0xd5: {  	[tilespmem:s13+$0x4130] =	vst v13;
	v13 =	vmax.f32 v15, $0.0e+00;
	v15 =	vadd.f32 v19, v34;
	v19 =	vld [tilespmem:s13+$0x41B0]  }
0xd6: {  	[tilespmem:s13+$0x4140] =	vst v13;
	v13 =	vmax.f32 v14, $0.0e+00;
	v14 =	vadd.f32 v20, v35;
	v20 =	vld [tilespmem:s13+$0x41C0]  }
0xd7: {  	[tilespmem:s13+$0x4150] =	vst v13;
	v13 =	vmax.f32 v15, $0.0e+00;
	v15 =	vadd.f32 v21, v16;
	v16 =	vld [tilespmem:s13+$0x41D0]  }
0xd8: {  	[tilespmem:s13+$0x4160] =	vst v13;
	v13 =	vmax.f32 v14, $0.0e+00;
	v14 =	vadd.f32 v22, v17;
	v17 =	vld [tilespmem:s13+$0x41E0]  }
0xd9: {  	[tilespmem:s13+$0x4170] =	vst v13;
	v13 =	vmax.f32 v15, $0.0e+00;
	v15 =	vadd.f32 v23, v18;
	v18 =	vld [tilespmem:s13+$0x41F0]  }
0xda: {  	[tilespmem:s13+$0x4180] =	vst v13;
	v13 =	vmax.f32 v14, $0.0e+00;
	v14 =	vadd.f32 v24, v19;
	v19 =	vld [tilespmem:s13+$0x4200]  }
0xdb: {  	[tilespmem:s13+$0x4190] =	vst v13;
	v13 =	vmax.f32 v15, $0.0e+00;
	v15 =	vadd.f32 v25, v20;
	v20 =	vld [tilespmem:s13+$0x4210]  }
0xdc: {  	[tilespmem:s13+$0x41A0] =	vst v13;
	v13 =	vmax.f32 v14, $0.0e+00;
	v14 =	vadd.f32 v26, v16;
	v16 =	vld [tilespmem:s13+$0x4220]  }
0xdd: {  	[tilespmem:s13+$0x41B0] =	vst v13;
	v13 =	vmax.f32 v15, $0.0e+00;
	v15 =	vadd.f32 v27, v17;
	v17 =	vld [tilespmem:s13+$0x4230]  }
0xde: {  	[tilespmem:s13+$0x41C0] =	vst v13;
	v13 =	vmax.f32 v14, $0.0e+00;
	v14 =	vadd.f32 v28, v18;
	v18 =	vld [tilespmem:s13+$0x4240]  }
0xdf: {  	[tilespmem:s13+$0x41D0] =	vst v13;
	v13 =	vmax.f32 v15, $0.0e+00;
	v15 =	vadd.f32 v29, v19;
	v19 =	vld [tilespmem:s13+$0x4250]  }
0xe0: {  	[tilespmem:s13+$0x41E0] =	vst v13;
	v13 =	vmax.f32 v14, $0.0e+00;
	v14 =	vadd.f32 v30, v20;
	v20 =	vld [tilespmem:s13+$0x4260]  }
0xe1: {  	[tilespmem:s13+$0x41F0] =	vst v13;
	v13 =	vmax.f32 v15, $0.0e+00;
	v15 =	vadd.f32 v31, v16;
	v16 =	vld [tilespmem:s13+$0x4270]  }
0xe2: {  	[tilespmem:s13+$0x4200] =	vst v13;
	v13 =	vmax.f32 v14, $0.0e+00;
	v14 =	vadd.f32 v32, v17;
	v17 =	vld [tilespmem:s13+$0x4280]  }
0xe3: {  	[tilespmem:s13+$0x4210] =	vst v13;
	v13 =	vmax.f32 v15, $0.0e+00;
	v12 =	vadd.f32 v12, v18;
	v15 =	vld [tilespmem:s13+$0x4290]  }
.Ltmp3:
0xe4: {  	[tilespmem:s13+$0x4220] =	vst v13;
	v13 =	vmax.f32 v14, $0.0e+00;
	v14 =	vadd.f32 v11, v19;
	v11 =	vld [tilespmem:s13+$0x42A0];
	(pc) =	sbr.rel @p0 .LBB2_5-.Ltmp3, $4  }
0xe5: {  	[tilespmem:s13+$0x4230] =	vst v13;
	v12 =	vmax.f32 v12, $0.0e+00;
	v13 =	vadd.f32 v10, v20;
	v10 =	vld [tilespmem:s13+$0x42B0]  }
0xe6: {  	[tilespmem:s13+$0x4240] =	vst v12;
	v12 =	vmax.f32 v14, $0.0e+00;
	v14 =	vadd.f32 v9, v16;
	v9 =	vld [tilespmem:s13+$0x42C0]  }
0xe7: {  	[tilespmem:s13+$0x4250] =	vst v12;
	v12 =	vmax.f32 v13, $0.0e+00;
	v13 =	vadd.f32 v8, v17;
	v8 =	vld [tilespmem:s13+$0x42D0]  }
0xe8: {  	s12 =	sadd.s32 $0x800, s12;
	[tilespmem:s13+$0x4260] =	vst v12;
	v14 =	vmax.f32 v14, $0.0e+00;
	v12 =	vadd.f32 v7, v15;
	v7 =	vld [tilespmem:s13+$0x42E0]  }
0xe9: {  	[tilespmem:s13+$0x4270] =	vst v14;
	v13 =	vmax.f32 v13, $0.0e+00;
	v6 =	vadd.f32 v6, v11;
	v11 =	vld [tilespmem:s13+$0x42F0]  }
0xea: {  	[tilespmem:s13+$0x4280] =	vst v13;
	v12 =	vmax.f32 v12, $0.0e+00;
	v5 =	vadd.f32 v5, v10  }
0xeb: {  	[tilespmem:s13+$0x4290] =	vst v12;
	v6 =	vmax.f32 v6, $0.0e+00;
	v4 =	vadd.f32 v4, v9  }
0xec: {  	[tilespmem:s13+$0x42A0] =	vst v6;
	v5 =	vmax.f32 v5, $0.0e+00;
	v3 =	vadd.f32 v3, v8  }
0xed: {  	[tilespmem:s13+$0x42B0] =	vst v5;
	v4 =	vmax.f32 v4, $0.0e+00;
	v2 =	vadd.f32 v2, v7  }
0xee: {  	[tilespmem:s13+$0x42C0] =	vst v4;
	v3 =	vmax.f32 v3, $0.0e+00;
	v1 =	vadd.f32 v1, v11  }
0xef: {  	[tilespmem:s13+$0x42D0] =	vst v3;
	v2 =	vmax.f32 v2, $0.0e+00  }
0xf0: {  	s12 =	sshll.u32 s11, $0x7;
	[tilespmem:s13+$0x42E0] =	vst v2;
	v1 =	vmax.f32 v1, $0.0e+00  }
0xf1: {  	[tilespmem:s13+$0x42F0] =	vst v1;
	s13 =	sand.u32 $0x3FFFFF80, s12  }
0xf2: {  	v1 =	vld [tilespmem:s13+$0x2000];
	_ =	sdelay $0x4  }
0xf3: {  	[tilespmem:$0x4000] =	vst v1  }
0xf4: {  	v1 =	vld [tilespmem:s13+$0x2010];
	_ =	sdelay $0x4  }
0xf5: {  	[tilespmem:$0x4010] =	vst v1  }
0xf6: {  	v1 =	vld [tilespmem:s13+$0x2020];
	_ =	sdelay $0x4  }
0xf7: {  	[tilespmem:$0x4020] =	vst v1  }
0xf8: {  	v1 =	vld [tilespmem:s13+$0x2030];
	_ =	sdelay $0x4  }
0xf9: {  	[tilespmem:$0x4030] =	vst v1  }
0xfa: {  	[spmem:s3] =	stream.indirect.scatter.add.f32 [tilespmem:s23], [sflag:$0x5], $0x80, s31, s24, $0xb8;
	[tilespmem:$0x1C100] =	vst v63  }
0xfb: {  	_ =	swait.ge [sflag:s2], $0x2000  }
0xfc: {  	[sflag:s2] =	ssyncset.done $0x0  }
0xfd: {  	[sflag:s2] =	ssyncadd.s32 $0xFFFFE000  }
0xfe: {  	_ =	swait.ge [sflag:s22], $0x2000  }
0xff: {  	[sflag:s22] =	ssyncset.done $0x0  }
0x100: {  	s14 =	simm.s32 $0x0;
	[sflag:s22] =	ssyncadd.s32 $0xFFFFE000  }
0x101: {  	v7 =	vld [tilespmem:s14+$0xA100]  }
0x102: {  	v8 =	vld [tilespmem:s14+$0xA110]  }
0x103: {  	v9 =	vld [tilespmem:s14+$0xA120]  }
0x104: {  	v10 =	vld [tilespmem:s14+$0xA130]  }
0x105: {  	v11 =	vld [tilespmem:s14+$0xA140]  }
0x106: {  	v12 =	vld [tilespmem:s14+$0xA150]  }
0x107: {  	v13 =	vld [tilespmem:s14+$0xA160]  }
0x108: {  	v14 =	vld [tilespmem:s14+$0xA170]  }
0x109: {  	v15 =	vld [tilespmem:s14+$0xA180]  }
0x10a: {  	v16 =	vld [tilespmem:s14+$0xA190]  }
0x10b: {  	v17 =	vld [tilespmem:s14+$0xA1A0]  }
0x10c: {  	v18 =	vld [tilespmem:s14+$0xA1B0]  }
0x10d: {  	v19 =	vld [tilespmem:s14+$0xA1C0]  }
0x10e: {  	v20 =	vld [tilespmem:s14+$0xA1D0]  }
0x10f: {  	v21 =	vld [tilespmem:s14+$0xA1E0]  }
0x110: {  	v22 =	vld [tilespmem:s14+$0xA1F0]  }
0x111: {  	v23 =	vld [tilespmem:s14+$0xA200]  }
0x112: {  	v24 =	vld [tilespmem:s14+$0xA210]  }
0x113: {  	v25 =	vld [tilespmem:s14+$0xA220]  }
0x114: {  	v26 =	vld [tilespmem:s14+$0xA230]  }
0x115: {  	v27 =	vld [tilespmem:s14+$0xA240]  }
0x116: {  	v33 =	vld [tilespmem:s14+$0x6100]  }
0x117: {  	v28 =	vld [tilespmem:s14+$0xA250]  }
0x118: {  	v34 =	vld [tilespmem:s14+$0x6110]  }
0x119: {  	v35 =	vld [tilespmem:s14+$0x6120]  }
0x11a: {  	v29 =	vld [tilespmem:s14+$0xA260]  }
0x11b: {  	v36 =	vld [tilespmem:s14+$0x6130];
	v7 =	vadd.f32 v7, v33  }
0x11c: {  	v37 =	vld [tilespmem:s14+$0x6140]  }
0x11d: {  	v30 =	vld [tilespmem:s14+$0xA270];
	v8 =	vadd.f32 v8, v34;
	v7 =	vmax.f32 v7, $0.0e+00  }
0x11e: {  	v61 =	vld [tilespmem:s14+$0x6150];
	[tilespmem:s14+$0x6100] =	vst v7;
	v7 =	vadd.f32 v9, v35  }
0x11f: {  	v38 =	vld [tilespmem:s14+$0x6160];
	v8 =	vmax.f32 v8, $0.0e+00  }
0x120: {  	v31 =	vld [tilespmem:s14+$0xA280];
	[tilespmem:s14+$0x6110] =	vst v8;
	v8 =	vadd.f32 v10, v36;
	v7 =	vmax.f32 v7, $0.0e+00  }
0x121: {  	v62 =	vld [tilespmem:s14+$0x6170];
	[tilespmem:s14+$0x6120] =	vst v7;
	v7 =	vadd.f32 v11, v37  }
0x122: {  	v9 =	vld [tilespmem:s14+$0x6180];
	v8 =	vmax.f32 v8, $0.0e+00  }
0x123: {  	v32 =	vld [tilespmem:s14+$0xA290];
	[tilespmem:s14+$0x6130] =	vst v8;
	v8 =	vadd.f32 v12, v61;
	v7 =	vmax.f32 v7, $0.0e+00  }
0x124: {  	v10 =	vld [tilespmem:s14+$0x6190];
	[tilespmem:s14+$0x6140] =	vst v7;
	v7 =	vadd.f32 v13, v38  }
0x125: {  	v11 =	vld [tilespmem:s14+$0x61A0];
	v8 =	vmax.f32 v8, $0.0e+00  }
0x126: {  	v6 =	vld [tilespmem:s14+$0xA2A0];
	[tilespmem:s14+$0x6150] =	vst v8;
	v8 =	vadd.f32 v14, v62;
	v7 =	vmax.f32 v7, $0.0e+00  }
0x127: {  	v12 =	vld [tilespmem:s14+$0x61B0];
	[tilespmem:s14+$0x6160] =	vst v7;
	v7 =	vadd.f32 v15, v9  }
0x128: {  	v13 =	vld [tilespmem:s14+$0x61C0];
	v8 =	vmax.f32 v8, $0.0e+00  }
0x129: {  	v5 =	vld [tilespmem:s14+$0xA2B0];
	[tilespmem:s14+$0x6170] =	vst v8;
	v8 =	vadd.f32 v16, v10;
	v7 =	vmax.f32 v7, $0.0e+00  }
0x12a: {  	v14 =	vld [tilespmem:s14+$0x61D0];
	[tilespmem:s14+$0x6180] =	vst v7;
	v7 =	vadd.f32 v17, v11  }
0x12b: {  	v9 =	vld [tilespmem:s14+$0x61E0];
	v8 =	vmax.f32 v8, $0.0e+00  }
0x12c: {  	v4 =	vld [tilespmem:s14+$0xA2C0];
	[tilespmem:s14+$0x6190] =	vst v8;
	v8 =	vadd.f32 v18, v12;
	v7 =	vmax.f32 v7, $0.0e+00  }
0x12d: {  	v10 =	vld [tilespmem:s14+$0x61F0];
	[tilespmem:s14+$0x61A0] =	vst v7;
	v7 =	vadd.f32 v19, v13  }
0x12e: {  	v11 =	vld [tilespmem:s14+$0x6200];
	v8 =	vmax.f32 v8, $0.0e+00  }
0x12f: {  	v3 =	vld [tilespmem:s14+$0xA2D0];
	[tilespmem:s14+$0x61B0] =	vst v8;
	v8 =	vadd.f32 v20, v14;
	v7 =	vmax.f32 v7, $0.0e+00  }
0x130: {  	v12 =	vld [tilespmem:s14+$0x6210];
	[tilespmem:s14+$0x61C0] =	vst v7;
	v7 =	vadd.f32 v21, v9  }
0x131: {  	v13 =	vld [tilespmem:s14+$0x6220];
	v8 =	vmax.f32 v8, $0.0e+00  }
0x132: {  	v2 =	vld [tilespmem:s14+$0xA2E0];
	[tilespmem:s14+$0x61D0] =	vst v8;
	v8 =	vadd.f32 v22, v10;
	v7 =	vmax.f32 v7, $0.0e+00  }
0x133: {  	v14 =	vld [tilespmem:s14+$0x6230];
	[tilespmem:s14+$0x61E0] =	vst v7;
	v7 =	vadd.f32 v23, v11  }
0x134: {  	v9 =	vld [tilespmem:s14+$0x6240];
	v8 =	vmax.f32 v8, $0.0e+00  }
0x135: {  	v1 =	vld [tilespmem:s14+$0xA2F0];
	[tilespmem:s14+$0x61F0] =	vst v8;
	v8 =	vadd.f32 v24, v12;
	v7 =	vmax.f32 v7, $0.0e+00  }
0x136: {  	v10 =	vld [tilespmem:s14+$0x6250];
	[tilespmem:s14+$0x6200] =	vst v7;
	v7 =	vadd.f32 v25, v13  }
0x137: {  	v15 =	vld [tilespmem:s14+$0x6260];
	v8 =	vmax.f32 v8, $0.0e+00  }
0x138: {  	v12 =	vld [tilespmem:s14+$0x6270];
	[tilespmem:s14+$0x6210] =	vst v8;
	v8 =	vadd.f32 v26, v14;
	v7 =	vmax.f32 v7, $0.0e+00  }
0x139: {  	v13 =	vld [tilespmem:s14+$0x6280];
	[tilespmem:s14+$0x6220] =	vst v7;
	v7 =	vadd.f32 v27, v9  }
0x13a: {  	v63 =	vld [tilespmem:s14+$0x6290];
	v8 =	vmax.f32 v8, $0.0e+00  }
0x13b: {  	v11 =	vld [tilespmem:s14+$0x62A0];
	[tilespmem:s14+$0x6230] =	vst v8;
	v8 =	vadd.f32 v28, v10;
	v7 =	vmax.f32 v7, $0.0e+00  }
0x13c: {  	v10 =	vld [tilespmem:s14+$0x62B0];
	[tilespmem:s14+$0x6240] =	vst v7;
	v7 =	vadd.f32 v29, v15  }
0x13d: {  	v12 =	vadd.f32 v30, v12;
	v9 =	vld [tilespmem:s14+$0x62C0];
	v8 =	vmax.f32 v8, $0.0e+00  }
0x13e: {  	v13 =	vadd.f32 v31, v13;
	[tilespmem:s14+$0x6250] =	vst v8;
	v8 =	vld [tilespmem:s14+$0x62D0];
	v7 =	vmax.f32 v7, $0.0e+00  }
0x13f: {  	s15 =	simm.s32 $0x800;
	v14 =	vmax.f32 v12, $0.0e+00;
	v12 =	vadd.f32 v32, v63;
	[tilespmem:s14+$0x6260] =	vst v7;
	v7 =	vld [tilespmem:s14+$0x62E0]  }
.LBB2_7:
0x140: {  	s17 =	sshra.s32 s15, $0x2;
	p0 =	sne.s32 s15, $0x7800;
	[tilespmem:s14+$0x6270] =	vst v14;
	v13 =	vmax.f32 v13, $0.0e+00;
	v6 =	vadd.f32 v6, v11;
	v11 =	vld [tilespmem:s14+$0x62F0]  }
0x141: {  	v14 =	vld [tilespmem:s17+$0xA100];
	[tilespmem:s14+$0x6280] =	vst v13;
	v12 =	vmax.f32 v12, $0.0e+00;
	v5 =	vadd.f32 v5, v10  }
0x142: {  	v13 =	vld [tilespmem:s17+$0xA110];
	[tilespmem:s14+$0x6290] =	vst v12;
	v6 =	vmax.f32 v6, $0.0e+00;
	v4 =	vadd.f32 v4, v9  }
0x143: {  	v15 =	vld [tilespmem:s17+$0xA120];
	[tilespmem:s14+$0x62A0] =	vst v6;
	v5 =	vmax.f32 v5, $0.0e+00;
	v3 =	vadd.f32 v3, v8  }
0x144: {  	v16 =	vld [tilespmem:s17+$0xA130];
	[tilespmem:s14+$0x62B0] =	vst v5;
	v4 =	vmax.f32 v4, $0.0e+00;
	v2 =	vadd.f32 v2, v7  }
0x145: {  	v17 =	vld [tilespmem:s17+$0xA140];
	[tilespmem:s14+$0x62C0] =	vst v4;
	v3 =	vmax.f32 v3, $0.0e+00;
	v1 =	vadd.f32 v1, v11  }
0x146: {  	v18 =	vld [tilespmem:s17+$0xA150];
	[tilespmem:s14+$0x62D0] =	vst v3;
	v2 =	vmax.f32 v2, $0.0e+00  }
0x147: {  	v19 =	vld [tilespmem:s17+$0xA160];
	[tilespmem:s14+$0x62E0] =	vst v2;
	v1 =	vmax.f32 v1, $0.0e+00  }
0x148: {  	v20 =	vld [tilespmem:s17+$0xA170];
	[tilespmem:s14+$0x62F0] =	vst v1;
	s14 =	smov.u32 s17  }
0x149: {  	v21 =	vld [tilespmem:s14+$0xA180]  }
0x14a: {  	v22 =	vld [tilespmem:s14+$0xA190]  }
0x14b: {  	v23 =	vld [tilespmem:s14+$0xA1A0]  }
0x14c: {  	v24 =	vld [tilespmem:s14+$0xA1B0]  }
0x14d: {  	v25 =	vld [tilespmem:s14+$0xA1C0]  }
0x14e: {  	v26 =	vld [tilespmem:s14+$0xA1D0]  }
0x14f: {  	v27 =	vld [tilespmem:s14+$0xA1E0]  }
0x150: {  	v28 =	vld [tilespmem:s14+$0xA1F0]  }
0x151: {  	v29 =	vld [tilespmem:s14+$0xA200]  }
0x152: {  	v30 =	vld [tilespmem:s14+$0xA210]  }
0x153: {  	v31 =	vld [tilespmem:s14+$0xA220]  }
0x154: {  	v32 =	vld [tilespmem:s14+$0xA230]  }
0x155: {  	v12 =	vld [tilespmem:s14+$0xA240]  }
0x156: {  	v11 =	vld [tilespmem:s14+$0xA250]  }
0x157: {  	v10 =	vld [tilespmem:s14+$0xA260]  }
0x158: {  	v9 =	vld [tilespmem:s14+$0xA270]  }
0x159: {  	v8 =	vld [tilespmem:s14+$0xA280]  }
0x15a: {  	v7 =	vld [tilespmem:s14+$0xA290]  }
0x15b: {  	v6 =	vld [tilespmem:s14+$0xA2A0]  }
0x15c: {  	v5 =	vld [tilespmem:s14+$0xA2B0]  }
0x15d: {  	v4 =	vld [tilespmem:s14+$0xA2C0]  }
0x15e: {  	v3 =	vld [tilespmem:s14+$0xA2D0]  }
0x15f: {  	v2 =	vld [tilespmem:s14+$0xA2E0]  }
0x160: {  	v1 =	vld [tilespmem:s14+$0xA2F0]  }
0x161: {  	v33 =	vld [tilespmem:s14+$0x6100]  }
0x162: {  	v34 =	vld [tilespmem:s14+$0x6110]  }
0x163: {  	v35 =	vld [tilespmem:s14+$0x6120]  }
0x164: {  	v36 =	vld [tilespmem:s14+$0x6130]  }
0x165: {  	v37 =	vld [tilespmem:s14+$0x6140]  }
0x166: {  	v14 =	vadd.f32 v14, v33;
	v33 =	vld [tilespmem:s14+$0x6150]  }
0x167: {  	v13 =	vadd.f32 v13, v34;
	v34 =	vld [tilespmem:s14+$0x6160]  }
0x168: {  	v14 =	vmax.f32 v14, $0.0e+00;
	v15 =	vadd.f32 v15, v35;
	v35 =	vld [tilespmem:s14+$0x6170]  }
0x169: {  	[tilespmem:s14+$0x6100] =	vst v14;
	v13 =	vmax.f32 v13, $0.0e+00;
	v14 =	vadd.f32 v16, v36;
	v16 =	vld [tilespmem:s14+$0x6180]  }
0x16a: {  	[tilespmem:s14+$0x6110] =	vst v13;
	v13 =	vmax.f32 v15, $0.0e+00;
	v15 =	vadd.f32 v17, v37;
	v17 =	vld [tilespmem:s14+$0x6190]  }
0x16b: {  	[tilespmem:s14+$0x6120] =	vst v13;
	v13 =	vmax.f32 v14, $0.0e+00;
	v14 =	vadd.f32 v18, v33;
	v18 =	vld [tilespmem:s14+$0x61A0]  }
0x16c: {  	[tilespmem:s14+$0x6130] =	vst v13;
	v13 =	vmax.f32 v15, $0.0e+00;
	v15 =	vadd.f32 v19, v34;
	v19 =	vld [tilespmem:s14+$0x61B0]  }
0x16d: {  	[tilespmem:s14+$0x6140] =	vst v13;
	v13 =	vmax.f32 v14, $0.0e+00;
	v14 =	vadd.f32 v20, v35;
	v20 =	vld [tilespmem:s14+$0x61C0]  }
0x16e: {  	[tilespmem:s14+$0x6150] =	vst v13;
	v13 =	vmax.f32 v15, $0.0e+00;
	v15 =	vadd.f32 v21, v16;
	v16 =	vld [tilespmem:s14+$0x61D0]  }
0x16f: {  	[tilespmem:s14+$0x6160] =	vst v13;
	v13 =	vmax.f32 v14, $0.0e+00;
	v14 =	vadd.f32 v22, v17;
	v17 =	vld [tilespmem:s14+$0x61E0]  }
0x170: {  	[tilespmem:s14+$0x6170] =	vst v13;
	v13 =	vmax.f32 v15, $0.0e+00;
	v15 =	vadd.f32 v23, v18;
	v18 =	vld [tilespmem:s14+$0x61F0]  }
0x171: {  	[tilespmem:s14+$0x6180] =	vst v13;
	v13 =	vmax.f32 v14, $0.0e+00;
	v14 =	vadd.f32 v24, v19;
	v19 =	vld [tilespmem:s14+$0x6200]  }
0x172: {  	[tilespmem:s14+$0x6190] =	vst v13;
	v13 =	vmax.f32 v15, $0.0e+00;
	v15 =	vadd.f32 v25, v20;
	v20 =	vld [tilespmem:s14+$0x6210]  }
0x173: {  	[tilespmem:s14+$0x61A0] =	vst v13;
	v13 =	vmax.f32 v14, $0.0e+00;
	v14 =	vadd.f32 v26, v16;
	v16 =	vld [tilespmem:s14+$0x6220]  }
0x174: {  	[tilespmem:s14+$0x61B0] =	vst v13;
	v13 =	vmax.f32 v15, $0.0e+00;
	v15 =	vadd.f32 v27, v17;
	v17 =	vld [tilespmem:s14+$0x6230]  }
0x175: {  	[tilespmem:s14+$0x61C0] =	vst v13;
	v13 =	vmax.f32 v14, $0.0e+00;
	v14 =	vadd.f32 v28, v18;
	v18 =	vld [tilespmem:s14+$0x6240]  }
0x176: {  	[tilespmem:s14+$0x61D0] =	vst v13;
	v13 =	vmax.f32 v15, $0.0e+00;
	v15 =	vadd.f32 v29, v19;
	v19 =	vld [tilespmem:s14+$0x6250]  }
0x177: {  	[tilespmem:s14+$0x61E0] =	vst v13;
	v13 =	vmax.f32 v14, $0.0e+00;
	v14 =	vadd.f32 v30, v20;
	v20 =	vld [tilespmem:s14+$0x6260]  }
0x178: {  	[tilespmem:s14+$0x61F0] =	vst v13;
	v13 =	vmax.f32 v15, $0.0e+00;
	v15 =	vadd.f32 v31, v16;
	v16 =	vld [tilespmem:s14+$0x6270]  }
0x179: {  	[tilespmem:s14+$0x6200] =	vst v13;
	v13 =	vmax.f32 v14, $0.0e+00;
	v14 =	vadd.f32 v32, v17;
	v17 =	vld [tilespmem:s14+$0x6280]  }
0x17a: {  	[tilespmem:s14+$0x6210] =	vst v13;
	v13 =	vmax.f32 v15, $0.0e+00;
	v12 =	vadd.f32 v12, v18;
	v15 =	vld [tilespmem:s14+$0x6290]  }
.Ltmp4:
0x17b: {  	[tilespmem:s14+$0x6220] =	vst v13;
	v13 =	vmax.f32 v14, $0.0e+00;
	v14 =	vadd.f32 v11, v19;
	v11 =	vld [tilespmem:s14+$0x62A0];
	(pc) =	sbr.rel @p0 .LBB2_7-.Ltmp4, $4  }
0x17c: {  	[tilespmem:s14+$0x6230] =	vst v13;
	v12 =	vmax.f32 v12, $0.0e+00;
	v13 =	vadd.f32 v10, v20;
	v10 =	vld [tilespmem:s14+$0x62B0]  }
0x17d: {  	[tilespmem:s14+$0x6240] =	vst v12;
	v12 =	vmax.f32 v14, $0.0e+00;
	v14 =	vadd.f32 v9, v16;
	v9 =	vld [tilespmem:s14+$0x62C0]  }
0x17e: {  	[tilespmem:s14+$0x6250] =	vst v12;
	v12 =	vmax.f32 v13, $0.0e+00;
	v13 =	vadd.f32 v8, v17;
	v8 =	vld [tilespmem:s14+$0x62D0]  }
0x17f: {  	s15 =	sadd.s32 $0x800, s15;
	[tilespmem:s14+$0x6260] =	vst v12;
	v14 =	vmax.f32 v14, $0.0e+00;
	v12 =	vadd.f32 v7, v15;
	v7 =	vld [tilespmem:s14+$0x62E0]  }
0x180: {  	[tilespmem:s14+$0x6270] =	vst v14;
	v13 =	vmax.f32 v13, $0.0e+00;
	v6 =	vadd.f32 v6, v11;
	v63 =	vld [tilespmem:s14+$0x62F0]  }
0x181: {  	[tilespmem:s14+$0x6280] =	vst v13;
	v12 =	vmax.f32 v12, $0.0e+00;
	v5 =	vadd.f32 v5, v10  }
0x182: {  	[tilespmem:s14+$0x6290] =	vst v12;
	v6 =	vmax.f32 v6, $0.0e+00;
	v4 =	vadd.f32 v4, v9  }
0x183: {  	[tilespmem:s14+$0x62A0] =	vst v6;
	v5 =	vmax.f32 v5, $0.0e+00;
	v3 =	vadd.f32 v3, v8  }
0x184: {  	[tilespmem:s14+$0x62B0] =	vst v5;
	v4 =	vmax.f32 v4, $0.0e+00;
	v2 =	vadd.f32 v2, v7  }
0x185: {  	[tilespmem:s14+$0x62C0] =	vst v4;
	v3 =	vmax.f32 v3, $0.0e+00;
	v1 =	vadd.f32 v1, v63  }
0x186: {  	[tilespmem:s14+$0x62D0] =	vst v3;
	v2 =	vmax.f32 v2, $0.0e+00  }
0x187: {  	[tilespmem:s14+$0x62E0] =	vst v2;
	v1 =	vmax.f32 v1, $0.0e+00  }
0x188: {  	[tilespmem:s14+$0x62F0] =	vst v1  }
0x189: {  	v1 =	vld [tilespmem:s13+$0x2040];
	_ =	sdelay $0x4  }
0x18a: {  	[tilespmem:$0x4080] =	vst v1  }
0x18b: {  	v1 =	vld [tilespmem:s13+$0x2050];
	_ =	sdelay $0x4  }
0x18c: {  	[tilespmem:$0x4090] =	vst v1  }
0x18d: {  	v1 =	vld [tilespmem:s13+$0x2060];
	_ =	sdelay $0x4  }
0x18e: {  	[tilespmem:$0x40A0] =	vst v1  }
0x18f: {  	v1 =	vld [tilespmem:s13+$0x2070]  }
0x190: {  	p0 =	seq.s32 s11, $0x3F  }
.Ltmp5:
0x191: {  	_ = 	snop;
	(pc) =	sbr.rel @p0 .LBB2_10-.Ltmp5, $3  }
0x192: {  	_ =	sdelay $0x1  }
0x193: {  	[tilespmem:$0x40B0] =	vst v1  }
0x194: {  	[spmem:s3] =	stream.indirect.scatter.add.f32 [tilespmem:s26], [sflag:$0x6], $0x80, s0, s24, $0xb8;
	[tilespmem:$0x1C100] =	vst v63  }
0x195: {  	s13 =	sadd.s32 $0x80, s12  }
0x196: {  	_ =	swait.ge [sflag:s7], $0x2000;
	s14 =	sadd.s32 s5, s13  }
0x197: {  	[sflag:s7] =	ssyncset.done $0x0;
	s14 =	sshll.u32 s14, $0x4  }
0x198: {  	[sflag:s7] =	ssyncadd.s32 $0xFFFFE000;
	s14 =	sadd.s32 s6, s14  }
0x199: {  	[tilespmem:s23], [sflag:$0x1] =	stream.linear.gather [hbm4b:s14+s4], $0x2000, $0x38;
	[tilespmem:$0x1C100] =	vst v63  }
0x19a: {  	s15 =	sadd.s32 $0xC0, s12  }
0x19b: {  	[tilespmem:s25], [sflag:$0x3] =	stream.indirect.gather [hbm4b:s1+s24], $0x80, s13, s24, $0xb8;
	[tilespmem:$0x1C100] =	vst v63  }
0x19c: {  	s17 =	sadd.s32 s5, s15;
	_ =	swait.ge [sflag:s8], $0x2000  }
.Ltmp6:
0x19d: {  	s13 =	sshll.u32 s17, $0x4;
	[sflag:s8] =	ssyncset.done $0x0;
	(pc) =	sbr.rel .LBB2_4-.Ltmp6, $4  }
0x19e: {  	s13 =	sadd.s32 s6, s13;
	[sflag:s8] =	ssyncadd.s32 $0xFFFFE000  }
0x19f: {  	[tilespmem:s26], [sflag:$0x2] =	stream.linear.gather [hbm4b:s13+s4], $0x2000, $0x38;
	[tilespmem:$0x1C100] =	vst v63  }
0x1a0: {  	s11 =	sadd.s32 $0x1, s11  }
0x1a1: {  	[tilespmem:s28], [sflag:$0x4] =	stream.indirect.gather [hbm4b:s1+s24], $0x80, s15, s24, $0xb8;
	[tilespmem:$0x1C100] =	vst v63  }
.LBB2_11:
0x1a2: {  	_ =	sfence.sel $0x180000  }
0x1a3: {  	[bflag:$0x0] =	sbarrier.arrive $0xFFFF  }
0x1a4: {  	_ =	strace $0x90000047  }
0x1a5: {  	s0 =	stileid.u32;
	[bflag:$0x2] =	sbarrier.arrive $0xFFFF  }
0x1a6: {  	p0 =	sne.s32 s0, $0x0;
	s0 =	rddreg [dreg:$0x4]  }
0x1a7: {  	s0 =	sadd.s32 @!p0 $0x100000, s0  }
0x1a8: {  	[sflag:s0] =	ssyncadd.tile.s32 @!p0 $0x1;
	_ =	shalt  }
.Lfunc_end2:
_tile_overlayer_lowered:
.L_overlay_start_2:
0x1a9: {  	(tag) =	ssettag $0x2  }
0x1aa: {  	s0 =	rddreg [dreg:$0x0];
	s2 =	stileid.u32  }
0x1ab: {  	s1 =	rddreg [dreg:$0x1];
	p0 =	sne.s32 s2, $0x0  }
0x1ac: {  	s3 =	rddreg [dreg:$0x2];
	[bflag:$0x3] =	sbarrier.arrive $0xFFFF;
	s2 =	simm.s32 @!p0 $0x1C07  }
0x1ad: {  	[timem:s3], [sflag:s2] =	dma.local @!p0 [hbm:s0], s1  }
0x1ae: {  	s0 =	simm.s32 @!p0 $0x7  }
0x1af: {  	_ =	swait.ge @!p0 [sflag:s0], s1  }
0x1b0: {  	s1 =	ssub.s32 @!p0 $0x0, s1;
	[sflag:s0] =	ssyncset.done @!p0 $0x0  }
0x1b1: {  	[sflag:s0] =	ssyncadd.s32 @!p0 s1  }
0x1b2: {  	[bflag:$0x3] =	sbarrier.arrive $0xFFFF  }
0x1b3: {  	_ =	shalt  }

</sc_bundles>
